<compile_context>
chip_gen: v7x
topology: tpu7x:2x2x1
jax: 0.10.2.dev20260603
libtpu: 0.0.44.dev20260713+nightly
codegen_flags: <defaults>
</compile_context>

<pallas_src>
import functools

import jax
import jax.numpy as jnp
from jax import lax
from jax.experimental import pallas as pl
from jax.experimental.pallas import tpu as pltpu
from jax.experimental.pallas import tpu_sc as plsc

N, E, D, DE, H = 10000, 320000, 128, 4, 128

NC, NS = 2, 16
NW = NC * NS
EPW = E // NW
CHUNK = 80
NCHUNK = EPW // CHUNK
NBUF = 4
GROUPS = (NCHUNK - 1) // NBUF
RPT = 624
RTAIL = N - NS * RPT



def _y_body(x_ref, w_ref, o_ref):
    o_ref[...] = jnp.dot(x_ref[...], w_ref[..., :D, :],
                         preferred_element_type=jnp.float32)


def _prep_body(ea_ref, w_ref, b_ref, ei_ref, t_ref, s_ref, d_ref):
    t_ref[...] = (jnp.dot(ea_ref[...], w_ref[..., D:, :],
                          preferred_element_type=jnp.float32) + b_ref[...])
    i = pl.program_id(0)
    sl = pl.ds(i * _PREP_BE, _PREP_BE)
    s_ref[sl] = ei_ref[0, sl]
    d_ref[sl] = ei_ref[1, sl]


def _upd_body(x_ref, a_ref, w_ref, b_ref, o_ref):
    agg = a_ref[0] + a_ref[1]
    h = (jnp.dot(x_ref[...], w_ref[..., :D, :],
                 preferred_element_type=jnp.float32)
         + jnp.dot(agg, w_ref[..., D:, :],
                   preferred_element_type=jnp.float32)
         + b_ref[...])
    o_ref[...] = jnp.maximum(h, 0.0) + x_ref[...]


def _tc_y(x, wm):
    bn = 2000
    return pl.pallas_call(
        _y_body,
        grid=(N // bn,),
        in_specs=[pl.BlockSpec((bn, D), lambda i: (i, 0)),
                  pl.BlockSpec((D + DE, H), lambda i: (0, 0))],
        out_specs=pl.BlockSpec((bn, H), lambda i: (i, 0)),
        out_shape=jax.ShapeDtypeStruct((N, H), jnp.float32),
    )(x, wm)


_PREP_BE = 6400


def _tc_prep(ea, wm, bm, ei):
    be = _PREP_BE
    return pl.pallas_call(
        _prep_body,
        grid=(E // be,),
        in_specs=[pl.BlockSpec((be, DE), lambda i: (i, 0)),
                  pl.BlockSpec((D + DE, H), lambda i: (0, 0)),
                  pl.BlockSpec((1, H), lambda i: (0, 0)),
                  pl.BlockSpec((2, E), lambda i: (0, 0))],
        out_specs=[pl.BlockSpec((be, H), lambda i: (i, 0)),
                   pl.BlockSpec((E,), lambda i: (0,)),
                   pl.BlockSpec((E,), lambda i: (0,))],
        out_shape=[jax.ShapeDtypeStruct((E, H), jnp.float32),
                   jax.ShapeDtypeStruct((E,), jnp.int32),
                   jax.ShapeDtypeStruct((E,), jnp.int32)],
    )(ea, wm, bm, ei)


def _tc_update(x, agg_p, wu, bu):
    bn = 2000
    return pl.pallas_call(
        _upd_body,
        grid=(N // bn,),
        in_specs=[pl.BlockSpec((bn, D), lambda i: (i, 0)),
                  pl.BlockSpec((2, bn, H), lambda i: (0, i, 0)),
                  pl.BlockSpec((D + H, D), lambda i: (0, 0)),
                  pl.BlockSpec((1, D), lambda i: (0, 0))],
        out_specs=pl.BlockSpec((bn, D), lambda i: (i, 0)),
        out_shape=jax.ShapeDtypeStruct((N, D), jnp.float32),
    )(x, agg_p, wu, bu)



def _sc_edges(src, dst, t, y):
    mesh = plsc.VectorSubcoreMesh(core_axis_name="c", subcore_axis_name="s")

    scratch = (
        [pltpu.VMEM((CHUNK,), jnp.int32) for _ in range(2 * NBUF)]
        + [pltpu.VMEM((NBUF * CHUNK, H), jnp.float32)]
        + [pltpu.SemaphoreType.DMA for _ in range(3 * NBUF)]
        + [pltpu.VMEM_SHARED((N, H), jnp.float32)]
    )

    @functools.partial(
        pl.kernel,
        mesh=mesh,
        out_type=jax.ShapeDtypeStruct((NC, N, H), jnp.float32),
        scratch_types=scratch,
    )
    def k(src_hbm, dst_hbm, t_hbm, y_hbm, out_hbm, *rest):
        idx_s = rest[0:NBUF]
        idx_d = rest[NBUF:2 * NBUF]
        mbuf = rest[2 * NBUF]
        lsem = rest[2 * NBUF + 1:2 * NBUF + 1 + NBUF]
        gsem = rest[2 * NBUF + 1 + NBUF:2 * NBUF + 1 + 2 * NBUF]
        ssem = rest[2 * NBUF + 1 + 2 * NBUF:2 * NBUF + 1 + 3 * NBUF]
        acc = rest[-1]

        cid = lax.axis_index("c")
        sid = lax.axis_index("s")
        wid = cid * NS + sid
        ebase = wid * EPW
        rbase = sid * RPT

        def msl(j):
            return mbuf.at[pl.ds(j * CHUNK, CHUNK)]

        @plsc.parallel_loop(0, NBUF * CHUNK, unroll=4)
        def _(i):
            for q in range(H // 16):
                mbuf[i, pl.ds(q * 16, 16)] = jnp.zeros((16,), jnp.float32)
        pltpu.sync_copy(mbuf.at[pl.ds(0, NBUF * CHUNK)],
                        acc.at[pl.ds(rbase, NBUF * CHUNK)])
        pltpu.sync_copy(mbuf.at[pl.ds(0, RPT - NBUF * CHUNK)],
                        acc.at[pl.ds(rbase + NBUF * CHUNK,
                                     RPT - NBUF * CHUNK)])

        @pl.when(sid == 0)
        def _():
            pltpu.sync_copy(mbuf.at[pl.ds(0, RTAIL)],
                            acc.at[pl.ds(NS * RPT, RTAIL)])
        plsc.subcore_barrier()

        def issue_loads(c, j):
            base = ebase + c * CHUNK
            pltpu.async_copy(src_hbm.at[pl.ds(base, CHUNK)], idx_s[j], lsem[j])
            pltpu.async_copy(dst_hbm.at[pl.ds(base, CHUNK)], idx_d[j], lsem[j])
            pltpu.async_copy(t_hbm.at[pl.ds(base, CHUNK)], msl(j), lsem[j])

        def wait_loads(c, j):
            base = ebase + c * CHUNK
            pltpu.make_async_copy(src_hbm.at[pl.ds(base, CHUNK)], idx_s[j],
                                  lsem[j]).wait()
            pltpu.make_async_copy(dst_hbm.at[pl.ds(base, CHUNK)], idx_d[j],
                                  lsem[j]).wait()
            pltpu.make_async_copy(t_hbm.at[pl.ds(base, CHUNK)], msl(j),
                                  lsem[j]).wait()

        def relu_buf(j):
            br = j * CHUNK

            @plsc.parallel_loop(0, CHUNK, unroll=4)
            def _(e):
                for q in range(H // 16):
                    sl = pl.ds(q * 16, 16)
                    mbuf[br + e, sl] = jnp.maximum(mbuf[br + e, sl], 0.0)

        for j in range(NBUF):
            issue_loads(j, j)

        def group(i, _):
            gathers = []
            for j in range(NBUF):
                wait_loads(i * NBUF + j, j)
                gathers.append(
                    pltpu.async_copy(y_hbm.at[idx_s[j]], msl(j), gsem[j],
                                     add=True))
            scatters = []
            for j in range(NBUF):
                gathers[j].wait()
                relu_buf(j)
                scatters.append(
                    pltpu.async_copy(msl(j), acc.at[idx_d[j]], ssem[j],
                                     add=True))
            for j in range(NBUF):
                scatters[j].wait()

                @pl.when(i < GROUPS - 1)
                def _(j=j):
                    issue_loads((i + 1) * NBUF + j, j)

                if j == 0:
                    @pl.when(i == GROUPS - 1)
                    def _():
                        issue_loads(NCHUNK - 1, 0)
            return 0
        lax.fori_loop(0, GROUPS, group, 0)

        wait_loads(NCHUNK - 1, 0)
        pltpu.async_copy(y_hbm.at[idx_s[0]], msl(0), gsem[0], add=True).wait()
        relu_buf(0)
        pltpu.async_copy(msl(0), acc.at[idx_d[0]], ssem[0], add=True).wait()

        plsc.subcore_barrier()
        pltpu.sync_copy(acc.at[pl.ds(rbase, RPT)],
                        out_hbm.at[cid, pl.ds(rbase, RPT)])

        @pl.when(sid == 0)
        def _():
            pltpu.sync_copy(acc.at[pl.ds(NS * RPT, RTAIL)],
                            out_hbm.at[cid, pl.ds(NS * RPT, RTAIL)])

    return k(src, dst, t, y)


def kernel(x, edge_index, edge_attr, W_msg, b_msg, W_upd, b_upd):
    bm = b_msg.reshape(1, H)
    bu = b_upd.reshape(1, D)

    y = _tc_y(x, W_msg)
    t, src, dst = _tc_prep(edge_attr, W_msg, bm, edge_index)
    agg_p = _sc_edges(src, dst, t, y)
    return _tc_update(x, agg_p, W_upd, bu)

# --- scband reference (transcript-rebuilt; emitter-appended) ---
"""Pipeline reference for scband-dual-mesh-model-90305982366365 (READ-ONLY COPY).

The authoritative reference and input builder live on the scoring server;
editing this copy changes nothing except your own understanding.
"""

import jax, jax.numpy as jnp
import numpy as np

N, E, D, DE, H = 10000, 320000, 128, 4, 128

def setup_inputs(seed: int = 0) -> dict:
    key = jax.random.key(seed)
    ks = jax.random.split(key, 8)
    x = jax.random.normal(ks[0], (N, D), dtype=jnp.float32)
    edge_index = jax.random.randint(ks[1], (2, E), 0, N, dtype=jnp.int32)
    edge_attr = jax.random.normal(ks[2], (E, DE), dtype=jnp.float32)
    # learned parameters (message MLP and update MLP of the cross-message layer)
    W_msg = jax.random.normal(ks[3], (D + DE, H), dtype=jnp.float32) * (1.0 / np.sqrt(D + DE))
    b_msg = jnp.zeros((H,), dtype=jnp.float32)
    W_upd = jax.random.normal(ks[4], (D + H, D), dtype=jnp.float32) * (1.0 / np.sqrt(D + H))
    b_upd = jnp.zeros((D,), dtype=jnp.float32)
    return {"x": x, "edge_index": edge_index, "edge_attr": edge_attr,
            "W_msg": W_msg, "b_msg": b_msg, "W_upd": W_upd, "b_upd": b_upd}

def reference(x, edge_index, edge_attr, W_msg, b_msg, W_upd, b_upd):
    src = edge_index[0]
    dst = edge_index[1]
    # message: gather sender node features, concat edge features, MLP
    x_src = jnp.take(x, src, axis=0)                       # [E, D] gather
    m_in = jnp.concatenate([x_src, edge_attr], axis=-1)    # [E, D+DE]
    m = jax.nn.relu(m_in @ W_msg + b_msg)                  # [E, H]
    # aggregate: scatter-add messages to receiver nodes
    agg = jax.ops.segment_sum(m, dst, num_segments=x.shape[0])  # [N, H]
    # node update MLP with residual connection
    u_in = jnp.concatenate([x, agg], axis=-1)              # [N, D+H]
    out = jax.nn.relu(u_in @ W_upd + b_upd) + x            # [N, D]
    return out

if __name__ == "__main__":
    import jax
    _d = setup_inputs()
    print(jax.jit(kernel)(*tuple(_d.values())))

</pallas_src>

<mosaic_0001>
#map = affine_map<(d0, d1) -> (0)>
#map1 = affine_map<(d0, d1) -> (0, 0)>
#map2 = affine_map<(d0, d1) -> (0, 0, 0)>
module attributes {stable_mosaic.version = 14 : i64} {
  func.func @k(%arg0: i32, %arg1: i32, %arg2: memref<320000xi32, #tpu.memory_space<hbm>>, %arg3: memref<320000xi32, #tpu.memory_space<hbm>>, %arg4: memref<320000x128xf32, #tpu.memory_space<hbm>>, %arg5: memref<10000x128xf32, #tpu.memory_space<hbm>>, %arg6: memref<2x10000x128xf32, #tpu.memory_space<hbm>>, %arg7: memref<80xi32, #tpu.memory_space<vmem>>, %arg8: memref<80xi32, #tpu.memory_space<vmem>>, %arg9: memref<80xi32, #tpu.memory_space<vmem>>, %arg10: memref<80xi32, #tpu.memory_space<vmem>>, %arg11: memref<80xi32, #tpu.memory_space<vmem>>, %arg12: memref<80xi32, #tpu.memory_space<vmem>>, %arg13: memref<80xi32, #tpu.memory_space<vmem>>, %arg14: memref<80xi32, #tpu.memory_space<vmem>>, %arg15: memref<320x128xf32, #tpu.memory_space<vmem>>, %arg16: memref<!tpu.dma_semaphore, #tpu.memory_space<semaphore_mem>>, %arg17: memref<!tpu.dma_semaphore, #tpu.memory_space<semaphore_mem>>, %arg18: memref<!tpu.dma_semaphore, #tpu.memory_space<semaphore_mem>>, %arg19: memref<!tpu.dma_semaphore, #tpu.memory_space<semaphore_mem>>, %arg20: memref<!tpu.dma_semaphore, #tpu.memory_space<semaphore_mem>>, %arg21: memref<!tpu.dma_semaphore, #tpu.memory_space<semaphore_mem>>, %arg22: memref<!tpu.dma_semaphore, #tpu.memory_space<semaphore_mem>>, %arg23: memref<!tpu.dma_semaphore, #tpu.memory_space<semaphore_mem>>, %arg24: memref<!tpu.dma_semaphore, #tpu.memory_space<semaphore_mem>>, %arg25: memref<!tpu.dma_semaphore, #tpu.memory_space<semaphore_mem>>, %arg26: memref<!tpu.dma_semaphore, #tpu.memory_space<semaphore_mem>>, %arg27: memref<!tpu.dma_semaphore, #tpu.memory_space<semaphore_mem>>, %arg28: memref<10000x128xf32, #tpu.memory_space<vmem_shared>>) attributes {dimension_semantics = [#tpu.dimension_semantics<core_parallel>, #tpu.dimension_semantics<subcore_parallel>], iteration_bounds = array<i64: 2, 16>, scalar_prefetch = 0 : i64, scratch_operands = 22 : i64, tpu.core_type = #tpu.core_type<sc_vector_subcore>, window_params = [{transform_indices = #map}, {transform_indices = #map}, {transform_indices = #map1}, {transform_indices = #map1}, {transform_indices = #map2}]} {
    %mul3A = arith.constant 16 : i32
    %mul3A_0 = arith.muli %arg0, %mul3A : i32
    %add3A = arith.addi %mul3A_0, %arg1 : i32
    %mul3A_1 = arith.constant 10000 : i32
    %mul3A_2 = arith.muli %add3A, %mul3A_1 : i32
    %mul3A_3 = arith.constant 624 : i32
    %mul3A_4 = arith.muli %arg1, %mul3A_3 : i32
    %parallel_loop3A = arith.constant 0 : i32
    %parallel_loop3A_5 = arith.constant 320 : i32
    %parallel_loop3A_6 = arith.constant 1 : i32
    scf.for %parallel_loop3A_128 = %parallel_loop3A to %parallel_loop3A_5 step %parallel_loop3A_6  : i32 {
      %parallel_loop3A_129 = arith.constant 0.000000e+00 : f32
      %parallel_loop3A_130 = vector.broadcast %parallel_loop3A_129 : f32 to vector<16xf32>
      %parallel_loop3A_131 = arith.index_cast %parallel_loop3A_128 : i32 to index
      %parallel_loop3A_132 = arith.constant 0 : index
      %parallel_loop3A_133 = tpu.vector_load %arg15[%parallel_loop3A_131, %parallel_loop3A_132] {strides = array<i32>} : memref<320x128xf32, #tpu.memory_space<vmem>>, vector<1x16xf32>,
      %parallel_loop3A_134 = vector.shape_cast %parallel_loop3A_133 : vector<1x16xf32> to vector<16xf32>
      %parallel_loop3A_135 = vector.shape_cast %parallel_loop3A_130 : vector<16xf32> to vector<1x16xf32>
      tpu.vector_store %arg15[%parallel_loop3A_131, %parallel_loop3A_132], %parallel_loop3A_135 {strides = array<i32>} : memref<320x128xf32, #tpu.memory_space<vmem>>, vector<1x16xf32>,
      %parallel_loop3A_136 = arith.constant 0.000000e+00 : f32
      %parallel_loop3A_137 = vector.broadcast %parallel_loop3A_136 : f32 to vector<16xf32>
      %parallel_loop3A_138 = arith.index_cast %parallel_loop3A_128 : i32 to index
      %parallel_loop3A_139 = arith.constant 16 : index
      %parallel_loop3A_140 = tpu.vector_load %arg15[%parallel_loop3A_138, %parallel_loop3A_139] {strides = array<i32>} : memref<320x128xf32, #tpu.memory_space<vmem>>, vector<1x16xf32>,
      %parallel_loop3A_141 = vector.shape_cast %parallel_loop3A_140 : vector<1x16xf32> to vector<16xf32>
      %parallel_loop3A_142 = vector.shape_cast %parallel_loop3A_137 : vector<16xf32> to vector<1x16xf32>
      tpu.vector_store %arg15[%parallel_loop3A_138, %parallel_loop3A_139], %parallel_loop3A_142 {strides = array<i32>} : memref<320x128xf32, #tpu.memory_space<vmem>>, vector<1x16xf32>,
      %parallel_loop3A_143 = arith.constant 0.000000e+00 : f32
      %parallel_loop3A_144 = vector.broadcast %parallel_loop3A_143 : f32 to vector<16xf32>
      %parallel_loop3A_145 = arith.index_cast %parallel_loop3A_128 : i32 to index
      %parallel_loop3A_146 = arith.constant 32 : index
      %parallel_loop3A_147 = tpu.vector_load %arg15[%parallel_loop3A_145, %parallel_loop3A_146] {strides = array<i32>} : memref<320x128xf32, #tpu.memory_space<vmem>>, vector<1x16xf32>,
      %parallel_loop3A_148 = vector.shape_cast %parallel_loop3A_147 : vector<1x16xf32> to vector<16xf32>
      %parallel_loop3A_149 = vector.shape_cast %parallel_loop3A_144 : vector<16xf32> to vector<1x16xf32>
      tpu.vector_store %arg15[%parallel_loop3A_145, %parallel_loop3A_146], %parallel_loop3A_149 {strides = array<i32>} : memref<320x128xf32, #tpu.memory_space<vmem>>, vector<1x16xf32>,
      %parallel_loop3A_150 = arith.constant 0.000000e+00 : f32
      %parallel_loop3A_151 = vector.broadcast %parallel_loop3A_150 : f32 to vector<16xf32>
      %parallel_loop3A_152 = arith.index_cast %parallel_loop3A_128 : i32 to index
      %parallel_loop3A_153 = arith.constant 48 : index
      %parallel_loop3A_154 = tpu.vector_load %arg15[%parallel_loop3A_152, %parallel_loop3A_153] {strides = array<i32>} : memref<320x128xf32, #tpu.memory_space<vmem>>, vector<1x16xf32>,
      %parallel_loop3A_155 = vector.shape_cast %parallel_loop3A_154 : vector<1x16xf32> to vector<16xf32>
      %parallel_loop3A_156 = vector.shape_cast %parallel_loop3A_151 : vector<16xf32> to vector<1x16xf32>
      tpu.vector_store %arg15[%parallel_loop3A_152, %parallel_loop3A_153], %parallel_loop3A_156 {strides = array<i32>} : memref<320x128xf32, #tpu.memory_space<vmem>>, vector<1x16xf32>,
      %parallel_loop3A_157 = arith.constant 0.000000e+00 : f32
      %parallel_loop3A_158 = vector.broadcast %parallel_loop3A_157 : f32 to vector<16xf32>
      %parallel_loop3A_159 = arith.index_cast %parallel_loop3A_128 : i32 to index
      %parallel_loop3A_160 = arith.constant 64 : index
      %parallel_loop3A_161 = tpu.vector_load %arg15[%parallel_loop3A_159, %parallel_loop3A_160] {strides = array<i32>} : memref<320x128xf32, #tpu.memory_space<vmem>>, vector<1x16xf32>,
      %parallel_loop3A_162 = vector.shape_cast %parallel_loop3A_161 : vector<1x16xf32> to vector<16xf32>
      %parallel_loop3A_163 = vector.shape_cast %parallel_loop3A_158 : vector<16xf32> to vector<1x16xf32>
      tpu.vector_store %arg15[%parallel_loop3A_159, %parallel_loop3A_160], %parallel_loop3A_163 {strides = array<i32>} : memref<320x128xf32, #tpu.memory_space<vmem>>, vector<1x16xf32>,
      %parallel_loop3A_164 = arith.constant 0.000000e+00 : f32
      %parallel_loop3A_165 = vector.broadcast %parallel_loop3A_164 : f32 to vector<16xf32>
      %parallel_loop3A_166 = arith.index_cast %parallel_loop3A_128 : i32 to index
      %parallel_loop3A_167 = arith.constant 80 : index
      %parallel_loop3A_168 = tpu.vector_load %arg15[%parallel_loop3A_166, %parallel_loop3A_167] {strides = array<i32>} : memref<320x128xf32, #tpu.memory_space<vmem>>, vector<1x16xf32>,
      %parallel_loop3A_169 = vector.shape_cast %parallel_loop3A_168 : vector<1x16xf32> to vector<16xf32>
      %parallel_loop3A_170 = vector.shape_cast %parallel_loop3A_165 : vector<16xf32> to vector<1x16xf32>
      tpu.vector_store %arg15[%parallel_loop3A_166, %parallel_loop3A_167], %parallel_loop3A_170 {strides = array<i32>} : memref<320x128xf32, #tpu.memory_space<vmem>>, vector<1x16xf32>,
      %parallel_loop3A_171 = arith.constant 0.000000e+00 : f32
      %parallel_loop3A_172 = vector.broadcast %parallel_loop3A_171 : f32 to vector<16xf32>
      %parallel_loop3A_173 = arith.index_cast %parallel_loop3A_128 : i32 to index
      %parallel_loop3A_174 = arith.constant 96 : index
      %parallel_loop3A_175 = tpu.vector_load %arg15[%parallel_loop3A_173, %parallel_loop3A_174] {strides = array<i32>} : memref<320x128xf32, #tpu.memory_space<vmem>>, vector<1x16xf32>,
      %parallel_loop3A_176 = vector.shape_cast %parallel_loop3A_175 : vector<1x16xf32> to vector<16xf32>
      %parallel_loop3A_177 = vector.shape_cast %parallel_loop3A_172 : vector<16xf32> to vector<1x16xf32>
      tpu.vector_store %arg15[%parallel_loop3A_173, %parallel_loop3A_174], %parallel_loop3A_177 {strides = array<i32>} : memref<320x128xf32, #tpu.memory_space<vmem>>, vector<1x16xf32>,
      %parallel_loop3A_178 = arith.constant 0.000000e+00 : f32
      %parallel_loop3A_179 = vector.broadcast %parallel_loop3A_178 : f32 to vector<16xf32>
      %parallel_loop3A_180 = arith.index_cast %parallel_loop3A_128 : i32 to index
      %parallel_loop3A_181 = arith.constant 112 : index
      %parallel_loop3A_182 = tpu.vector_load %arg15[%parallel_loop3A_180, %parallel_loop3A_181] {strides = array<i32>} : memref<320x128xf32, #tpu.memory_space<vmem>>, vector<1x16xf32>,
      %parallel_loop3A_183 = vector.shape_cast %parallel_loop3A_182 : vector<1x16xf32> to vector<16xf32>
      %parallel_loop3A_184 = vector.shape_cast %parallel_loop3A_179 : vector<16xf32> to vector<1x16xf32>
      tpu.vector_store %arg15[%parallel_loop3A_180, %parallel_loop3A_181], %parallel_loop3A_184 {strides = array<i32>} : memref<320x128xf32, #tpu.memory_space<vmem>>, vector<1x16xf32>,
    } {sc.loop_unroll_factor = 4 : i64, sc.parallel_access}
    "tpu.region"() ({
      %run_scoped3A = tpu.sem_alloc : memref<!tpu.dma_semaphore, #tpu.memory_space<semaphore_mem>>
      %dma_start3A_128 = arith.constant 0 : i32
      %dma_start3A_129 = arith.constant 0 : i32
      %dma_start3A_130 = tpu.memref_slice %arg15[%dma_start3A_128, %dma_start3A_129] : memref<320x128xf32, #tpu.memory_space<vmem>> -> memref<320x128xf32, #tpu.memory_space<vmem>>
      %dma_start3A_131 = arith.constant 0 : i32
      %dma_start3A_132 = tpu.memref_slice %arg28[%mul3A_4, %dma_start3A_131] : memref<10000x128xf32, #tpu.memory_space<vmem_shared>> -> memref<320x128xf32, #tpu.memory_space<vmem_shared>>
      %dma_start3A_133 = arith.constant 0 : i32
      %dma_start3A_134 = tpu.memref_slice %arg28[%mul3A_4, %dma_start3A_133] : memref<10000x128xf32, #tpu.memory_space<vmem_shared>> -> memref<320x128xf32, #tpu.memory_space<vmem_shared>>
      %dma_start3A_135 = arith.constant 0 : i32
      %dma_start3A_136 = arith.constant 0 : i32
      %dma_start3A_137 = tpu.memref_slice %arg15[%dma_start3A_135, %dma_start3A_136] : memref<320x128xf32, #tpu.memory_space<vmem>> -> memref<320x128xf32, #tpu.memory_space<vmem>>
      tpu.enqueue_dma source(%dma_start3A_137 : memref<320x128xf32, #tpu.memory_space<vmem>>) target(%dma_start3A_134 : memref<320x128xf32, #tpu.memory_space<vmem_shared>>) target_semaphore(%run_scoped3A : memref<!tpu.dma_semaphore, #tpu.memory_space<semaphore_mem>>)
      %dma_wait3A_138 = arith.constant 0 : i32
      %dma_wait3A_139 = arith.constant 0 : i32
      %dma_wait3A_140 = tpu.memref_slice %arg15[%dma_wait3A_138, %dma_wait3A_139] : memref<320x128xf32, #tpu.memory_space<vmem>> -> memref<320x128xf32, #tpu.memory_space<vmem>>
      %dma_wait3A_141 = arith.constant 0 : i32
      %dma_wait3A_142 = tpu.memref_slice %arg28[%mul3A_4, %dma_wait3A_141] : memref<10000x128xf32, #tpu.memory_space<vmem_shared>> -> memref<320x128xf32, #tpu.memory_space<vmem_shared>>
      %dma_wait3A_143 = arith.constant 0 : i32
      %dma_wait3A_144 = tpu.memref_slice %arg28[%mul3A_4, %dma_wait3A_143] : memref<10000x128xf32, #tpu.memory_space<vmem_shared>> -> memref<320x128xf32, #tpu.memory_space<vmem_shared>>
      %dma_wait3A_145 = arith.constant 0 : i32
      %dma_wait3A_146 = arith.constant 0 : i32
      %dma_wait3A_147 = tpu.memref_slice %arg15[%dma_wait3A_145, %dma_wait3A_146] : memref<320x128xf32, #tpu.memory_space<vmem>> -> memref<320x128xf32, #tpu.memory_space<vmem>>
      tpu.wait_dma2 semaphore(%run_scoped3A : memref<!tpu.dma_semaphore, #tpu.memory_space<semaphore_mem>>) src(%dma_wait3A_147 : memref<320x128xf32, #tpu.memory_space<vmem>>) dst(%dma_wait3A_144 : memref<320x128xf32, #tpu.memory_space<vmem_shared>>)
      tpu.yield
    }) : () -> ()
    %add3A_7 = arith.constant 320 : i32
    %add3A_8 = arith.addi %mul3A_4, %add3A_7 : i32
    "tpu.region"() ({
      %run_scoped3A = tpu.sem_alloc : memref<!tpu.dma_semaphore, #tpu.memory_space<semaphore_mem>>
      %dma_start3A_128 = arith.constant 0 : i32
      %dma_start3A_129 = arith.constant 0 : i32
      %dma_start3A_130 = tpu.memref_slice %arg15[%dma_start3A_128, %dma_start3A_129] : memref<320x128xf32, #tpu.memory_space<vmem>> -> memref<304x128xf32, #tpu.memory_space<vmem>>
      %dma_start3A_131 = arith.constant 0 : i32
      %dma_start3A_132 = tpu.memref_slice %arg28[%add3A_8, %dma_start3A_131] : memref<10000x128xf32, #tpu.memory_space<vmem_shared>> -> memref<304x128xf32, #tpu.memory_space<vmem_shared>>
      %dma_start3A_133 = arith.constant 0 : i32
      %dma_start3A_134 = tpu.memref_slice %arg28[%add3A_8, %dma_start3A_133] : memref<10000x128xf32, #tpu.memory_space<vmem_shared>> -> memref<304x128xf32, #tpu.memory_space<vmem_shared>>
      %dma_start3A_135 = arith.constant 0 : i32
      %dma_start3A_136 = arith.constant 0 : i32
      %dma_start3A_137 = tpu.memref_slice %arg15[%dma_start3A_135, %dma_start3A_136] : memref<320x128xf32, #tpu.memory_space<vmem>> -> memref<304x128xf32, #tpu.memory_space<vmem>>
      tpu.enqueue_dma source(%dma_start3A_137 : memref<304x128xf32, #tpu.memory_space<vmem>>) target(%dma_start3A_134 : memref<304x128xf32, #tpu.memory_space<vmem_shared>>) target_semaphore(%run_scoped3A : memref<!tpu.dma_semaphore, #tpu.memory_space<semaphore_mem>>)
      %dma_wait3A_138 = arith.constant 0 : i32
      %dma_wait3A_139 = arith.constant 0 : i32
      %dma_wait3A_140 = tpu.memref_slice %arg15[%dma_wait3A_138, %dma_wait3A_139] : memref<320x128xf32, #tpu.memory_space<vmem>> -> memref<304x128xf32, #tpu.memory_space<vmem>>
      %dma_wait3A_141 = arith.constant 0 : i32
      %dma_wait3A_142 = tpu.memref_slice %arg28[%add3A_8, %dma_wait3A_141] : memref<10000x128xf32, #tpu.memory_space<vmem_shared>> -> memref<304x128xf32, #tpu.memory_space<vmem_shared>>
      %dma_wait3A_143 = arith.constant 0 : i32
      %dma_wait3A_144 = tpu.memref_slice %arg28[%add3A_8, %dma_wait3A_143] : memref<10000x128xf32, #tpu.memory_space<vmem_shared>> -> memref<304x128xf32, #tpu.memory_space<vmem_shared>>
      %dma_wait3A_145 = arith.constant 0 : i32
      %dma_wait3A_146 = arith.constant 0 : i32
      %dma_wait3A_147 = tpu.memref_slice %arg15[%dma_wait3A_145, %dma_wait3A_146] : memref<320x128xf32, #tpu.memory_space<vmem>> -> memref<304x128xf32, #tpu.memory_space<vmem>>
      tpu.wait_dma2 semaphore(%run_scoped3A : memref<!tpu.dma_semaphore, #tpu.memory_space<semaphore_mem>>) src(%dma_wait3A_147 : memref<304x128xf32, #tpu.memory_space<vmem>>) dst(%dma_wait3A_144 : memref<304x128xf32, #tpu.memory_space<vmem_shared>>)
      tpu.yield
    }) : () -> ()
    %eq3A = arith.constant 0 : i32
    %eq3A_9 = arith.cmpi eq, %arg1, %eq3A : i32
    %convert_element_type3A = arith.extui %eq3A_9 : i1 to i32
    %cond3A = arith.constant 0 : i32
    %cond3A_10 = arith.cmpi ne, %convert_element_type3A, %cond3A : i32
    scf.if %cond3A_10 {
      "tpu.region"() ({
        %run_scoped3A = tpu.sem_alloc : memref<!tpu.dma_semaphore, #tpu.memory_space<semaphore_mem>>
        %dma_start3A_128 = arith.constant 0 : i32
        %dma_start3A_129 = arith.constant 0 : i32
        %dma_start3A_130 = tpu.memref_slice %arg15[%dma_start3A_128, %dma_start3A_129] : memref<320x128xf32, #tpu.memory_space<vmem>> -> memref<16x128xf32, #tpu.memory_space<vmem>>
        %dma_start3A_131 = arith.constant 9984 : i32
        %dma_start3A_132 = arith.constant 0 : i32
        %dma_start3A_133 = tpu.memref_slice %arg28[%dma_start3A_131, %dma_start3A_132] : memref<10000x128xf32, #tpu.memory_space<vmem_shared>> -> memref<16x128xf32, #tpu.memory_space<vmem_shared>>
        %dma_start3A_134 = arith.constant 9984 : i32
        %dma_start3A_135 = arith.constant 0 : i32
        %dma_start3A_136 = tpu.memref_slice %arg28[%dma_start3A_134, %dma_start3A_135] : memref<10000x128xf32, #tpu.memory_space<vmem_shared>> -> memref<16x128xf32, #tpu.memory_space<vmem_shared>>
        %dma_start3A_137 = arith.constant 0 : i32
        %dma_start3A_138 = arith.constant 0 : i32
        %dma_start3A_139 = tpu.memref_slice %arg15[%dma_start3A_137, %dma_start3A_138] : memref<320x128xf32, #tpu.memory_space<vmem>> -> memref<16x128xf32, #tpu.memory_space<vmem>>
        tpu.enqueue_dma source(%dma_start3A_139 : memref<16x128xf32, #tpu.memory_space<vmem>>) target(%dma_start3A_136 : memref<16x128xf32, #tpu.memory_space<vmem_shared>>) target_semaphore(%run_scoped3A : memref<!tpu.dma_semaphore, #tpu.memory_space<semaphore_mem>>)
        %dma_wait3A_140 = arith.constant 0 : i32
        %dma_wait3A_141 = arith.constant 0 : i32
        %dma_wait3A_142 = tpu.memref_slice %arg15[%dma_wait3A_140, %dma_wait3A_141] : memref<320x128xf32, #tpu.memory_space<vmem>> -> memref<16x128xf32, #tpu.memory_space<vmem>>
        %dma_wait3A_143 = arith.constant 9984 : i32
        %dma_wait3A_144 = arith.constant 0 : i32
        %dma_wait3A_145 = tpu.memref_slice %arg28[%dma_wait3A_143, %dma_wait3A_144] : memref<10000x128xf32, #tpu.memory_space<vmem_shared>> -> memref<16x128xf32, #tpu.memory_space<vmem_shared>>
        %dma_wait3A_146 = arith.constant 9984 : i32
        %dma_wait3A_147 = arith.constant 0 : i32
        %dma_wait3A_148 = tpu.memref_slice %arg28[%dma_wait3A_146, %dma_wait3A_147] : memref<10000x128xf32, #tpu.memory_space<vmem_shared>> -> memref<16x128xf32, #tpu.memory_space<vmem_shared>>
        %dma_wait3A_149 = arith.constant 0 : i32
        %dma_wait3A_150 = arith.constant 0 : i32
        %dma_wait3A_151 = tpu.memref_slice %arg15[%dma_wait3A_149, %dma_wait3A_150] : memref<320x128xf32, #tpu.memory_space<vmem>> -> memref<16x128xf32, #tpu.memory_space<vmem>>
        tpu.wait_dma2 semaphore(%run_scoped3A : memref<!tpu.dma_semaphore, #tpu.memory_space<semaphore_mem>>) src(%dma_wait3A_151 : memref<16x128xf32, #tpu.memory_space<vmem>>) dst(%dma_wait3A_148 : memref<16x128xf32, #tpu.memory_space<vmem_shared>>)
        tpu.yield
      }) : () -> ()
    } else {
    }
    %barrier3A = arith.constant 0 : index
    tpu.barrier barrier_id(%barrier3A)
    %add3A_11 = arith.constant 0 : i32
    %add3A_12 = arith.addi %mul3A_2, %add3A_11 : i32
    %dma_start3A = tpu.memref_slice %arg2[%add3A_12] : memref<320000xi32, #tpu.memory_space<hbm>> -> memref<80xi32, #tpu.memory_space<hbm>>
    %dma_start3A_13 = tpu.memref_slice %arg2[%add3A_12] : memref<320000xi32, #tpu.memory_space<hbm>> -> memref<80xi32, #tpu.memory_space<hbm>>
    tpu.enqueue_dma source(%dma_start3A_13 : memref<80xi32, #tpu.memory_space<hbm>>) target(%arg7 : memref<80xi32, #tpu.memory_space<vmem>>) target_semaphore(%arg16 : memref<!tpu.dma_semaphore, #tpu.memory_space<semaphore_mem>>)
    %dma_start3A_14 = tpu.memref_slice %arg3[%add3A_12] : memref<320000xi32, #tpu.memory_space<hbm>> -> memref<80xi32, #tpu.memory_space<hbm>>
    %dma_start3A_15 = tpu.memref_slice %arg3[%add3A_12] : memref<320000xi32, #tpu.memory_space<hbm>> -> memref<80xi32, #tpu.memory_space<hbm>>
    tpu.enqueue_dma source(%dma_start3A_15 : memref<80xi32, #tpu.memory_space<hbm>>) target(%arg11 : memref<80xi32, #tpu.memory_space<vmem>>) target_semaphore(%arg16 : memref<!tpu.dma_semaphore, #tpu.memory_space<semaphore_mem>>)
    %dma_start3A_16 = arith.constant 0 : i32
    %dma_start3A_17 = arith.constant 0 : i32
    %dma_start3A_18 = tpu.memref_slice %arg15[%dma_start3A_16, %dma_start3A_17] : memref<320x128xf32, #tpu.memory_space<vmem>> -> memref<80x128xf32, #tpu.memory_space<vmem>>
    %dma_start3A_19 = arith.constant 0 : i32
    %dma_start3A_20 = tpu.memref_slice %arg4[%add3A_12, %dma_start3A_19] : memref<320000x128xf32, #tpu.memory_space<hbm>> -> memref<80x128xf32, #tpu.memory_space<hbm>>
    %dma_start3A_21 = arith.constant 0 : i32
    %dma_start3A_22 = arith.constant 0 : i32
    %dma_start3A_23 = tpu.memref_slice %arg15[%dma_start3A_21, %dma_start3A_22] : memref<320x128xf32, #tpu.memory_space<vmem>> -> memref<80x128xf32, #tpu.memory_space<vmem>>
    %dma_start3A_24 = arith.constant 0 : i32
    %dma_start3A_25 = tpu.memref_slice %arg4[%add3A_12, %dma_start3A_24] : memref<320000x128xf32, #tpu.memory_space<hbm>> -> memref<80x128xf32, #tpu.memory_space<hbm>>
    tpu.enqueue_dma source(%dma_start3A_25 : memref<80x128xf32, #tpu.memory_space<hbm>>) target(%dma_start3A_23 : memref<80x128xf32, #tpu.memory_space<vmem>>) target_semaphore(%arg16 : memref<!tpu.dma_semaphore, #tpu.memory_space<semaphore_mem>>)
    %add3A_26 = arith.constant 80 : i32
    %add3A_27 = arith.addi %mul3A_2, %add3A_26 : i32
    %dma_start3A_28 = tpu.memref_slice %arg2[%add3A_27] : memref<320000xi32, #tpu.memory_space<hbm>> -> memref<80xi32, #tpu.memory_space<hbm>>
    %dma_start3A_29 = tpu.memref_slice %arg2[%add3A_27] : memref<320000xi32, #tpu.memory_space<hbm>> -> memref<80xi32, #tpu.memory_space<hbm>>
    tpu.enqueue_dma source(%dma_start3A_29 : memref<80xi32, #tpu.memory_space<hbm>>) target(%arg8 : memref<80xi32, #tpu.memory_space<vmem>>) target_semaphore(%arg17 : memref<!tpu.dma_semaphore, #tpu.memory_space<semaphore_mem>>)
    %dma_start3A_30 = tpu.memref_slice %arg3[%add3A_27] : memref<320000xi32, #tpu.memory_space<hbm>> -> memref<80xi32, #tpu.memory_space<hbm>>
    %dma_start3A_31 = tpu.memref_slice %arg3[%add3A_27] : memref<320000xi32, #tpu.memory_space<hbm>> -> memref<80xi32, #tpu.memory_space<hbm>>
    tpu.enqueue_dma source(%dma_start3A_31 : memref<80xi32, #tpu.memory_space<hbm>>) target(%arg12 : memref<80xi32, #tpu.memory_space<vmem>>) target_semaphore(%arg17 : memref<!tpu.dma_semaphore, #tpu.memory_space<semaphore_mem>>)
    %dma_start3A_32 = arith.constant 80 : i32
    %dma_start3A_33 = arith.constant 0 : i32
    %dma_start3A_34 = tpu.memref_slice %arg15[%dma_start3A_32, %dma_start3A_33] : memref<320x128xf32, #tpu.memory_space<vmem>> -> memref<80x128xf32, #tpu.memory_space<vmem>>
    %dma_start3A_35 = arith.constant 0 : i32
    %dma_start3A_36 = tpu.memref_slice %arg4[%add3A_27, %dma_start3A_35] : memref<320000x128xf32, #tpu.memory_space<hbm>> -> memref<80x128xf32, #tpu.memory_space<hbm>>
    %dma_start3A_37 = arith.constant 80 : i32
    %dma_start3A_38 = arith.constant 0 : i32
    %dma_start3A_39 = tpu.memref_slice %arg15[%dma_start3A_37, %dma_start3A_38] : memref<320x128xf32, #tpu.memory_space<vmem>> -> memref<80x128xf32, #tpu.memory_space<vmem>>
    %dma_start3A_40 = arith.constant 0 : i32
    %dma_start3A_41 = tpu.memref_slice %arg4[%add3A_27, %dma_start3A_40] : memref<320000x128xf32, #tpu.memory_space<hbm>> -> memref<80x128xf32, #tpu.memory_space<hbm>>
    tpu.enqueue_dma source(%dma_start3A_41 : memref<80x128xf32, #tpu.memory_space<hbm>>) target(%dma_start3A_39 : memref<80x128xf32, #tpu.memory_space<vmem>>) target_semaphore(%arg17 : memref<!tpu.dma_semaphore, #tpu.memory_space<semaphore_mem>>)
    %add3A_42 = arith.constant 160 : i32
    %add3A_43 = arith.addi %mul3A_2, %add3A_42 : i32
    %dma_start3A_44 = tpu.memref_slice %arg2[%add3A_43] : memref<320000xi32, #tpu.memory_space<hbm>> -> memref<80xi32, #tpu.memory_space<hbm>>
    %dma_start3A_45 = tpu.memref_slice %arg2[%add3A_43] : memref<320000xi32, #tpu.memory_space<hbm>> -> memref<80xi32, #tpu.memory_space<hbm>>
    tpu.enqueue_dma source(%dma_start3A_45 : memref<80xi32, #tpu.memory_space<hbm>>) target(%arg9 : memref<80xi32, #tpu.memory_space<vmem>>) target_semaphore(%arg18 : memref<!tpu.dma_semaphore, #tpu.memory_space<semaphore_mem>>)
    %dma_start3A_46 = tpu.memref_slice %arg3[%add3A_43] : memref<320000xi32, #tpu.memory_space<hbm>> -> memref<80xi32, #tpu.memory_space<hbm>>
    %dma_start3A_47 = tpu.memref_slice %arg3[%add3A_43] : memref<320000xi32, #tpu.memory_space<hbm>> -> memref<80xi32, #tpu.memory_space<hbm>>
    tpu.enqueue_dma source(%dma_start3A_47 : memref<80xi32, #tpu.memory_space<hbm>>) target(%arg13 : memref<80xi32, #tpu.memory_space<vmem>>) target_semaphore(%arg18 : memref<!tpu.dma_semaphore, #tpu.memory_space<semaphore_mem>>)
    %dma_start3A_48 = arith.constant 160 : i32
    %dma_start3A_49 = arith.constant 0 : i32
    %dma_start3A_50 = tpu.memref_slice %arg15[%dma_start3A_48, %dma_start3A_49] : memref<320x128xf32, #tpu.memory_space<vmem>> -> memref<80x128xf32, #tpu.memory_space<vmem>>
    %dma_start3A_51 = arith.constant 0 : i32
    %dma_start3A_52 = tpu.memref_slice %arg4[%add3A_43, %dma_start3A_51] : memref<320000x128xf32, #tpu.memory_space<hbm>> -> memref<80x128xf32, #tpu.memory_space<hbm>>
    %dma_start3A_53 = arith.constant 160 : i32
    %dma_start3A_54 = arith.constant 0 : i32
    %dma_start3A_55 = tpu.memref_slice %arg15[%dma_start3A_53, %dma_start3A_54] : memref<320x128xf32, #tpu.memory_space<vmem>> -> memref<80x128xf32, #tpu.memory_space<vmem>>
    %dma_start3A_56 = arith.constant 0 : i32
    %dma_start3A_57 = tpu.memref_slice %arg4[%add3A_43, %dma_start3A_56] : memref<320000x128xf32, #tpu.memory_space<hbm>> -> memref<80x128xf32, #tpu.memory_space<hbm>>
    tpu.enqueue_dma source(%dma_start3A_57 : memref<80x128xf32, #tpu.memory_space<hbm>>) target(%dma_start3A_55 : memref<80x128xf32, #tpu.memory_space<vmem>>) target_semaphore(%arg18 : memref<!tpu.dma_semaphore, #tpu.memory_space<semaphore_mem>>)
    %add3A_58 = arith.constant 240 : i32
    %add3A_59 = arith.addi %mul3A_2, %add3A_58 : i32
    %dma_start3A_60 = tpu.memref_slice %arg2[%add3A_59] : memref<320000xi32, #tpu.memory_space<hbm>> -> memref<80xi32, #tpu.memory_space<hbm>>
    %dma_start3A_61 = tpu.memref_slice %arg2[%add3A_59] : memref<320000xi32, #tpu.memory_space<hbm>> -> memref<80xi32, #tpu.memory_space<hbm>>
    tpu.enqueue_dma source(%dma_start3A_61 : memref<80xi32, #tpu.memory_space<hbm>>) target(%arg10 : memref<80xi32, #tpu.memory_space<vmem>>) target_semaphore(%arg19 : memref<!tpu.dma_semaphore, #tpu.memory_space<semaphore_mem>>)
    %dma_start3A_62 = tpu.memref_slice %arg3[%add3A_59] : memref<320000xi32, #tpu.memory_space<hbm>> -> memref<80xi32, #tpu.memory_space<hbm>>
    %dma_start3A_63 = tpu.memref_slice %arg3[%add3A_59] : memref<320000xi32, #tpu.memory_space<hbm>> -> memref<80xi32, #tpu.memory_space<hbm>>
    tpu.enqueue_dma source(%dma_start3A_63 : memref<80xi32, #tpu.memory_space<hbm>>) target(%arg14 : memref<80xi32, #tpu.memory_space<vmem>>) target_semaphore(%arg19 : memref<!tpu.dma_semaphore, #tpu.memory_space<semaphore_mem>>)
    %dma_start3A_64 = arith.constant 240 : i32
    %dma_start3A_65 = arith.constant 0 : i32
    %dma_start3A_66 = tpu.memref_slice %arg15[%dma_start3A_64, %dma_start3A_65] : memref<320x128xf32, #tpu.memory_space<vmem>> -> memref<80x128xf32, #tpu.memory_space<vmem>>
    %dma_start3A_67 = arith.constant 0 : i32
    %dma_start3A_68 = tpu.memref_slice %arg4[%add3A_59, %dma_start3A_67] : memref<320000x128xf32, #tpu.memory_space<hbm>> -> memref<80x128xf32, #tpu.memory_space<hbm>>
    %dma_start3A_69 = arith.constant 240 : i32
    %dma_start3A_70 = arith.constant 0 : i32
    %dma_start3A_71 = tpu.memref_slice %arg15[%dma_start3A_69, %dma_start3A_70] : memref<320x128xf32, #tpu.memory_space<vmem>> -> memref<80x128xf32, #tpu.memory_space<vmem>>
    %dma_start3A_72 = arith.constant 0 : i32
    %dma_start3A_73 = tpu.memref_slice %arg4[%add3A_59, %dma_start3A_72] : memref<320000x128xf32, #tpu.memory_space<hbm>> -> memref<80x128xf32, #tpu.memory_space<hbm>>
    tpu.enqueue_dma source(%dma_start3A_73 : memref<80x128xf32, #tpu.memory_space<hbm>>) target(%dma_start3A_71 : memref<80x128xf32, #tpu.memory_space<vmem>>) target_semaphore(%arg19 : memref<!tpu.dma_semaphore, #tpu.memory_space<semaphore_mem>>)
    %scan3A = arith.constant 0 : i32
    %scan3A_74 = arith.constant 0 : i32
    %scan3A_75 = arith.constant 31 : i32
    %scan3A_76 = arith.addi %scan3A_74, %scan3A_75 : i32
    %scan3A_77 = arith.constant 1 : i32
    %scan3A_78 = scf.for %scan3A_128 = %scan3A_74 to %scan3A_76 step %scan3A_77 iter_args(%scan3A_129 = %scan3A) -> (i32)  : i32 {
      %mul3A_130 = arith.constant 4 : i32
      %mul3A_131 = arith.muli %scan3A_128, %mul3A_130 : i32
      %add3A_132 = arith.constant 0 : i32
      %add3A_133 = arith.addi %mul3A_131, %add3A_132 : i32
      %mul3A_134 = arith.constant 80 : i32
      %mul3A_135 = arith.muli %add3A_133, %mul3A_134 : i32
      %add3A_136 = arith.addi %mul3A_2, %mul3A_135 : i32
      %dma_wait3A_137 = tpu.memref_slice %arg2[%add3A_136] : memref<320000xi32, #tpu.memory_space<hbm>> -> memref<80xi32, #tpu.memory_space<hbm>>
      %dma_wait3A_138 = tpu.memref_slice %arg2[%add3A_136] : memref<320000xi32, #tpu.memory_space<hbm>> -> memref<80xi32, #tpu.memory_space<hbm>>
      tpu.wait_dma2 semaphore(%arg16 : memref<!tpu.dma_semaphore, #tpu.memory_space<semaphore_mem>>) src(%dma_wait3A_138 : memref<80xi32, #tpu.memory_space<hbm>>) dst(%arg7 : memref<80xi32, #tpu.memory_space<vmem>>)
      %dma_wait3A_139 = tpu.memref_slice %arg3[%add3A_136] : memref<320000xi32, #tpu.memory_space<hbm>> -> memref<80xi32, #tpu.memory_space<hbm>>
      %dma_wait3A_140 = tpu.memref_slice %arg3[%add3A_136] : memref<320000xi32, #tpu.memory_space<hbm>> -> memref<80xi32, #tpu.memory_space<hbm>>
      tpu.wait_dma2 semaphore(%arg16 : memref<!tpu.dma_semaphore, #tpu.memory_space<semaphore_mem>>) src(%dma_wait3A_140 : memref<80xi32, #tpu.memory_space<hbm>>) dst(%arg11 : memref<80xi32, #tpu.memory_space<vmem>>)
      %dma_wait3A_141 = arith.constant 0 : i32
      %dma_wait3A_142 = arith.constant 0 : i32
      %dma_wait3A_143 = tpu.memref_slice %arg15[%dma_wait3A_141, %dma_wait3A_142] : memref<320x128xf32, #tpu.memory_space<vmem>> -> memref<80x128xf32, #tpu.memory_space<vmem>>
      %dma_wait3A_144 = arith.constant 0 : i32
      %dma_wait3A_145 = tpu.memref_slice %arg4[%add3A_136, %dma_wait3A_144] : memref<320000x128xf32, #tpu.memory_space<hbm>> -> memref<80x128xf32, #tpu.memory_space<hbm>>
      %dma_wait3A_146 = arith.constant 0 : i32
      %dma_wait3A_147 = arith.constant 0 : i32
      %dma_wait3A_148 = tpu.memref_slice %arg15[%dma_wait3A_146, %dma_wait3A_147] : memref<320x128xf32, #tpu.memory_space<vmem>> -> memref<80x128xf32, #tpu.memory_space<vmem>>
      %dma_wait3A_149 = arith.constant 0 : i32
      %dma_wait3A_150 = tpu.memref_slice %arg4[%add3A_136, %dma_wait3A_149] : memref<320000x128xf32, #tpu.memory_space<hbm>> -> memref<80x128xf32, #tpu.memory_space<hbm>>
      tpu.wait_dma2 semaphore(%arg16 : memref<!tpu.dma_semaphore, #tpu.memory_space<semaphore_mem>>) src(%dma_wait3A_150 : memref<80x128xf32, #tpu.memory_space<hbm>>) dst(%dma_wait3A_148 : memref<80x128xf32, #tpu.memory_space<vmem>>)
      %dma_start3A_151 = arith.constant 0 : i32
      %dma_start3A_152 = arith.constant 0 : i32
      %dma_start3A_153 = tpu.memref_slice %arg15[%dma_start3A_151, %dma_start3A_152] : memref<320x128xf32, #tpu.memory_space<vmem>> -> memref<80x128xf32, #tpu.memory_space<vmem>>
      %dma_start3A_154 = arith.constant 0 : i32
      %dma_start3A_155 = arith.constant 0 : i32
      %dma_start3A_156 = tpu.memref_slice %arg5[%dma_start3A_154, %dma_start3A_155] : memref<10000x128xf32, #tpu.memory_space<hbm>> -> memref<10000x128xf32, #tpu.memory_space<hbm>>
      tpu.enqueue_indirect_dma source(%dma_start3A_156 : memref<10000x128xf32, #tpu.memory_space<hbm>>) target(%dma_start3A_153 : memref<80x128xf32, #tpu.memory_space<vmem>>) offsets(%arg7 : memref<80xi32, #tpu.memory_space<vmem>>) semaphore(%arg20 : memref<!tpu.dma_semaphore, #tpu.memory_space<semaphore_mem>>) {add = true}
      %mul3A_157 = arith.constant 4 : i32
      %mul3A_158 = arith.muli %scan3A_128, %mul3A_157 : i32
      %add3A_159 = arith.constant 1 : i32
      %add3A_160 = arith.addi %mul3A_158, %add3A_159 : i32
      %mul3A_161 = arith.constant 80 : i32
      %mul3A_162 = arith.muli %add3A_160, %mul3A_161 : i32
      %add3A_163 = arith.addi %mul3A_2, %mul3A_162 : i32
      %dma_wait3A_164 = tpu.memref_slice %arg2[%add3A_163] : memref<320000xi32, #tpu.memory_space<hbm>> -> memref<80xi32, #tpu.memory_space<hbm>>
      %dma_wait3A_165 = tpu.memref_slice %arg2[%add3A_163] : memref<320000xi32, #tpu.memory_space<hbm>> -> memref<80xi32, #tpu.memory_space<hbm>>
      tpu.wait_dma2 semaphore(%arg17 : memref<!tpu.dma_semaphore, #tpu.memory_space<semaphore_mem>>) src(%dma_wait3A_165 : memref<80xi32, #tpu.memory_space<hbm>>) dst(%arg8 : memref<80xi32, #tpu.memory_space<vmem>>)
      %dma_wait3A_166 = tpu.memref_slice %arg3[%add3A_163] : memref<320000xi32, #tpu.memory_space<hbm>> -> memref<80xi32, #tpu.memory_space<hbm>>
      %dma_wait3A_167 = tpu.memref_slice %arg3[%add3A_163] : memref<320000xi32, #tpu.memory_space<hbm>> -> memref<80xi32, #tpu.memory_space<hbm>>
      tpu.wait_dma2 semaphore(%arg17 : memref<!tpu.dma_semaphore, #tpu.memory_space<semaphore_mem>>) src(%dma_wait3A_167 : memref<80xi32, #tpu.memory_space<hbm>>) dst(%arg12 : memref<80xi32, #tpu.memory_space<vmem>>)
      %dma_wait3A_168 = arith.constant 80 : i32
      %dma_wait3A_169 = arith.constant 0 : i32
      %dma_wait3A_170 = tpu.memref_slice %arg15[%dma_wait3A_168, %dma_wait3A_169] : memref<320x128xf32, #tpu.memory_space<vmem>> -> memref<80x128xf32, #tpu.memory_space<vmem>>
      %dma_wait3A_171 = arith.constant 0 : i32
      %dma_wait3A_172 = tpu.memref_slice %arg4[%add3A_163, %dma_wait3A_171] : memref<320000x128xf32, #tpu.memory_space<hbm>> -> memref<80x128xf32, #tpu.memory_space<hbm>>
      %dma_wait3A_173 = arith.constant 80 : i32
      %dma_wait3A_174 = arith.constant 0 : i32
      %dma_wait3A_175 = tpu.memref_slice %arg15[%dma_wait3A_173, %dma_wait3A_174] : memref<320x128xf32, #tpu.memory_space<vmem>> -> memref<80x128xf32, #tpu.memory_space<vmem>>
      %dma_wait3A_176 = arith.constant 0 : i32
      %dma_wait3A_177 = tpu.memref_slice %arg4[%add3A_163, %dma_wait3A_176] : memref<320000x128xf32, #tpu.memory_space<hbm>> -> memref<80x128xf32, #tpu.memory_space<hbm>>
      tpu.wait_dma2 semaphore(%arg17 : memref<!tpu.dma_semaphore, #tpu.memory_space<semaphore_mem>>) src(%dma_wait3A_177 : memref<80x128xf32, #tpu.memory_space<hbm>>) dst(%dma_wait3A_175 : memref<80x128xf32, #tpu.memory_space<vmem>>)
      %dma_start3A_178 = arith.constant 80 : i32
      %dma_start3A_179 = arith.constant 0 : i32
      %dma_start3A_180 = tpu.memref_slice %arg15[%dma_start3A_178, %dma_start3A_179] : memref<320x128xf32, #tpu.memory_space<vmem>> -> memref<80x128xf32, #tpu.memory_space<vmem>>
      %dma_start3A_181 = arith.constant 0 : i32
      %dma_start3A_182 = arith.constant 0 : i32
      %dma_start3A_183 = tpu.memref_slice %arg5[%dma_start3A_181, %dma_start3A_182] : memref<10000x128xf32, #tpu.memory_space<hbm>> -> memref<10000x128xf32, #tpu.memory_space<hbm>>
      tpu.enqueue_indirect_dma source(%dma_start3A_183 : memref<10000x128xf32, #tpu.memory_space<hbm>>) target(%dma_start3A_180 : memref<80x128xf32, #tpu.memory_space<vmem>>) offsets(%arg8 : memref<80xi32, #tpu.memory_space<vmem>>) semaphore(%arg21 : memref<!tpu.dma_semaphore, #tpu.memory_space<semaphore_mem>>) {add = true}
      %mul3A_184 = arith.constant 4 : i32
      %mul3A_185 = arith.muli %scan3A_128, %mul3A_184 : i32
      %add3A_186 = arith.constant 2 : i32
      %add3A_187 = arith.addi %mul3A_185, %add3A_186 : i32
      %mul3A_188 = arith.constant 80 : i32
      %mul3A_189 = arith.muli %add3A_187, %mul3A_188 : i32
      %add3A_190 = arith.addi %mul3A_2, %mul3A_189 : i32
      %dma_wait3A_191 = tpu.memref_slice %arg2[%add3A_190] : memref<320000xi32, #tpu.memory_space<hbm>> -> memref<80xi32, #tpu.memory_space<hbm>>
      %dma_wait3A_192 = tpu.memref_slice %arg2[%add3A_190] : memref<320000xi32, #tpu.memory_space<hbm>> -> memref<80xi32, #tpu.memory_space<hbm>>
      tpu.wait_dma2 semaphore(%arg18 : memref<!tpu.dma_semaphore, #tpu.memory_space<semaphore_mem>>) src(%dma_wait3A_192 : memref<80xi32, #tpu.memory_space<hbm>>) dst(%arg9 : memref<80xi32, #tpu.memory_space<vmem>>)
      %dma_wait3A_193 = tpu.memref_slice %arg3[%add3A_190] : memref<320000xi32, #tpu.memory_space<hbm>> -> memref<80xi32, #tpu.memory_space<hbm>>
      %dma_wait3A_194 = tpu.memref_slice %arg3[%add3A_190] : memref<320000xi32, #tpu.memory_space<hbm>> -> memref<80xi32, #tpu.memory_space<hbm>>
      tpu.wait_dma2 semaphore(%arg18 : memref<!tpu.dma_semaphore, #tpu.memory_space<semaphore_mem>>) src(%dma_wait3A_194 : memref<80xi32, #tpu.memory_space<hbm>>) dst(%arg13 : memref<80xi32, #tpu.memory_space<vmem>>)
      %dma_wait3A_195 = arith.constant 160 : i32
      %dma_wait3A_196 = arith.constant 0 : i32
      %dma_wait3A_197 = tpu.memref_slice %arg15[%dma_wait3A_195, %dma_wait3A_196] : memref<320x128xf32, #tpu.memory_space<vmem>> -> memref<80x128xf32, #tpu.memory_space<vmem>>
      %dma_wait3A_198 = arith.constant 0 : i32
      %dma_wait3A_199 = tpu.memref_slice %arg4[%add3A_190, %dma_wait3A_198] : memref<320000x128xf32, #tpu.memory_space<hbm>> -> memref<80x128xf32, #tpu.memory_space<hbm>>
      %dma_wait3A_200 = arith.constant 160 : i32
      %dma_wait3A_201 = arith.constant 0 : i32
      %dma_wait3A_202 = tpu.memref_slice %arg15[%dma_wait3A_200, %dma_wait3A_201] : memref<320x128xf32, #tpu.memory_space<vmem>> -> memref<80x128xf32, #tpu.memory_space<vmem>>
      %dma_wait3A_203 = arith.constant 0 : i32
      %dma_wait3A_204 = tpu.memref_slice %arg4[%add3A_190, %dma_wait3A_203] : memref<320000x128xf32, #tpu.memory_space<hbm>> -> memref<80x128xf32, #tpu.memory_space<hbm>>
      tpu.wait_dma2 semaphore(%arg18 : memref<!tpu.dma_semaphore, #tpu.memory_space<semaphore_mem>>) src(%dma_wait3A_204 : memref<80x128xf32, #tpu.memory_space<hbm>>) dst(%dma_wait3A_202 : memref<80x128xf32, #tpu.memory_space<vmem>>)
      %dma_start3A_205 = arith.constant 160 : i32
      %dma_start3A_206 = arith.constant 0 : i32
      %dma_start3A_207 = tpu.memref_slice %arg15[%dma_start3A_205, %dma_start3A_206] : memref<320x128xf32, #tpu.memory_space<vmem>> -> memref<80x128xf32, #tpu.memory_space<vmem>>
      %dma_start3A_208 = arith.constant 0 : i32
      %dma_start3A_209 = arith.constant 0 : i32
      %dma_start3A_210 = tpu.memref_slice %arg5[%dma_start3A_208, %dma_start3A_209] : memref<10000x128xf32, #tpu.memory_space<hbm>> -> memref<10000x128xf32, #tpu.memory_space<hbm>>
      tpu.enqueue_indirect_dma source(%dma_start3A_210 : memref<10000x128xf32, #tpu.memory_space<hbm>>) target(%dma_start3A_207 : memref<80x128xf32, #tpu.memory_space<vmem>>) offsets(%arg9 : memref<80xi32, #tpu.memory_space<vmem>>) semaphore(%arg22 : memref<!tpu.dma_semaphore, #tpu.memory_space<semaphore_mem>>) {add = true}
      %mul3A_211 = arith.constant 4 : i32
      %mul3A_212 = arith.muli %scan3A_128, %mul3A_211 : i32
      %add3A_213 = arith.constant 3 : i32
      %add3A_214 = arith.addi %mul3A_212, %add3A_213 : i32
      %mul3A_215 = arith.constant 80 : i32
      %mul3A_216 = arith.muli %add3A_214, %mul3A_215 : i32
      %add3A_217 = arith.addi %mul3A_2, %mul3A_216 : i32
      %dma_wait3A_218 = tpu.memref_slice %arg2[%add3A_217] : memref<320000xi32, #tpu.memory_space<hbm>> -> memref<80xi32, #tpu.memory_space<hbm>>
      %dma_wait3A_219 = tpu.memref_slice %arg2[%add3A_217] : memref<320000xi32, #tpu.memory_space<hbm>> -> memref<80xi32, #tpu.memory_space<hbm>>
      tpu.wait_dma2 semaphore(%arg19 : memref<!tpu.dma_semaphore, #tpu.memory_space<semaphore_mem>>) src(%dma_wait3A_219 : memref<80xi32, #tpu.memory_space<hbm>>) dst(%arg10 : memref<80xi32, #tpu.memory_space<vmem>>)
      %dma_wait3A_220 = tpu.memref_slice %arg3[%add3A_217] : memref<320000xi32, #tpu.memory_space<hbm>> -> memref<80xi32, #tpu.memory_space<hbm>>
      %dma_wait3A_221 = tpu.memref_slice %arg3[%add3A_217] : memref<320000xi32, #tpu.memory_space<hbm>> -> memref<80xi32, #tpu.memory_space<hbm>>
      tpu.wait_dma2 semaphore(%arg19 : memref<!tpu.dma_semaphore, #tpu.memory_space<semaphore_mem>>) src(%dma_wait3A_221 : memref<80xi32, #tpu.memory_space<hbm>>) dst(%arg14 : memref<80xi32, #tpu.memory_space<vmem>>)
      %dma_wait3A_222 = arith.constant 240 : i32
      %dma_wait3A_223 = arith.constant 0 : i32
      %dma_wait3A_224 = tpu.memref_slice %arg15[%dma_wait3A_222, %dma_wait3A_223] : memref<320x128xf32, #tpu.memory_space<vmem>> -> memref<80x128xf32, #tpu.memory_space<vmem>>
      %dma_wait3A_225 = arith.constant 0 : i32
      %dma_wait3A_226 = tpu.memref_slice %arg4[%add3A_217, %dma_wait3A_225] : memref<320000x128xf32, #tpu.memory_space<hbm>> -> memref<80x128xf32, #tpu.memory_space<hbm>>
      %dma_wait3A_227 = arith.constant 240 : i32
      %dma_wait3A_228 = arith.constant 0 : i32
      %dma_wait3A_229 = tpu.memref_slice %arg15[%dma_wait3A_227, %dma_wait3A_228] : memref<320x128xf32, #tpu.memory_space<vmem>> -> memref<80x128xf32, #tpu.memory_space<vmem>>
      %dma_wait3A_230 = arith.constant 0 : i32
      %dma_wait3A_231 = tpu.memref_slice %arg4[%add3A_217, %dma_wait3A_230] : memref<320000x128xf32, #tpu.memory_space<hbm>> -> memref<80x128xf32, #tpu.memory_space<hbm>>
      tpu.wait_dma2 semaphore(%arg19 : memref<!tpu.dma_semaphore, #tpu.memory_space<semaphore_mem>>) src(%dma_wait3A_231 : memref<80x128xf32, #tpu.memory_space<hbm>>) dst(%dma_wait3A_229 : memref<80x128xf32, #tpu.memory_space<vmem>>)
      %dma_start3A_232 = arith.constant 240 : i32
      %dma_start3A_233 = arith.constant 0 : i32
      %dma_start3A_234 = tpu.memref_slice %arg15[%dma_start3A_232, %dma_start3A_233] : memref<320x128xf32, #tpu.memory_space<vmem>> -> memref<80x128xf32, #tpu.memory_space<vmem>>
      %dma_start3A_235 = arith.constant 0 : i32
      %dma_start3A_236 = arith.constant 0 : i32
      %dma_start3A_237 = tpu.memref_slice %arg5[%dma_start3A_235, %dma_start3A_236] : memref<10000x128xf32, #tpu.memory_space<hbm>> -> memref<10000x128xf32, #tpu.memory_space<hbm>>
      tpu.enqueue_indirect_dma source(%dma_start3A_237 : memref<10000x128xf32, #tpu.memory_space<hbm>>) target(%dma_start3A_234 : memref<80x128xf32, #tpu.memory_space<vmem>>) offsets(%arg10 : memref<80xi32, #tpu.memory_space<vmem>>) semaphore(%arg23 : memref<!tpu.dma_semaphore, #tpu.memory_space<semaphore_mem>>) {add = true}
      %dma_wait3A_238 = arith.constant 0 : i32
      %dma_wait3A_239 = arith.constant 0 : i32
      %dma_wait3A_240 = tpu.memref_slice %arg15[%dma_wait3A_238, %dma_wait3A_239] : memref<320x128xf32, #tpu.memory_space<vmem>> -> memref<80x128xf32, #tpu.memory_space<vmem>>
      %dma_wait3A_241 = arith.constant 0 : i32
      %dma_wait3A_242 = arith.constant 0 : i32
      %dma_wait3A_243 = tpu.memref_slice %arg5[%dma_wait3A_241, %dma_wait3A_242] : memref<10000x128xf32, #tpu.memory_space<hbm>> -> memref<10000x128xf32, #tpu.memory_space<hbm>>
      tpu.wait_indirect_dma semaphore(%arg20 : memref<!tpu.dma_semaphore, #tpu.memory_space<semaphore_mem>>) src(%dma_wait3A_243 : memref<10000x128xf32, #tpu.memory_space<hbm>>) dst(%dma_wait3A_240 : memref<80x128xf32, #tpu.memory_space<vmem>>)
      %parallel_loop3A_244 = arith.constant 0 : i32
      %parallel_loop3A_245 = arith.constant 80 : i32
      %parallel_loop3A_246 = arith.constant 1 : i32
      scf.for %parallel_loop3A_347 = %parallel_loop3A_244 to %parallel_loop3A_245 step %parallel_loop3A_246  : i32 {
        %parallel_loop3A_348 = arith.constant 0 : i32
        %parallel_loop3A_349 = arith.addi %parallel_loop3A_348, %parallel_loop3A_347 : i32
        %parallel_loop3A_350 = arith.index_cast %parallel_loop3A_349 : i32 to index
        %parallel_loop3A_351 = arith.constant 0 : index
        %parallel_loop3A_352 = tpu.vector_load %arg15[%parallel_loop3A_350, %parallel_loop3A_351] {strides = array<i32>} : memref<320x128xf32, #tpu.memory_space<vmem>>, vector<1x16xf32>,
        %parallel_loop3A_353 = vector.shape_cast %parallel_loop3A_352 : vector<1x16xf32> to vector<16xf32>
        %parallel_loop3A_354 = arith.constant 0.000000e+00 : f32
        %parallel_loop3A_355 = vector.broadcast %parallel_loop3A_354 : f32 to vector<16xf32>
        %parallel_loop3A_356 = arith.maximumf %parallel_loop3A_353, %parallel_loop3A_355 : vector<16xf32>
        %parallel_loop3A_357 = arith.constant 0 : i32
        %parallel_loop3A_358 = arith.addi %parallel_loop3A_357, %parallel_loop3A_347 : i32
        %parallel_loop3A_359 = arith.index_cast %parallel_loop3A_358 : i32 to index
        %parallel_loop3A_360 = arith.constant 0 : index
        %parallel_loop3A_361 = tpu.vector_load %arg15[%parallel_loop3A_359, %parallel_loop3A_360] {strides = array<i32>} : memref<320x128xf32, #tpu.memory_space<vmem>>, vector<1x16xf32>,
        %parallel_loop3A_362 = vector.shape_cast %parallel_loop3A_361 : vector<1x16xf32> to vector<16xf32>
        %parallel_loop3A_363 = vector.shape_cast %parallel_loop3A_356 : vector<16xf32> to vector<1x16xf32>
        tpu.vector_store %arg15[%parallel_loop3A_359, %parallel_loop3A_360], %parallel_loop3A_363 {strides = array<i32>} : memref<320x128xf32, #tpu.memory_space<vmem>>, vector<1x16xf32>,
        %parallel_loop3A_364 = arith.constant 0 : i32
        %parallel_loop3A_365 = arith.addi %parallel_loop3A_364, %parallel_loop3A_347 : i32
        %parallel_loop3A_366 = arith.index_cast %parallel_loop3A_365 : i32 to index
        %parallel_loop3A_367 = arith.constant 16 : index
        %parallel_loop3A_368 = tpu.vector_load %arg15[%parallel_loop3A_366, %parallel_loop3A_367] {strides = array<i32>} : memref<320x128xf32, #tpu.memory_space<vmem>>, vector<1x16xf32>,
        %parallel_loop3A_369 = vector.shape_cast %parallel_loop3A_368 : vector<1x16xf32> to vector<16xf32>
        %parallel_loop3A_370 = arith.constant 0.000000e+00 : f32
        %parallel_loop3A_371 = vector.broadcast %parallel_loop3A_370 : f32 to vector<16xf32>
        %parallel_loop3A_372 = arith.maximumf %parallel_loop3A_369, %parallel_loop3A_371 : vector<16xf32>
        %parallel_loop3A_373 = arith.constant 0 : i32
        %parallel_loop3A_374 = arith.addi %parallel_loop3A_373, %parallel_loop3A_347 : i32
        %parallel_loop3A_375 = arith.index_cast %parallel_loop3A_374 : i32 to index
        %parallel_loop3A_376 = arith.constant 16 : index
        %parallel_loop3A_377 = tpu.vector_load %arg15[%parallel_loop3A_375, %parallel_loop3A_376] {strides = array<i32>} : memref<320x128xf32, #tpu.memory_space<vmem>>, vector<1x16xf32>,
        %parallel_loop3A_378 = vector.shape_cast %parallel_loop3A_377 : vector<1x16xf32> to vector<16xf32>
        %parallel_loop3A_379 = vector.shape_cast %parallel_loop3A_372 : vector<16xf32> to vector<1x16xf32>
        tpu.vector_store %arg15[%parallel_loop3A_375, %parallel_loop3A_376], %parallel_loop3A_379 {strides = array<i32>} : memref<320x128xf32, #tpu.memory_space<vmem>>, vector<1x16xf32>,
        %parallel_loop3A_380 = arith.constant 0 : i32
        %parallel_loop3A_381 = arith.addi %parallel_loop3A_380, %parallel_loop3A_347 : i32
        %parallel_loop3A_382 = arith.index_cast %parallel_loop3A_381 : i32 to index
        %parallel_loop3A_383 = arith.constant 32 : index
        %parallel_loop3A_384 = tpu.vector_load %arg15[%parallel_loop3A_382, %parallel_loop3A_383] {strides = array<i32>} : memref<320x128xf32, #tpu.memory_space<vmem>>, vector<1x16xf32>,
        %parallel_loop3A_385 = vector.shape_cast %parallel_loop3A_384 : vector<1x16xf32> to vector<16xf32>
        %parallel_loop3A_386 = arith.constant 0.000000e+00 : f32
        %parallel_loop3A_387 = vector.broadcast %parallel_loop3A_386 : f32 to vector<16xf32>
        %parallel_loop3A_388 = arith.maximumf %parallel_loop3A_385, %parallel_loop3A_387 : vector<16xf32>
        %parallel_loop3A_389 = arith.constant 0 : i32
        %parallel_loop3A_390 = arith.addi %parallel_loop3A_389, %parallel_loop3A_347 : i32
        %parallel_loop3A_391 = arith.index_cast %parallel_loop3A_390 : i32 to index
        %parallel_loop3A_392 = arith.constant 32 : index
        %parallel_loop3A_393 = tpu.vector_load %arg15[%parallel_loop3A_391, %parallel_loop3A_392] {strides = array<i32>} : memref<320x128xf32, #tpu.memory_space<vmem>>, vector<1x16xf32>,
        %parallel_loop3A_394 = vector.shape_cast %parallel_loop3A_393 : vector<1x16xf32> to vector<16xf32>
        %parallel_loop3A_395 = vector.shape_cast %parallel_loop3A_388 : vector<16xf32> to vector<1x16xf32>
        tpu.vector_store %arg15[%parallel_loop3A_391, %parallel_loop3A_392], %parallel_loop3A_395 {strides = array<i32>} : memref<320x128xf32, #tpu.memory_space<vmem>>, vector<1x16xf32>,
        %parallel_loop3A_396 = arith.constant 0 : i32
        %parallel_loop3A_397 = arith.addi %parallel_loop3A_396, %parallel_loop3A_347 : i32
        %parallel_loop3A_398 = arith.index_cast %parallel_loop3A_397 : i32 to index
        %parallel_loop3A_399 = arith.constant 48 : index
        %parallel_loop3A_400 = tpu.vector_load %arg15[%parallel_loop3A_398, %parallel_loop3A_399] {strides = array<i32>} : memref<320x128xf32, #tpu.memory_space<vmem>>, vector<1x16xf32>,
        %parallel_loop3A_401 = vector.shape_cast %parallel_loop3A_400 : vector<1x16xf32> to vector<16xf32>
        %parallel_loop3A_402 = arith.constant 0.000000e+00 : f32
        %parallel_loop3A_403 = vector.broadcast %parallel_loop3A_402 : f32 to vector<16xf32>
        %parallel_loop3A_404 = arith.maximumf %parallel_loop3A_401, %parallel_loop3A_403 : vector<16xf32>
        %parallel_loop3A_405 = arith.constant 0 : i32
        %parallel_loop3A_406 = arith.addi %parallel_loop3A_405, %parallel_loop3A_347 : i32
        %parallel_loop3A_407 = arith.index_cast %parallel_loop3A_406 : i32 to index
        %parallel_loop3A_408 = arith.constant 48 : index
        %parallel_loop3A_409 = tpu.vector_load %arg15[%parallel_loop3A_407, %parallel_loop3A_408] {strides = array<i32>} : memref<320x128xf32, #tpu.memory_space<vmem>>, vector<1x16xf32>,
        %parallel_loop3A_410 = vector.shape_cast %parallel_loop3A_409 : vector<1x16xf32> to vector<16xf32>
        %parallel_loop3A_411 = vector.shape_cast %parallel_loop3A_404 : vector<16xf32> to vector<1x16xf32>
        tpu.vector_store %arg15[%parallel_loop3A_407, %parallel_loop3A_408], %parallel_loop3A_411 {strides = array<i32>} : memref<320x128xf32, #tpu.memory_space<vmem>>, vector<1x16xf32>,
        %parallel_loop3A_412 = arith.constant 0 : i32
        %parallel_loop3A_413 = arith.addi %parallel_loop3A_412, %parallel_loop3A_347 : i32
        %parallel_loop3A_414 = arith.index_cast %parallel_loop3A_413 : i32 to index
        %parallel_loop3A_415 = arith.constant 64 : index
        %parallel_loop3A_416 = tpu.vector_load %arg15[%parallel_loop3A_414, %parallel_loop3A_415] {strides = array<i32>} : memref<320x128xf32, #tpu.memory_space<vmem>>, vector<1x16xf32>,
        %parallel_loop3A_417 = vector.shape_cast %parallel_loop3A_416 : vector<1x16xf32> to vector<16xf32>
        %parallel_loop3A_418 = arith.constant 0.000000e+00 : f32
        %parallel_loop3A_419 = vector.broadcast %parallel_loop3A_418 : f32 to vector<16xf32>
        %parallel_loop3A_420 = arith.maximumf %parallel_loop3A_417, %parallel_loop3A_419 : vector<16xf32>
        %parallel_loop3A_421 = arith.constant 0 : i32
        %parallel_loop3A_422 = arith.addi %parallel_loop3A_421, %parallel_loop3A_347 : i32
        %parallel_loop3A_423 = arith.index_cast %parallel_loop3A_422 : i32 to index
        %parallel_loop3A_424 = arith.constant 64 : index
        %parallel_loop3A_425 = tpu.vector_load %arg15[%parallel_loop3A_423, %parallel_loop3A_424] {strides = array<i32>} : memref<320x128xf32, #tpu.memory_space<vmem>>, vector<1x16xf32>,
        %parallel_loop3A_426 = vector.shape_cast %parallel_loop3A_425 : vector<1x16xf32> to vector<16xf32>
        %parallel_loop3A_427 = vector.shape_cast %parallel_loop3A_420 : vector<16xf32> to vector<1x16xf32>
        tpu.vector_store %arg15[%parallel_loop3A_423, %parallel_loop3A_424], %parallel_loop3A_427 {strides = array<i32>} : memref<320x128xf32, #tpu.memory_space<vmem>>, vector<1x16xf32>,
        %parallel_loop3A_428 = arith.constant 0 : i32
        %parallel_loop3A_429 = arith.addi %parallel_loop3A_428, %parallel_loop3A_347 : i32
        %parallel_loop3A_430 = arith.index_cast %parallel_loop3A_429 : i32 to index
        %parallel_loop3A_431 = arith.constant 80 : index
        %parallel_loop3A_432 = tpu.vector_load %arg15[%parallel_loop3A_430, %parallel_loop3A_431] {strides = array<i32>} : memref<320x128xf32, #tpu.memory_space<vmem>>, vector<1x16xf32>,
        %parallel_loop3A_433 = vector.shape_cast %parallel_loop3A_432 : vector<1x16xf32> to vector<16xf32>
        %parallel_loop3A_434 = arith.constant 0.000000e+00 : f32
        %parallel_loop3A_435 = vector.broadcast %parallel_loop3A_434 : f32 to vector<16xf32>
        %parallel_loop3A_436 = arith.maximumf %parallel_loop3A_433, %parallel_loop3A_435 : vector<16xf32>
        %parallel_loop3A_437 = arith.constant 0 : i32
        %parallel_loop3A_438 = arith.addi %parallel_loop3A_437, %parallel_loop3A_347 : i32
        %parallel_loop3A_439 = arith.index_cast %parallel_loop3A_438 : i32 to index
        %parallel_loop3A_440 = arith.constant 80 : index
        %parallel_loop3A_441 = tpu.vector_load %arg15[%parallel_loop3A_439, %parallel_loop3A_440] {strides = array<i32>} : memref<320x128xf32, #tpu.memory_space<vmem>>, vector<1x16xf32>,
        %parallel_loop3A_442 = vector.shape_cast %parallel_loop3A_441 : vector<1x16xf32> to vector<16xf32>
        %parallel_loop3A_443 = vector.shape_cast %parallel_loop3A_436 : vector<16xf32> to vector<1x16xf32>
        tpu.vector_store %arg15[%parallel_loop3A_439, %parallel_loop3A_440], %parallel_loop3A_443 {strides = array<i32>} : memref<320x128xf32, #tpu.memory_space<vmem>>, vector<1x16xf32>,
        %parallel_loop3A_444 = arith.constant 0 : i32
        %parallel_loop3A_445 = arith.addi %parallel_loop3A_444, %parallel_loop3A_347 : i32
        %parallel_loop3A_446 = arith.index_cast %parallel_loop3A_445 : i32 to index
        %parallel_loop3A_447 = arith.constant 96 : index
        %parallel_loop3A_448 = tpu.vector_load %arg15[%parallel_loop3A_446, %parallel_loop3A_447] {strides = array<i32>} : memref<320x128xf32, #tpu.memory_space<vmem>>, vector<1x16xf32>,
        %parallel_loop3A_449 = vector.shape_cast %parallel_loop3A_448 : vector<1x16xf32> to vector<16xf32>
        %parallel_loop3A_450 = arith.constant 0.000000e+00 : f32
        %parallel_loop3A_451 = vector.broadcast %parallel_loop3A_450 : f32 to vector<16xf32>
        %parallel_loop3A_452 = arith.maximumf %parallel_loop3A_449, %parallel_loop3A_451 : vector<16xf32>
        %parallel_loop3A_453 = arith.constant 0 : i32
        %parallel_loop3A_454 = arith.addi %parallel_loop3A_453, %parallel_loop3A_347 : i32
        %parallel_loop3A_455 = arith.index_cast %parallel_loop3A_454 : i32 to index
        %parallel_loop3A_456 = arith.constant 96 : index
        %parallel_loop3A_457 = tpu.vector_load %arg15[%parallel_loop3A_455, %parallel_loop3A_456] {strides = array<i32>} : memref<320x128xf32, #tpu.memory_space<vmem>>, vector<1x16xf32>,
        %parallel_loop3A_458 = vector.shape_cast %parallel_loop3A_457 : vector<1x16xf32> to vector<16xf32>
        %parallel_loop3A_459 = vector.shape_cast %parallel_loop3A_452 : vector<16xf32> to vector<1x16xf32>
        tpu.vector_store %arg15[%parallel_loop3A_455, %parallel_loop3A_456], %parallel_loop3A_459 {strides = array<i32>} : memref<320x128xf32, #tpu.memory_space<vmem>>, vector<1x16xf32>,
        %parallel_loop3A_460 = arith.constant 0 : i32
        %parallel_loop3A_461 = arith.addi %parallel_loop3A_460, %parallel_loop3A_347 : i32
        %parallel_loop3A_462 = arith.index_cast %parallel_loop3A_461 : i32 to index
        %parallel_loop3A_463 = arith.constant 112 : index
        %parallel_loop3A_464 = tpu.vector_load %arg15[%parallel_loop3A_462, %parallel_loop3A_463] {strides = array<i32>} : memref<320x128xf32, #tpu.memory_space<vmem>>, vector<1x16xf32>,
        %parallel_loop3A_465 = vector.shape_cast %parallel_loop3A_464 : vector<1x16xf32> to vector<16xf32>
        %parallel_loop3A_466 = arith.constant 0.000000e+00 : f32
        %parallel_loop3A_467 = vector.broadcast %parallel_loop3A_466 : f32 to vector<16xf32>
        %parallel_loop3A_468 = arith.maximumf %parallel_loop3A_465, %parallel_loop3A_467 : vector<16xf32>
        %parallel_loop3A_469 = arith.constant 0 : i32
        %parallel_loop3A_470 = arith.addi %parallel_loop3A_469, %parallel_loop3A_347 : i32
        %parallel_loop3A_471 = arith.index_cast %parallel_loop3A_470 : i32 to index
        %parallel_loop3A_472 = arith.constant 112 : index
        %parallel_loop3A_473 = tpu.vector_load %arg15[%parallel_loop3A_471, %parallel_loop3A_472] {strides = array<i32>} : memref<320x128xf32, #tpu.memory_space<vmem>>, vector<1x16xf32>,
        %parallel_loop3A_474 = vector.shape_cast %parallel_loop3A_473 : vector<1x16xf32> to vector<16xf32>
        %parallel_loop3A_475 = vector.shape_cast %parallel_loop3A_468 : vector<16xf32> to vector<1x16xf32>
        tpu.vector_store %arg15[%parallel_loop3A_471, %parallel_loop3A_472], %parallel_loop3A_475 {strides = array<i32>} : memref<320x128xf32, #tpu.memory_space<vmem>>, vector<1x16xf32>,
      } {sc.loop_unroll_factor = 4 : i64, sc.parallel_access}
      %dma_start3A_247 = arith.constant 0 : i32
      %dma_start3A_248 = arith.constant 0 : i32
      %dma_start3A_249 = tpu.memref_slice %arg15[%dma_start3A_247, %dma_start3A_248] : memref<320x128xf32, #tpu.memory_space<vmem>> -> memref<80x128xf32, #tpu.memory_space<vmem>>
      %dma_start3A_250 = arith.constant 0 : i32
      %dma_start3A_251 = arith.constant 0 : i32
      %dma_start3A_252 = tpu.memref_slice %arg28[%dma_start3A_250, %dma_start3A_251] : memref<10000x128xf32, #tpu.memory_space<vmem_shared>> -> memref<10000x128xf32, #tpu.memory_space<vmem_shared>>
      tpu.enqueue_indirect_dma source(%dma_start3A_249 : memref<80x128xf32, #tpu.memory_space<vmem>>) target(%dma_start3A_252 : memref<10000x128xf32, #tpu.memory_space<vmem_shared>>) offsets(%arg11 : memref<80xi32, #tpu.memory_space<vmem>>) semaphore(%arg24 : memref<!tpu.dma_semaphore, #tpu.memory_space<semaphore_mem>>) {add = true}
      %dma_wait3A_253 = arith.constant 80 : i32
      %dma_wait3A_254 = arith.constant 0 : i32
      %dma_wait3A_255 = tpu.memref_slice %arg15[%dma_wait3A_253, %dma_wait3A_254] : memref<320x128xf32, #tpu.memory_space<vmem>> -> memref<80x128xf32, #tpu.memory_space<vmem>>
      %dma_wait3A_256 = arith.constant 0 : i32
      %dma_wait3A_257 = arith.constant 0 : i32
      %dma_wait3A_258 = tpu.memref_slice %arg5[%dma_wait3A_256, %dma_wait3A_257] : memref<10000x128xf32, #tpu.memory_space<hbm>> -> memref<10000x128xf32, #tpu.memory_space<hbm>>
      tpu.wait_indirect_dma semaphore(%arg21 : memref<!tpu.dma_semaphore, #tpu.memory_space<semaphore_mem>>) src(%dma_wait3A_258 : memref<10000x128xf32, #tpu.memory_space<hbm>>) dst(%dma_wait3A_255 : memref<80x128xf32, #tpu.memory_space<vmem>>)
      %parallel_loop3A_259 = arith.constant 0 : i32
      %parallel_loop3A_260 = arith.constant 80 : i32
      %parallel_loop3A_261 = arith.constant 1 : i32
      scf.for %parallel_loop3A_347 = %parallel_loop3A_259 to %parallel_loop3A_260 step %parallel_loop3A_261  : i32 {
        %parallel_loop3A_348 = arith.constant 80 : i32
        %parallel_loop3A_349 = arith.addi %parallel_loop3A_348, %parallel_loop3A_347 : i32
        %parallel_loop3A_350 = arith.index_cast %parallel_loop3A_349 : i32 to index
        %parallel_loop3A_351 = arith.constant 0 : index
        %parallel_loop3A_352 = tpu.vector_load %arg15[%parallel_loop3A_350, %parallel_loop3A_351] {strides = array<i32>} : memref<320x128xf32, #tpu.memory_space<vmem>>, vector<1x16xf32>,
        %parallel_loop3A_353 = vector.shape_cast %parallel_loop3A_352 : vector<1x16xf32> to vector<16xf32>
        %parallel_loop3A_354 = arith.constant 0.000000e+00 : f32
        %parallel_loop3A_355 = vector.broadcast %parallel_loop3A_354 : f32 to vector<16xf32>
        %parallel_loop3A_356 = arith.maximumf %parallel_loop3A_353, %parallel_loop3A_355 : vector<16xf32>
        %parallel_loop3A_357 = arith.constant 80 : i32
        %parallel_loop3A_358 = arith.addi %parallel_loop3A_357, %parallel_loop3A_347 : i32
        %parallel_loop3A_359 = arith.index_cast %parallel_loop3A_358 : i32 to index
        %parallel_loop3A_360 = arith.constant 0 : index
        %parallel_loop3A_361 = tpu.vector_load %arg15[%parallel_loop3A_359, %parallel_loop3A_360] {strides = array<i32>} : memref<320x128xf32, #tpu.memory_space<vmem>>, vector<1x16xf32>,
        %parallel_loop3A_362 = vector.shape_cast %parallel_loop3A_361 : vector<1x16xf32> to vector<16xf32>
        %parallel_loop3A_363 = vector.shape_cast %parallel_loop3A_356 : vector<16xf32> to vector<1x16xf32>
        tpu.vector_store %arg15[%parallel_loop3A_359, %parallel_loop3A_360], %parallel_loop3A_363 {strides = array<i32>} : memref<320x128xf32, #tpu.memory_space<vmem>>, vector<1x16xf32>,
        %parallel_loop3A_364 = arith.constant 80 : i32
        %parallel_loop3A_365 = arith.addi %parallel_loop3A_364, %parallel_loop3A_347 : i32
        %parallel_loop3A_366 = arith.index_cast %parallel_loop3A_365 : i32 to index
        %parallel_loop3A_367 = arith.constant 16 : index
        %parallel_loop3A_368 = tpu.vector_load %arg15[%parallel_loop3A_366, %parallel_loop3A_367] {strides = array<i32>} : memref<320x128xf32, #tpu.memory_space<vmem>>, vector<1x16xf32>,
        %parallel_loop3A_369 = vector.shape_cast %parallel_loop3A_368 : vector<1x16xf32> to vector<16xf32>
        %parallel_loop3A_370 = arith.constant 0.000000e+00 : f32
        %parallel_loop3A_371 = vector.broadcast %parallel_loop3A_370 : f32 to vector<16xf32>
        %parallel_loop3A_372 = arith.maximumf %parallel_loop3A_369, %parallel_loop3A_371 : vector<16xf32>
        %parallel_loop3A_373 = arith.constant 80 : i32
        %parallel_loop3A_374 = arith.addi %parallel_loop3A_373, %parallel_loop3A_347 : i32
        %parallel_loop3A_375 = arith.index_cast %parallel_loop3A_374 : i32 to index
        %parallel_loop3A_376 = arith.constant 16 : index
        %parallel_loop3A_377 = tpu.vector_load %arg15[%parallel_loop3A_375, %parallel_loop3A_376] {strides = array<i32>} : memref<320x128xf32, #tpu.memory_space<vmem>>, vector<1x16xf32>,
        %parallel_loop3A_378 = vector.shape_cast %parallel_loop3A_377 : vector<1x16xf32> to vector<16xf32>
        %parallel_loop3A_379 = vector.shape_cast %parallel_loop3A_372 : vector<16xf32> to vector<1x16xf32>
        tpu.vector_store %arg15[%parallel_loop3A_375, %parallel_loop3A_376], %parallel_loop3A_379 {strides = array<i32>} : memref<320x128xf32, #tpu.memory_space<vmem>>, vector<1x16xf32>,
        %parallel_loop3A_380 = arith.constant 80 : i32
        %parallel_loop3A_381 = arith.addi %parallel_loop3A_380, %parallel_loop3A_347 : i32
        %parallel_loop3A_382 = arith.index_cast %parallel_loop3A_381 : i32 to index
        %parallel_loop3A_383 = arith.constant 32 : index
        %parallel_loop3A_384 = tpu.vector_load %arg15[%parallel_loop3A_382, %parallel_loop3A_383] {strides = array<i32>} : memref<320x128xf32, #tpu.memory_space<vmem>>, vector<1x16xf32>,
        %parallel_loop3A_385 = vector.shape_cast %parallel_loop3A_384 : vector<1x16xf32> to vector<16xf32>
        %parallel_loop3A_386 = arith.constant 0.000000e+00 : f32
        %parallel_loop3A_387 = vector.broadcast %parallel_loop3A_386 : f32 to vector<16xf32>
        %parallel_loop3A_388 = arith.maximumf %parallel_loop3A_385, %parallel_loop3A_387 : vector<16xf32>
        %parallel_loop3A_389 = arith.constant 80 : i32
        %parallel_loop3A_390 = arith.addi %parallel_loop3A_389, %parallel_loop3A_347 : i32
        %parallel_loop3A_391 = arith.index_cast %parallel_loop3A_390 : i32 to index
        %parallel_loop3A_392 = arith.constant 32 : index
        %parallel_loop3A_393 = tpu.vector_load %arg15[%parallel_loop3A_391, %parallel_loop3A_392] {strides = array<i32>} : memref<320x128xf32, #tpu.memory_space<vmem>>, vector<1x16xf32>,
        %parallel_loop3A_394 = vector.shape_cast %parallel_loop3A_393 : vector<1x16xf32> to vector<16xf32>
        %parallel_loop3A_395 = vector.shape_cast %parallel_loop3A_388 : vector<16xf32> to vector<1x16xf32>
        tpu.vector_store %arg15[%parallel_loop3A_391, %parallel_loop3A_392], %parallel_loop3A_395 {strides = array<i32>} : memref<320x128xf32, #tpu.memory_space<vmem>>, vector<1x16xf32>,
        %parallel_loop3A_396 = arith.constant 80 : i32
        %parallel_loop3A_397 = arith.addi %parallel_loop3A_396, %parallel_loop3A_347 : i32
        %parallel_loop3A_398 = arith.index_cast %parallel_loop3A_397 : i32 to index
        %parallel_loop3A_399 = arith.constant 48 : index
        %parallel_loop3A_400 = tpu.vector_load %arg15[%parallel_loop3A_398, %parallel_loop3A_399] {strides = array<i32>} : memref<320x128xf32, #tpu.memory_space<vmem>>, vector<1x16xf32>,
        %parallel_loop3A_401 = vector.shape_cast %parallel_loop3A_400 : vector<1x16xf32> to vector<16xf32>
        %parallel_loop3A_402 = arith.constant 0.000000e+00 : f32
        %parallel_loop3A_403 = vector.broadcast %parallel_loop3A_402 : f32 to vector<16xf32>
        %parallel_loop3A_404 = arith.maximumf %parallel_loop3A_401, %parallel_loop3A_403 : vector<16xf32>
        %parallel_loop3A_405 = arith.constant 80 : i32
        %parallel_loop3A_406 = arith.addi %parallel_loop3A_405, %parallel_loop3A_347 : i32
        %parallel_loop3A_407 = arith.index_cast %parallel_loop3A_406 : i32 to index
        %parallel_loop3A_408 = arith.constant 48 : index
        %parallel_loop3A_409 = tpu.vector_load %arg15[%parallel_loop3A_407, %parallel_loop3A_408] {strides = array<i32>} : memref<320x128xf32, #tpu.memory_space<vmem>>, vector<1x16xf32>,
        %parallel_loop3A_410 = vector.shape_cast %parallel_loop3A_409 : vector<1x16xf32> to vector<16xf32>
        %parallel_loop3A_411 = vector.shape_cast %parallel_loop3A_404 : vector<16xf32> to vector<1x16xf32>
        tpu.vector_store %arg15[%parallel_loop3A_407, %parallel_loop3A_408], %parallel_loop3A_411 {strides = array<i32>} : memref<320x128xf32, #tpu.memory_space<vmem>>, vector<1x16xf32>,
        %parallel_loop3A_412 = arith.constant 80 : i32
        %parallel_loop3A_413 = arith.addi %parallel_loop3A_412, %parallel_loop3A_347 : i32
        %parallel_loop3A_414 = arith.index_cast %parallel_loop3A_413 : i32 to index
        %parallel_loop3A_415 = arith.constant 64 : index
        %parallel_loop3A_416 = tpu.vector_load %arg15[%parallel_loop3A_414, %parallel_loop3A_415] {strides = array<i32>} : memref<320x128xf32, #tpu.memory_space<vmem>>, vector<1x16xf32>,
        %parallel_loop3A_417 = vector.shape_cast %parallel_loop3A_416 : vector<1x16xf32> to vector<16xf32>
        %parallel_loop3A_418 = arith.constant 0.000000e+00 : f32
        %parallel_loop3A_419 = vector.broadcast %parallel_loop3A_418 : f32 to vector<16xf32>
        %parallel_loop3A_420 = arith.maximumf %parallel_loop3A_417, %parallel_loop3A_419 : vector<16xf32>
        %parallel_loop3A_421 = arith.constant 80 : i32
        %parallel_loop3A_422 = arith.addi %parallel_loop3A_421, %parallel_loop3A_347 : i32
        %parallel_loop3A_423 = arith.index_cast %parallel_loop3A_422 : i32 to index
        %parallel_loop3A_424 = arith.constant 64 : index
        %parallel_loop3A_425 = tpu.vector_load %arg15[%parallel_loop3A_423, %parallel_loop3A_424] {strides = array<i32>} : memref<320x128xf32, #tpu.memory_space<vmem>>, vector<1x16xf32>,
        %parallel_loop3A_426 = vector.shape_cast %parallel_loop3A_425 : vector<1x16xf32> to vector<16xf32>
        %parallel_loop3A_427 = vector.shape_cast %parallel_loop3A_420 : vector<16xf32> to vector<1x16xf32>
        tpu.vector_store %arg15[%parallel_loop3A_423, %parallel_loop3A_424], %parallel_loop3A_427 {strides = array<i32>} : memref<320x128xf32, #tpu.memory_space<vmem>>, vector<1x16xf32>,
        %parallel_loop3A_428 = arith.constant 80 : i32
        %parallel_loop3A_429 = arith.addi %parallel_loop3A_428, %parallel_loop3A_347 : i32
        %parallel_loop3A_430 = arith.index_cast %parallel_loop3A_429 : i32 to index
        %parallel_loop3A_431 = arith.constant 80 : index
        %parallel_loop3A_432 = tpu.vector_load %arg15[%parallel_loop3A_430, %parallel_loop3A_431] {strides = array<i32>} : memref<320x128xf32, #tpu.memory_space<vmem>>, vector<1x16xf32>,
        %parallel_loop3A_433 = vector.shape_cast %parallel_loop3A_432 : vector<1x16xf32> to vector<16xf32>
        %parallel_loop3A_434 = arith.constant 0.000000e+00 : f32
        %parallel_loop3A_435 = vector.broadcast %parallel_loop3A_434 : f32 to vector<16xf32>
        %parallel_loop3A_436 = arith.maximumf %parallel_loop3A_433, %parallel_loop3A_435 : vector<16xf32>
        %parallel_loop3A_437 = arith.constant 80 : i32
        %parallel_loop3A_438 = arith.addi %parallel_loop3A_437, %parallel_loop3A_347 : i32
        %parallel_loop3A_439 = arith.index_cast %parallel_loop3A_438 : i32 to index
        %parallel_loop3A_440 = arith.constant 80 : index
        %parallel_loop3A_441 = tpu.vector_load %arg15[%parallel_loop3A_439, %parallel_loop3A_440] {strides = array<i32>} : memref<320x128xf32, #tpu.memory_space<vmem>>, vector<1x16xf32>,
        %parallel_loop3A_442 = vector.shape_cast %parallel_loop3A_441 : vector<1x16xf32> to vector<16xf32>
        %parallel_loop3A_443 = vector.shape_cast %parallel_loop3A_436 : vector<16xf32> to vector<1x16xf32>
        tpu.vector_store %arg15[%parallel_loop3A_439, %parallel_loop3A_440], %parallel_loop3A_443 {strides = array<i32>} : memref<320x128xf32, #tpu.memory_space<vmem>>, vector<1x16xf32>,
        %parallel_loop3A_444 = arith.constant 80 : i32
        %parallel_loop3A_445 = arith.addi %parallel_loop3A_444, %parallel_loop3A_347 : i32
        %parallel_loop3A_446 = arith.index_cast %parallel_loop3A_445 : i32 to index
        %parallel_loop3A_447 = arith.constant 96 : index
        %parallel_loop3A_448 = tpu.vector_load %arg15[%parallel_loop3A_446, %parallel_loop3A_447] {strides = array<i32>} : memref<320x128xf32, #tpu.memory_space<vmem>>, vector<1x16xf32>,
        %parallel_loop3A_449 = vector.shape_cast %parallel_loop3A_448 : vector<1x16xf32> to vector<16xf32>
        %parallel_loop3A_450 = arith.constant 0.000000e+00 : f32
        %parallel_loop3A_451 = vector.broadcast %parallel_loop3A_450 : f32 to vector<16xf32>
        %parallel_loop3A_452 = arith.maximumf %parallel_loop3A_449, %parallel_loop3A_451 : vector<16xf32>
        %parallel_loop3A_453 = arith.constant 80 : i32
        %parallel_loop3A_454 = arith.addi %parallel_loop3A_453, %parallel_loop3A_347 : i32
        %parallel_loop3A_455 = arith.index_cast %parallel_loop3A_454 : i32 to index
        %parallel_loop3A_456 = arith.constant 96 : index
        %parallel_loop3A_457 = tpu.vector_load %arg15[%parallel_loop3A_455, %parallel_loop3A_456] {strides = array<i32>} : memref<320x128xf32, #tpu.memory_space<vmem>>, vector<1x16xf32>,
        %parallel_loop3A_458 = vector.shape_cast %parallel_loop3A_457 : vector<1x16xf32> to vector<16xf32>
        %parallel_loop3A_459 = vector.shape_cast %parallel_loop3A_452 : vector<16xf32> to vector<1x16xf32>
        tpu.vector_store %arg15[%parallel_loop3A_455, %parallel_loop3A_456], %parallel_loop3A_459 {strides = array<i32>} : memref<320x128xf32, #tpu.memory_space<vmem>>, vector<1x16xf32>,
        %parallel_loop3A_460 = arith.constant 80 : i32
        %parallel_loop3A_461 = arith.addi %parallel_loop3A_460, %parallel_loop3A_347 : i32
        %parallel_loop3A_462 = arith.index_cast %parallel_loop3A_461 : i32 to index
        %parallel_loop3A_463 = arith.constant 112 : index
        %parallel_loop3A_464 = tpu.vector_load %arg15[%parallel_loop3A_462, %parallel_loop3A_463] {strides = array<i32>} : memref<320x128xf32, #tpu.memory_space<vmem>>, vector<1x16xf32>,
        %parallel_loop3A_465 = vector.shape_cast %parallel_loop3A_464 : vector<1x16xf32> to vector<16xf32>
        %parallel_loop3A_466 = arith.constant 0.000000e+00 : f32
        %parallel_loop3A_467 = vector.broadcast %parallel_loop3A_466 : f32 to vector<16xf32>
        %parallel_loop3A_468 = arith.maximumf %parallel_loop3A_465, %parallel_loop3A_467 : vector<16xf32>
        %parallel_loop3A_469 = arith.constant 80 : i32
        %parallel_loop3A_470 = arith.addi %parallel_loop3A_469, %parallel_loop3A_347 : i32
        %parallel_loop3A_471 = arith.index_cast %parallel_loop3A_470 : i32 to index
        %parallel_loop3A_472 = arith.constant 112 : index
        %parallel_loop3A_473 = tpu.vector_load %arg15[%parallel_loop3A_471, %parallel_loop3A_472] {strides = array<i32>} : memref<320x128xf32, #tpu.memory_space<vmem>>, vector<1x16xf32>,
        %parallel_loop3A_474 = vector.shape_cast %parallel_loop3A_473 : vector<1x16xf32> to vector<16xf32>
        %parallel_loop3A_475 = vector.shape_cast %parallel_loop3A_468 : vector<16xf32> to vector<1x16xf32>
        tpu.vector_store %arg15[%parallel_loop3A_471, %parallel_loop3A_472], %parallel_loop3A_475 {strides = array<i32>} : memref<320x128xf32, #tpu.memory_space<vmem>>, vector<1x16xf32>,
      } {sc.loop_unroll_factor = 4 : i64, sc.parallel_access}
      %dma_start3A_262 = arith.constant 80 : i32
      %dma_start3A_263 = arith.constant 0 : i32
      %dma_start3A_264 = tpu.memref_slice %arg15[%dma_start3A_262, %dma_start3A_263] : memref<320x128xf32, #tpu.memory_space<vmem>> -> memref<80x128xf32, #tpu.memory_space<vmem>>
      %dma_start3A_265 = arith.constant 0 : i32
      %dma_start3A_266 = arith.constant 0 : i32
      %dma_start3A_267 = tpu.memref_slice %arg28[%dma_start3A_265, %dma_start3A_266] : memref<10000x128xf32, #tpu.memory_space<vmem_shared>> -> memref<10000x128xf32, #tpu.memory_space<vmem_shared>>
      tpu.enqueue_indirect_dma source(%dma_start3A_264 : memref<80x128xf32, #tpu.memory_space<vmem>>) target(%dma_start3A_267 : memref<10000x128xf32, #tpu.memory_space<vmem_shared>>) offsets(%arg12 : memref<80xi32, #tpu.memory_space<vmem>>) semaphore(%arg25 : memref<!tpu.dma_semaphore, #tpu.memory_space<semaphore_mem>>) {add = true}
      %dma_wait3A_268 = arith.constant 160 : i32
      %dma_wait3A_269 = arith.constant 0 : i32
      %dma_wait3A_270 = tpu.memref_slice %arg15[%dma_wait3A_268, %dma_wait3A_269] : memref<320x128xf32, #tpu.memory_space<vmem>> -> memref<80x128xf32, #tpu.memory_space<vmem>>
      %dma_wait3A_271 = arith.constant 0 : i32
      %dma_wait3A_272 = arith.constant 0 : i32
      %dma_wait3A_273 = tpu.memref_slice %arg5[%dma_wait3A_271, %dma_wait3A_272] : memref<10000x128xf32, #tpu.memory_space<hbm>> -> memref<10000x128xf32, #tpu.memory_space<hbm>>
      tpu.wait_indirect_dma semaphore(%arg22 : memref<!tpu.dma_semaphore, #tpu.memory_space<semaphore_mem>>) src(%dma_wait3A_273 : memref<10000x128xf32, #tpu.memory_space<hbm>>) dst(%dma_wait3A_270 : memref<80x128xf32, #tpu.memory_space<vmem>>)
      %parallel_loop3A_274 = arith.constant 0 : i32
      %parallel_loop3A_275 = arith.constant 80 : i32
      %parallel_loop3A_276 = arith.constant 1 : i32
      scf.for %parallel_loop3A_347 = %parallel_loop3A_274 to %parallel_loop3A_275 step %parallel_loop3A_276  : i32 {
        %parallel_loop3A_348 = arith.constant 160 : i32
        %parallel_loop3A_349 = arith.addi %parallel_loop3A_348, %parallel_loop3A_347 : i32
        %parallel_loop3A_350 = arith.index_cast %parallel_loop3A_349 : i32 to index
        %parallel_loop3A_351 = arith.constant 0 : index
        %parallel_loop3A_352 = tpu.vector_load %arg15[%parallel_loop3A_350, %parallel_loop3A_351] {strides = array<i32>} : memref<320x128xf32, #tpu.memory_space<vmem>>, vector<1x16xf32>,
        %parallel_loop3A_353 = vector.shape_cast %parallel_loop3A_352 : vector<1x16xf32> to vector<16xf32>
        %parallel_loop3A_354 = arith.constant 0.000000e+00 : f32
        %parallel_loop3A_355 = vector.broadcast %parallel_loop3A_354 : f32 to vector<16xf32>
        %parallel_loop3A_356 = arith.maximumf %parallel_loop3A_353, %parallel_loop3A_355 : vector<16xf32>
        %parallel_loop3A_357 = arith.constant 160 : i32
        %parallel_loop3A_358 = arith.addi %parallel_loop3A_357, %parallel_loop3A_347 : i32
        %parallel_loop3A_359 = arith.index_cast %parallel_loop3A_358 : i32 to index
        %parallel_loop3A_360 = arith.constant 0 : index
        %parallel_loop3A_361 = tpu.vector_load %arg15[%parallel_loop3A_359, %parallel_loop3A_360] {strides = array<i32>} : memref<320x128xf32, #tpu.memory_space<vmem>>, vector<1x16xf32>,
        %parallel_loop3A_362 = vector.shape_cast %parallel_loop3A_361 : vector<1x16xf32> to vector<16xf32>
        %parallel_loop3A_363 = vector.shape_cast %parallel_loop3A_356 : vector<16xf32> to vector<1x16xf32>
        tpu.vector_store %arg15[%parallel_loop3A_359, %parallel_loop3A_360], %parallel_loop3A_363 {strides = array<i32>} : memref<320x128xf32, #tpu.memory_space<vmem>>, vector<1x16xf32>,
        %parallel_loop3A_364 = arith.constant 160 : i32
        %parallel_loop3A_365 = arith.addi %parallel_loop3A_364, %parallel_loop3A_347 : i32
        %parallel_loop3A_366 = arith.index_cast %parallel_loop3A_365 : i32 to index
        %parallel_loop3A_367 = arith.constant 16 : index
        %parallel_loop3A_368 = tpu.vector_load %arg15[%parallel_loop3A_366, %parallel_loop3A_367] {strides = array<i32>} : memref<320x128xf32, #tpu.memory_space<vmem>>, vector<1x16xf32>,
        %parallel_loop3A_369 = vector.shape_cast %parallel_loop3A_368 : vector<1x16xf32> to vector<16xf32>
        %parallel_loop3A_370 = arith.constant 0.000000e+00 : f32
        %parallel_loop3A_371 = vector.broadcast %parallel_loop3A_370 : f32 to vector<16xf32>
        %parallel_loop3A_372 = arith.maximumf %parallel_loop3A_369, %parallel_loop3A_371 : vector<16xf32>
        %parallel_loop3A_373 = arith.constant 160 : i32
        %parallel_loop3A_374 = arith.addi %parallel_loop3A_373, %parallel_loop3A_347 : i32
        %parallel_loop3A_375 = arith.index_cast %parallel_loop3A_374 : i32 to index
        %parallel_loop3A_376 = arith.constant 16 : index
        %parallel_loop3A_377 = tpu.vector_load %arg15[%parallel_loop3A_375, %parallel_loop3A_376] {strides = array<i32>} : memref<320x128xf32, #tpu.memory_space<vmem>>, vector<1x16xf32>,
        %parallel_loop3A_378 = vector.shape_cast %parallel_loop3A_377 : vector<1x16xf32> to vector<16xf32>
        %parallel_loop3A_379 = vector.shape_cast %parallel_loop3A_372 : vector<16xf32> to vector<1x16xf32>
        tpu.vector_store %arg15[%parallel_loop3A_375, %parallel_loop3A_376], %parallel_loop3A_379 {strides = array<i32>} : memref<320x128xf32, #tpu.memory_space<vmem>>, vector<1x16xf32>,
        %parallel_loop3A_380 = arith.constant 160 : i32
        %parallel_loop3A_381 = arith.addi %parallel_loop3A_380, %parallel_loop3A_347 : i32
        %parallel_loop3A_382 = arith.index_cast %parallel_loop3A_381 : i32 to index
        %parallel_loop3A_383 = arith.constant 32 : index
        %parallel_loop3A_384 = tpu.vector_load %arg15[%parallel_loop3A_382, %parallel_loop3A_383] {strides = array<i32>} : memref<320x128xf32, #tpu.memory_space<vmem>>, vector<1x16xf32>,
        %parallel_loop3A_385 = vector.shape_cast %parallel_loop3A_384 : vector<1x16xf32> to vector<16xf32>
        %parallel_loop3A_386 = arith.constant 0.000000e+00 : f32
        %parallel_loop3A_387 = vector.broadcast %parallel_loop3A_386 : f32 to vector<16xf32>
        %parallel_loop3A_388 = arith.maximumf %parallel_loop3A_385, %parallel_loop3A_387 : vector<16xf32>
        %parallel_loop3A_389 = arith.constant 160 : i32
        %parallel_loop3A_390 = arith.addi %parallel_loop3A_389, %parallel_loop3A_347 : i32
        %parallel_loop3A_391 = arith.index_cast %parallel_loop3A_390 : i32 to index
        %parallel_loop3A_392 = arith.constant 32 : index
        %parallel_loop3A_393 = tpu.vector_load %arg15[%parallel_loop3A_391, %parallel_loop3A_392] {strides = array<i32>} : memref<320x128xf32, #tpu.memory_space<vmem>>, vector<1x16xf32>,
        %parallel_loop3A_394 = vector.shape_cast %parallel_loop3A_393 : vector<1x16xf32> to vector<16xf32>
        %parallel_loop3A_395 = vector.shape_cast %parallel_loop3A_388 : vector<16xf32> to vector<1x16xf32>
        tpu.vector_store %arg15[%parallel_loop3A_391, %parallel_loop3A_392], %parallel_loop3A_395 {strides = array<i32>} : memref<320x128xf32, #tpu.memory_space<vmem>>, vector<1x16xf32>,
        %parallel_loop3A_396 = arith.constant 160 : i32
        %parallel_loop3A_397 = arith.addi %parallel_loop3A_396, %parallel_loop3A_347 : i32
        %parallel_loop3A_398 = arith.index_cast %parallel_loop3A_397 : i32 to index
        %parallel_loop3A_399 = arith.constant 48 : index
        %parallel_loop3A_400 = tpu.vector_load %arg15[%parallel_loop3A_398, %parallel_loop3A_399] {strides = array<i32>} : memref<320x128xf32, #tpu.memory_space<vmem>>, vector<1x16xf32>,
        %parallel_loop3A_401 = vector.shape_cast %parallel_loop3A_400 : vector<1x16xf32> to vector<16xf32>
        %parallel_loop3A_402 = arith.constant 0.000000e+00 : f32
        %parallel_loop3A_403 = vector.broadcast %parallel_loop3A_402 : f32 to vector<16xf32>
        %parallel_loop3A_404 = arith.maximumf %parallel_loop3A_401, %parallel_loop3A_403 : vector<16xf32>
        %parallel_loop3A_405 = arith.constant 160 : i32
        %parallel_loop3A_406 = arith.addi %parallel_loop3A_405, %parallel_loop3A_347 : i32
        %parallel_loop3A_407 = arith.index_cast %parallel_loop3A_406 : i32 to index
        %parallel_loop3A_408 = arith.constant 48 : index
        %parallel_loop3A_409 = tpu.vector_load %arg15[%parallel_loop3A_407, %parallel_loop3A_408] {strides = array<i32>} : memref<320x128xf32, #tpu.memory_space<vmem>>, vector<1x16xf32>,
        %parallel_loop3A_410 = vector.shape_cast %parallel_loop3A_409 : vector<1x16xf32> to vector<16xf32>
        %parallel_loop3A_411 = vector.shape_cast %parallel_loop3A_404 : vector<16xf32> to vector<1x16xf32>
        tpu.vector_store %arg15[%parallel_loop3A_407, %parallel_loop3A_408], %parallel_loop3A_411 {strides = array<i32>} : memref<320x128xf32, #tpu.memory_space<vmem>>, vector<1x16xf32>,
        %parallel_loop3A_412 = arith.constant 160 : i32
        %parallel_loop3A_413 = arith.addi %parallel_loop3A_412, %parallel_loop3A_347 : i32
        %parallel_loop3A_414 = arith.index_cast %parallel_loop3A_413 : i32 to index
        %parallel_loop3A_415 = arith.constant 64 : index
        %parallel_loop3A_416 = tpu.vector_load %arg15[%parallel_loop3A_414, %parallel_loop3A_415] {strides = array<i32>} : memref<320x128xf32, #tpu.memory_space<vmem>>, vector<1x16xf32>,
        %parallel_loop3A_417 = vector.shape_cast %parallel_loop3A_416 : vector<1x16xf32> to vector<16xf32>
        %parallel_loop3A_418 = arith.constant 0.000000e+00 : f32
        %parallel_loop3A_419 = vector.broadcast %parallel_loop3A_418 : f32 to vector<16xf32>
        %parallel_loop3A_420 = arith.maximumf %parallel_loop3A_417, %parallel_loop3A_419 : vector<16xf32>
        %parallel_loop3A_421 = arith.constant 160 : i32
        %parallel_loop3A_422 = arith.addi %parallel_loop3A_421, %parallel_loop3A_347 : i32
        %parallel_loop3A_423 = arith.index_cast %parallel_loop3A_422 : i32 to index
        %parallel_loop3A_424 = arith.constant 64 : index
        %parallel_loop3A_425 = tpu.vector_load %arg15[%parallel_loop3A_423, %parallel_loop3A_424] {strides = array<i32>} : memref<320x128xf32, #tpu.memory_space<vmem>>, vector<1x16xf32>,
        %parallel_loop3A_426 = vector.shape_cast %parallel_loop3A_425 : vector<1x16xf32> to vector<16xf32>
        %parallel_loop3A_427 = vector.shape_cast %parallel_loop3A_420 : vector<16xf32> to vector<1x16xf32>
        tpu.vector_store %arg15[%parallel_loop3A_423, %parallel_loop3A_424], %parallel_loop3A_427 {strides = array<i32>} : memref<320x128xf32, #tpu.memory_space<vmem>>, vector<1x16xf32>,
        %parallel_loop3A_428 = arith.constant 160 : i32
        %parallel_loop3A_429 = arith.addi %parallel_loop3A_428, %parallel_loop3A_347 : i32
        %parallel_loop3A_430 = arith.index_cast %parallel_loop3A_429 : i32 to index
        %parallel_loop3A_431 = arith.constant 80 : index
        %parallel_loop3A_432 = tpu.vector_load %arg15[%parallel_loop3A_430, %parallel_loop3A_431] {strides = array<i32>} : memref<320x128xf32, #tpu.memory_space<vmem>>, vector<1x16xf32>,
        %parallel_loop3A_433 = vector.shape_cast %parallel_loop3A_432 : vector<1x16xf32> to vector<16xf32>
        %parallel_loop3A_434 = arith.constant 0.000000e+00 : f32
        %parallel_loop3A_435 = vector.broadcast %parallel_loop3A_434 : f32 to vector<16xf32>
        %parallel_loop3A_436 = arith.maximumf %parallel_loop3A_433, %parallel_loop3A_435 : vector<16xf32>
        %parallel_loop3A_437 = arith.constant 160 : i32
        %parallel_loop3A_438 = arith.addi %parallel_loop3A_437, %parallel_loop3A_347 : i32
        %parallel_loop3A_439 = arith.index_cast %parallel_loop3A_438 : i32 to index
        %parallel_loop3A_440 = arith.constant 80 : index
        %parallel_loop3A_441 = tpu.vector_load %arg15[%parallel_loop3A_439, %parallel_loop3A_440] {strides = array<i32>} : memref<320x128xf32, #tpu.memory_space<vmem>>, vector<1x16xf32>,
        %parallel_loop3A_442 = vector.shape_cast %parallel_loop3A_441 : vector<1x16xf32> to vector<16xf32>
        %parallel_loop3A_443 = vector.shape_cast %parallel_loop3A_436 : vector<16xf32> to vector<1x16xf32>
        tpu.vector_store %arg15[%parallel_loop3A_439, %parallel_loop3A_440], %parallel_loop3A_443 {strides = array<i32>} : memref<320x128xf32, #tpu.memory_space<vmem>>, vector<1x16xf32>,
        %parallel_loop3A_444 = arith.constant 160 : i32
        %parallel_loop3A_445 = arith.addi %parallel_loop3A_444, %parallel_loop3A_347 : i32
        %parallel_loop3A_446 = arith.index_cast %parallel_loop3A_445 : i32 to index
        %parallel_loop3A_447 = arith.constant 96 : index
        %parallel_loop3A_448 = tpu.vector_load %arg15[%parallel_loop3A_446, %parallel_loop3A_447] {strides = array<i32>} : memref<320x128xf32, #tpu.memory_space<vmem>>, vector<1x16xf32>,
        %parallel_loop3A_449 = vector.shape_cast %parallel_loop3A_448 : vector<1x16xf32> to vector<16xf32>
        %parallel_loop3A_450 = arith.constant 0.000000e+00 : f32
        %parallel_loop3A_451 = vector.broadcast %parallel_loop3A_450 : f32 to vector<16xf32>
        %parallel_loop3A_452 = arith.maximumf %parallel_loop3A_449, %parallel_loop3A_451 : vector<16xf32>
        %parallel_loop3A_453 = arith.constant 160 : i32
        %parallel_loop3A_454 = arith.addi %parallel_loop3A_453, %parallel_loop3A_347 : i32
        %parallel_loop3A_455 = arith.index_cast %parallel_loop3A_454 : i32 to index
        %parallel_loop3A_456 = arith.constant 96 : index
        %parallel_loop3A_457 = tpu.vector_load %arg15[%parallel_loop3A_455, %parallel_loop3A_456] {strides = array<i32>} : memref<320x128xf32, #tpu.memory_space<vmem>>, vector<1x16xf32>,
        %parallel_loop3A_458 = vector.shape_cast %parallel_loop3A_457 : vector<1x16xf32> to vector<16xf32>
        %parallel_loop3A_459 = vector.shape_cast %parallel_loop3A_452 : vector<16xf32> to vector<1x16xf32>
        tpu.vector_store %arg15[%parallel_loop3A_455, %parallel_loop3A_456], %parallel_loop3A_459 {strides = array<i32>} : memref<320x128xf32, #tpu.memory_space<vmem>>, vector<1x16xf32>,
        %parallel_loop3A_460 = arith.constant 160 : i32
        %parallel_loop3A_461 = arith.addi %parallel_loop3A_460, %parallel_loop3A_347 : i32
        %parallel_loop3A_462 = arith.index_cast %parallel_loop3A_461 : i32 to index
        %parallel_loop3A_463 = arith.constant 112 : index
        %parallel_loop3A_464 = tpu.vector_load %arg15[%parallel_loop3A_462, %parallel_loop3A_463] {strides = array<i32>} : memref<320x128xf32, #tpu.memory_space<vmem>>, vector<1x16xf32>,
        %parallel_loop3A_465 = vector.shape_cast %parallel_loop3A_464 : vector<1x16xf32> to vector<16xf32>
        %parallel_loop3A_466 = arith.constant 0.000000e+00 : f32
        %parallel_loop3A_467 = vector.broadcast %parallel_loop3A_466 : f32 to vector<16xf32>
        %parallel_loop3A_468 = arith.maximumf %parallel_loop3A_465, %parallel_loop3A_467 : vector<16xf32>
        %parallel_loop3A_469 = arith.constant 160 : i32
        %parallel_loop3A_470 = arith.addi %parallel_loop3A_469, %parallel_loop3A_347 : i32
        %parallel_loop3A_471 = arith.index_cast %parallel_loop3A_470 : i32 to index
        %parallel_loop3A_472 = arith.constant 112 : index
        %parallel_loop3A_473 = tpu.vector_load %arg15[%parallel_loop3A_471, %parallel_loop3A_472] {strides = array<i32>} : memref<320x128xf32, #tpu.memory_space<vmem>>, vector<1x16xf32>,
        %parallel_loop3A_474 = vector.shape_cast %parallel_loop3A_473 : vector<1x16xf32> to vector<16xf32>
        %parallel_loop3A_475 = vector.shape_cast %parallel_loop3A_468 : vector<16xf32> to vector<1x16xf32>
        tpu.vector_store %arg15[%parallel_loop3A_471, %parallel_loop3A_472], %parallel_loop3A_475 {strides = array<i32>} : memref<320x128xf32, #tpu.memory_space<vmem>>, vector<1x16xf32>,
      } {sc.loop_unroll_factor = 4 : i64, sc.parallel_access}
      %dma_start3A_277 = arith.constant 160 : i32
      %dma_start3A_278 = arith.constant 0 : i32
      %dma_start3A_279 = tpu.memref_slice %arg15[%dma_start3A_277, %dma_start3A_278] : memref<320x128xf32, #tpu.memory_space<vmem>> -> memref<80x128xf32, #tpu.memory_space<vmem>>
      %dma_start3A_280 = arith.constant 0 : i32
      %dma_start3A_281 = arith.constant 0 : i32
      %dma_start3A_282 = tpu.memref_slice %arg28[%dma_start3A_280, %dma_start3A_281] : memref<10000x128xf32, #tpu.memory_space<vmem_shared>> -> memref<10000x128xf32, #tpu.memory_space<vmem_shared>>
      tpu.enqueue_indirect_dma source(%dma_start3A_279 : memref<80x128xf32, #tpu.memory_space<vmem>>) target(%dma_start3A_282 : memref<10000x128xf32, #tpu.memory_space<vmem_shared>>) offsets(%arg13 : memref<80xi32, #tpu.memory_space<vmem>>) semaphore(%arg26 : memref<!tpu.dma_semaphore, #tpu.memory_space<semaphore_mem>>) {add = true}
      %dma_wait3A_283 = arith.constant 240 : i32
      %dma_wait3A_284 = arith.constant 0 : i32
      %dma_wait3A_285 = tpu.memref_slice %arg15[%dma_wait3A_283, %dma_wait3A_284] : memref<320x128xf32, #tpu.memory_space<vmem>> -> memref<80x128xf32, #tpu.memory_space<vmem>>
      %dma_wait3A_286 = arith.constant 0 : i32
      %dma_wait3A_287 = arith.constant 0 : i32
      %dma_wait3A_288 = tpu.memref_slice %arg5[%dma_wait3A_286, %dma_wait3A_287] : memref<10000x128xf32, #tpu.memory_space<hbm>> -> memref<10000x128xf32, #tpu.memory_space<hbm>>
      tpu.wait_indirect_dma semaphore(%arg23 : memref<!tpu.dma_semaphore, #tpu.memory_space<semaphore_mem>>) src(%dma_wait3A_288 : memref<10000x128xf32, #tpu.memory_space<hbm>>) dst(%dma_wait3A_285 : memref<80x128xf32, #tpu.memory_space<vmem>>)
      %parallel_loop3A_289 = arith.constant 0 : i32
      %parallel_loop3A_290 = arith.constant 80 : i32
      %parallel_loop3A_291 = arith.constant 1 : i32
      scf.for %parallel_loop3A_347 = %parallel_loop3A_289 to %parallel_loop3A_290 step %parallel_loop3A_291  : i32 {
        %parallel_loop3A_348 = arith.constant 240 : i32
        %parallel_loop3A_349 = arith.addi %parallel_loop3A_348, %parallel_loop3A_347 : i32
        %parallel_loop3A_350 = arith.index_cast %parallel_loop3A_349 : i32 to index
        %parallel_loop3A_351 = arith.constant 0 : index
        %parallel_loop3A_352 = tpu.vector_load %arg15[%parallel_loop3A_350, %parallel_loop3A_351] {strides = array<i32>} : memref<320x128xf32, #tpu.memory_space<vmem>>, vector<1x16xf32>,
        %parallel_loop3A_353 = vector.shape_cast %parallel_loop3A_352 : vector<1x16xf32> to vector<16xf32>
        %parallel_loop3A_354 = arith.constant 0.000000e+00 : f32
        %parallel_loop3A_355 = vector.broadcast %parallel_loop3A_354 : f32 to vector<16xf32>
        %parallel_loop3A_356 = arith.maximumf %parallel_loop3A_353, %parallel_loop3A_355 : vector<16xf32>
        %parallel_loop3A_357 = arith.constant 240 : i32
        %parallel_loop3A_358 = arith.addi %parallel_loop3A_357, %parallel_loop3A_347 : i32
        %parallel_loop3A_359 = arith.index_cast %parallel_loop3A_358 : i32 to index
        %parallel_loop3A_360 = arith.constant 0 : index
        %parallel_loop3A_361 = tpu.vector_load %arg15[%parallel_loop3A_359, %parallel_loop3A_360] {strides = array<i32>} : memref<320x128xf32, #tpu.memory_space<vmem>>, vector<1x16xf32>,
        %parallel_loop3A_362 = vector.shape_cast %parallel_loop3A_361 : vector<1x16xf32> to vector<16xf32>
        %parallel_loop3A_363 = vector.shape_cast %parallel_loop3A_356 : vector<16xf32> to vector<1x16xf32>
        tpu.vector_store %arg15[%parallel_loop3A_359, %parallel_loop3A_360], %parallel_loop3A_363 {strides = array<i32>} : memref<320x128xf32, #tpu.memory_space<vmem>>, vector<1x16xf32>,
        %parallel_loop3A_364 = arith.constant 240 : i32
        %parallel_loop3A_365 = arith.addi %parallel_loop3A_364, %parallel_loop3A_347 : i32
        %parallel_loop3A_366 = arith.index_cast %parallel_loop3A_365 : i32 to index
        %parallel_loop3A_367 = arith.constant 16 : index
        %parallel_loop3A_368 = tpu.vector_load %arg15[%parallel_loop3A_366, %parallel_loop3A_367] {strides = array<i32>} : memref<320x128xf32, #tpu.memory_space<vmem>>, vector<1x16xf32>,
        %parallel_loop3A_369 = vector.shape_cast %parallel_loop3A_368 : vector<1x16xf32> to vector<16xf32>
        %parallel_loop3A_370 = arith.constant 0.000000e+00 : f32
        %parallel_loop3A_371 = vector.broadcast %parallel_loop3A_370 : f32 to vector<16xf32>
        %parallel_loop3A_372 = arith.maximumf %parallel_loop3A_369, %parallel_loop3A_371 : vector<16xf32>
        %parallel_loop3A_373 = arith.constant 240 : i32
        %parallel_loop3A_374 = arith.addi %parallel_loop3A_373, %parallel_loop3A_347 : i32
        %parallel_loop3A_375 = arith.index_cast %parallel_loop3A_374 : i32 to index
        %parallel_loop3A_376 = arith.constant 16 : index
        %parallel_loop3A_377 = tpu.vector_load %arg15[%parallel_loop3A_375, %parallel_loop3A_376] {strides = array<i32>} : memref<320x128xf32, #tpu.memory_space<vmem>>, vector<1x16xf32>,
        %parallel_loop3A_378 = vector.shape_cast %parallel_loop3A_377 : vector<1x16xf32> to vector<16xf32>
        %parallel_loop3A_379 = vector.shape_cast %parallel_loop3A_372 : vector<16xf32> to vector<1x16xf32>
        tpu.vector_store %arg15[%parallel_loop3A_375, %parallel_loop3A_376], %parallel_loop3A_379 {strides = array<i32>} : memref<320x128xf32, #tpu.memory_space<vmem>>, vector<1x16xf32>,
        %parallel_loop3A_380 = arith.constant 240 : i32
        %parallel_loop3A_381 = arith.addi %parallel_loop3A_380, %parallel_loop3A_347 : i32
        %parallel_loop3A_382 = arith.index_cast %parallel_loop3A_381 : i32 to index
        %parallel_loop3A_383 = arith.constant 32 : index
        %parallel_loop3A_384 = tpu.vector_load %arg15[%parallel_loop3A_382, %parallel_loop3A_383] {strides = array<i32>} : memref<320x128xf32, #tpu.memory_space<vmem>>, vector<1x16xf32>,
        %parallel_loop3A_385 = vector.shape_cast %parallel_loop3A_384 : vector<1x16xf32> to vector<16xf32>
        %parallel_loop3A_386 = arith.constant 0.000000e+00 : f32
        %parallel_loop3A_387 = vector.broadcast %parallel_loop3A_386 : f32 to vector<16xf32>
        %parallel_loop3A_388 = arith.maximumf %parallel_loop3A_385, %parallel_loop3A_387 : vector<16xf32>
        %parallel_loop3A_389 = arith.constant 240 : i32
        %parallel_loop3A_390 = arith.addi %parallel_loop3A_389, %parallel_loop3A_347 : i32
        %parallel_loop3A_391 = arith.index_cast %parallel_loop3A_390 : i32 to index
        %parallel_loop3A_392 = arith.constant 32 : index
        %parallel_loop3A_393 = tpu.vector_load %arg15[%parallel_loop3A_391, %parallel_loop3A_392] {strides = array<i32>} : memref<320x128xf32, #tpu.memory_space<vmem>>, vector<1x16xf32>,
        %parallel_loop3A_394 = vector.shape_cast %parallel_loop3A_393 : vector<1x16xf32> to vector<16xf32>
        %parallel_loop3A_395 = vector.shape_cast %parallel_loop3A_388 : vector<16xf32> to vector<1x16xf32>
        tpu.vector_store %arg15[%parallel_loop3A_391, %parallel_loop3A_392], %parallel_loop3A_395 {strides = array<i32>} : memref<320x128xf32, #tpu.memory_space<vmem>>, vector<1x16xf32>,
        %parallel_loop3A_396 = arith.constant 240 : i32
        %parallel_loop3A_397 = arith.addi %parallel_loop3A_396, %parallel_loop3A_347 : i32
        %parallel_loop3A_398 = arith.index_cast %parallel_loop3A_397 : i32 to index
        %parallel_loop3A_399 = arith.constant 48 : index
        %parallel_loop3A_400 = tpu.vector_load %arg15[%parallel_loop3A_398, %parallel_loop3A_399] {strides = array<i32>} : memref<320x128xf32, #tpu.memory_space<vmem>>, vector<1x16xf32>,
        %parallel_loop3A_401 = vector.shape_cast %parallel_loop3A_400 : vector<1x16xf32> to vector<16xf32>
        %parallel_loop3A_402 = arith.constant 0.000000e+00 : f32
        %parallel_loop3A_403 = vector.broadcast %parallel_loop3A_402 : f32 to vector<16xf32>
        %parallel_loop3A_404 = arith.maximumf %parallel_loop3A_401, %parallel_loop3A_403 : vector<16xf32>
        %parallel_loop3A_405 = arith.constant 240 : i32
        %parallel_loop3A_406 = arith.addi %parallel_loop3A_405, %parallel_loop3A_347 : i32
        %parallel_loop3A_407 = arith.index_cast %parallel_loop3A_406 : i32 to index
        %parallel_loop3A_408 = arith.constant 48 : index
        %parallel_loop3A_409 = tpu.vector_load %arg15[%parallel_loop3A_407, %parallel_loop3A_408] {strides = array<i32>} : memref<320x128xf32, #tpu.memory_space<vmem>>, vector<1x16xf32>,
        %parallel_loop3A_410 = vector.shape_cast %parallel_loop3A_409 : vector<1x16xf32> to vector<16xf32>
        %parallel_loop3A_411 = vector.shape_cast %parallel_loop3A_404 : vector<16xf32> to vector<1x16xf32>
        tpu.vector_store %arg15[%parallel_loop3A_407, %parallel_loop3A_408], %parallel_loop3A_411 {strides = array<i32>} : memref<320x128xf32, #tpu.memory_space<vmem>>, vector<1x16xf32>,
        %parallel_loop3A_412 = arith.constant 240 : i32
        %parallel_loop3A_413 = arith.addi %parallel_loop3A_412, %parallel_loop3A_347 : i32
        %parallel_loop3A_414 = arith.index_cast %parallel_loop3A_413 : i32 to index
        %parallel_loop3A_415 = arith.constant 64 : index
        %parallel_loop3A_416 = tpu.vector_load %arg15[%parallel_loop3A_414, %parallel_loop3A_415] {strides = array<i32>} : memref<320x128xf32, #tpu.memory_space<vmem>>, vector<1x16xf32>,
        %parallel_loop3A_417 = vector.shape_cast %parallel_loop3A_416 : vector<1x16xf32> to vector<16xf32>
        %parallel_loop3A_418 = arith.constant 0.000000e+00 : f32
        %parallel_loop3A_419 = vector.broadcast %parallel_loop3A_418 : f32 to vector<16xf32>
        %parallel_loop3A_420 = arith.maximumf %parallel_loop3A_417, %parallel_loop3A_419 : vector<16xf32>
        %parallel_loop3A_421 = arith.constant 240 : i32
        %parallel_loop3A_422 = arith.addi %parallel_loop3A_421, %parallel_loop3A_347 : i32
        %parallel_loop3A_423 = arith.index_cast %parallel_loop3A_422 : i32 to index
        %parallel_loop3A_424 = arith.constant 64 : index
        %parallel_loop3A_425 = tpu.vector_load %arg15[%parallel_loop3A_423, %parallel_loop3A_424] {strides = array<i32>} : memref<320x128xf32, #tpu.memory_space<vmem>>, vector<1x16xf32>,
        %parallel_loop3A_426 = vector.shape_cast %parallel_loop3A_425 : vector<1x16xf32> to vector<16xf32>
        %parallel_loop3A_427 = vector.shape_cast %parallel_loop3A_420 : vector<16xf32> to vector<1x16xf32>
        tpu.vector_store %arg15[%parallel_loop3A_423, %parallel_loop3A_424], %parallel_loop3A_427 {strides = array<i32>} : memref<320x128xf32, #tpu.memory_space<vmem>>, vector<1x16xf32>,
        %parallel_loop3A_428 = arith.constant 240 : i32
        %parallel_loop3A_429 = arith.addi %parallel_loop3A_428, %parallel_loop3A_347 : i32
        %parallel_loop3A_430 = arith.index_cast %parallel_loop3A_429 : i32 to index
        %parallel_loop3A_431 = arith.constant 80 : index
        %parallel_loop3A_432 = tpu.vector_load %arg15[%parallel_loop3A_430, %parallel_loop3A_431] {strides = array<i32>} : memref<320x128xf32, #tpu.memory_space<vmem>>, vector<1x16xf32>,
        %parallel_loop3A_433 = vector.shape_cast %parallel_loop3A_432 : vector<1x16xf32> to vector<16xf32>
        %parallel_loop3A_434 = arith.constant 0.000000e+00 : f32
        %parallel_loop3A_435 = vector.broadcast %parallel_loop3A_434 : f32 to vector<16xf32>
        %parallel_loop3A_436 = arith.maximumf %parallel_loop3A_433, %parallel_loop3A_435 : vector<16xf32>
        %parallel_loop3A_437 = arith.constant 240 : i32
        %parallel_loop3A_438 = arith.addi %parallel_loop3A_437, %parallel_loop3A_347 : i32
        %parallel_loop3A_439 = arith.index_cast %parallel_loop3A_438 : i32 to index
        %parallel_loop3A_440 = arith.constant 80 : index
        %parallel_loop3A_441 = tpu.vector_load %arg15[%parallel_loop3A_439, %parallel_loop3A_440] {strides = array<i32>} : memref<320x128xf32, #tpu.memory_space<vmem>>, vector<1x16xf32>,
        %parallel_loop3A_442 = vector.shape_cast %parallel_loop3A_441 : vector<1x16xf32> to vector<16xf32>
        %parallel_loop3A_443 = vector.shape_cast %parallel_loop3A_436 : vector<16xf32> to vector<1x16xf32>
        tpu.vector_store %arg15[%parallel_loop3A_439, %parallel_loop3A_440], %parallel_loop3A_443 {strides = array<i32>} : memref<320x128xf32, #tpu.memory_space<vmem>>, vector<1x16xf32>,
        %parallel_loop3A_444 = arith.constant 240 : i32
        %parallel_loop3A_445 = arith.addi %parallel_loop3A_444, %parallel_loop3A_347 : i32
        %parallel_loop3A_446 = arith.index_cast %parallel_loop3A_445 : i32 to index
        %parallel_loop3A_447 = arith.constant 96 : index
        %parallel_loop3A_448 = tpu.vector_load %arg15[%parallel_loop3A_446, %parallel_loop3A_447] {strides = array<i32>} : memref<320x128xf32, #tpu.memory_space<vmem>>, vector<1x16xf32>,
        %parallel_loop3A_449 = vector.shape_cast %parallel_loop3A_448 : vector<1x16xf32> to vector<16xf32>
        %parallel_loop3A_450 = arith.constant 0.000000e+00 : f32
        %parallel_loop3A_451 = vector.broadcast %parallel_loop3A_450 : f32 to vector<16xf32>
        %parallel_loop3A_452 = arith.maximumf %parallel_loop3A_449, %parallel_loop3A_451 : vector<16xf32>
        %parallel_loop3A_453 = arith.constant 240 : i32
        %parallel_loop3A_454 = arith.addi %parallel_loop3A_453, %parallel_loop3A_347 : i32
        %parallel_loop3A_455 = arith.index_cast %parallel_loop3A_454 : i32 to index
        %parallel_loop3A_456 = arith.constant 96 : index
        %parallel_loop3A_457 = tpu.vector_load %arg15[%parallel_loop3A_455, %parallel_loop3A_456] {strides = array<i32>} : memref<320x128xf32, #tpu.memory_space<vmem>>, vector<1x16xf32>,
        %parallel_loop3A_458 = vector.shape_cast %parallel_loop3A_457 : vector<1x16xf32> to vector<16xf32>
        %parallel_loop3A_459 = vector.shape_cast %parallel_loop3A_452 : vector<16xf32> to vector<1x16xf32>
        tpu.vector_store %arg15[%parallel_loop3A_455, %parallel_loop3A_456], %parallel_loop3A_459 {strides = array<i32>} : memref<320x128xf32, #tpu.memory_space<vmem>>, vector<1x16xf32>,
        %parallel_loop3A_460 = arith.constant 240 : i32
        %parallel_loop3A_461 = arith.addi %parallel_loop3A_460, %parallel_loop3A_347 : i32
        %parallel_loop3A_462 = arith.index_cast %parallel_loop3A_461 : i32 to index
        %parallel_loop3A_463 = arith.constant 112 : index
        %parallel_loop3A_464 = tpu.vector_load %arg15[%parallel_loop3A_462, %parallel_loop3A_463] {strides = array<i32>} : memref<320x128xf32, #tpu.memory_space<vmem>>, vector<1x16xf32>,
        %parallel_loop3A_465 = vector.shape_cast %parallel_loop3A_464 : vector<1x16xf32> to vector<16xf32>
        %parallel_loop3A_466 = arith.constant 0.000000e+00 : f32
        %parallel_loop3A_467 = vector.broadcast %parallel_loop3A_466 : f32 to vector<16xf32>
        %parallel_loop3A_468 = arith.maximumf %parallel_loop3A_465, %parallel_loop3A_467 : vector<16xf32>
        %parallel_loop3A_469 = arith.constant 240 : i32
        %parallel_loop3A_470 = arith.addi %parallel_loop3A_469, %parallel_loop3A_347 : i32
        %parallel_loop3A_471 = arith.index_cast %parallel_loop3A_470 : i32 to index
        %parallel_loop3A_472 = arith.constant 112 : index
        %parallel_loop3A_473 = tpu.vector_load %arg15[%parallel_loop3A_471, %parallel_loop3A_472] {strides = array<i32>} : memref<320x128xf32, #tpu.memory_space<vmem>>, vector<1x16xf32>,
        %parallel_loop3A_474 = vector.shape_cast %parallel_loop3A_473 : vector<1x16xf32> to vector<16xf32>
        %parallel_loop3A_475 = vector.shape_cast %parallel_loop3A_468 : vector<16xf32> to vector<1x16xf32>
        tpu.vector_store %arg15[%parallel_loop3A_471, %parallel_loop3A_472], %parallel_loop3A_475 {strides = array<i32>} : memref<320x128xf32, #tpu.memory_space<vmem>>, vector<1x16xf32>,
      } {sc.loop_unroll_factor = 4 : i64, sc.parallel_access}
      %dma_start3A_292 = arith.constant 240 : i32
      %dma_start3A_293 = arith.constant 0 : i32
      %dma_start3A_294 = tpu.memref_slice %arg15[%dma_start3A_292, %dma_start3A_293] : memref<320x128xf32, #tpu.memory_space<vmem>> -> memref<80x128xf32, #tpu.memory_space<vmem>>
      %dma_start3A_295 = arith.constant 0 : i32
      %dma_start3A_296 = arith.constant 0 : i32
      %dma_start3A_297 = tpu.memref_slice %arg28[%dma_start3A_295, %dma_start3A_296] : memref<10000x128xf32, #tpu.memory_space<vmem_shared>> -> memref<10000x128xf32, #tpu.memory_space<vmem_shared>>
      tpu.enqueue_indirect_dma source(%dma_start3A_294 : memref<80x128xf32, #tpu.memory_space<vmem>>) target(%dma_start3A_297 : memref<10000x128xf32, #tpu.memory_space<vmem_shared>>) offsets(%arg14 : memref<80xi32, #tpu.memory_space<vmem>>) semaphore(%arg27 : memref<!tpu.dma_semaphore, #tpu.memory_space<semaphore_mem>>) {add = true}
      %dma_wait3A_298 = arith.constant 0 : i32
      %dma_wait3A_299 = arith.constant 0 : i32
      %dma_wait3A_300 = tpu.memref_slice %arg15[%dma_wait3A_298, %dma_wait3A_299] : memref<320x128xf32, #tpu.memory_space<vmem>> -> memref<80x128xf32, #tpu.memory_space<vmem>>
      %dma_wait3A_301 = arith.constant 0 : i32
      %dma_wait3A_302 = arith.constant 0 : i32
      %dma_wait3A_303 = tpu.memref_slice %arg28[%dma_wait3A_301, %dma_wait3A_302] : memref<10000x128xf32, #tpu.memory_space<vmem_shared>> -> memref<10000x128xf32, #tpu.memory_space<vmem_shared>>
      tpu.wait_indirect_dma semaphore(%arg24 : memref<!tpu.dma_semaphore, #tpu.memory_space<semaphore_mem>>) src(%dma_wait3A_300 : memref<80x128xf32, #tpu.memory_space<vmem>>) dst(%dma_wait3A_303 : memref<10000x128xf32, #tpu.memory_space<vmem_shared>>)
      %lt3A = arith.constant 30 : i32
      %lt3A_304 = arith.cmpi slt, %scan3A_128, %lt3A : i32
      %convert_element_type3A_305 = arith.extui %lt3A_304 : i1 to i32
      %cond3A_306 = arith.constant 0 : i32
      %cond3A_307 = arith.cmpi ne, %convert_element_type3A_305, %cond3A_306 : i32
      scf.if %cond3A_307 {
        %add3A_347 = arith.constant 1 : i32
        %add3A_348 = arith.addi %scan3A_128, %add3A_347 : i32
        %mul3A_349 = arith.constant 4 : i32
        %mul3A_350 = arith.muli %add3A_348, %mul3A_349 : i32
        %add3A_351 = arith.constant 0 : i32
        %add3A_352 = arith.addi %mul3A_350, %add3A_351 : i32
        %mul3A_353 = arith.constant 80 : i32
        %mul3A_354 = arith.muli %add3A_352, %mul3A_353 : i32
        %add3A_355 = arith.addi %mul3A_2, %mul3A_354 : i32
        %dma_start3A_356 = tpu.memref_slice %arg2[%add3A_355] : memref<320000xi32, #tpu.memory_space<hbm>> -> memref<80xi32, #tpu.memory_space<hbm>>
        %dma_start3A_357 = tpu.memref_slice %arg2[%add3A_355] : memref<320000xi32, #tpu.memory_space<hbm>> -> memref<80xi32, #tpu.memory_space<hbm>>
        tpu.enqueue_dma source(%dma_start3A_357 : memref<80xi32, #tpu.memory_space<hbm>>) target(%arg7 : memref<80xi32, #tpu.memory_space<vmem>>) target_semaphore(%arg16 : memref<!tpu.dma_semaphore, #tpu.memory_space<semaphore_mem>>)
        %dma_start3A_358 = tpu.memref_slice %arg3[%add3A_355] : memref<320000xi32, #tpu.memory_space<hbm>> -> memref<80xi32, #tpu.memory_space<hbm>>
        %dma_start3A_359 = tpu.memref_slice %arg3[%add3A_355] : memref<320000xi32, #tpu.memory_space<hbm>> -> memref<80xi32, #tpu.memory_space<hbm>>
        tpu.enqueue_dma source(%dma_start3A_359 : memref<80xi32, #tpu.memory_space<hbm>>) target(%arg11 : memref<80xi32, #tpu.memory_space<vmem>>) target_semaphore(%arg16 : memref<!tpu.dma_semaphore, #tpu.memory_space<semaphore_mem>>)
        %dma_start3A_360 = arith.constant 0 : i32
        %dma_start3A_361 = arith.constant 0 : i32
        %dma_start3A_362 = tpu.memref_slice %arg15[%dma_start3A_360, %dma_start3A_361] : memref<320x128xf32, #tpu.memory_space<vmem>> -> memref<80x128xf32, #tpu.memory_space<vmem>>
        %dma_start3A_363 = arith.constant 0 : i32
        %dma_start3A_364 = tpu.memref_slice %arg4[%add3A_355, %dma_start3A_363] : memref<320000x128xf32, #tpu.memory_space<hbm>> -> memref<80x128xf32, #tpu.memory_space<hbm>>
        %dma_start3A_365 = arith.constant 0 : i32
        %dma_start3A_366 = arith.constant 0 : i32
        %dma_start3A_367 = tpu.memref_slice %arg15[%dma_start3A_365, %dma_start3A_366] : memref<320x128xf32, #tpu.memory_space<vmem>> -> memref<80x128xf32, #tpu.memory_space<vmem>>
        %dma_start3A_368 = arith.constant 0 : i32
        %dma_start3A_369 = tpu.memref_slice %arg4[%add3A_355, %dma_start3A_368] : memref<320000x128xf32, #tpu.memory_space<hbm>> -> memref<80x128xf32, #tpu.memory_space<hbm>>
        tpu.enqueue_dma source(%dma_start3A_369 : memref<80x128xf32, #tpu.memory_space<hbm>>) target(%dma_start3A_367 : memref<80x128xf32, #tpu.memory_space<vmem>>) target_semaphore(%arg16 : memref<!tpu.dma_semaphore, #tpu.memory_space<semaphore_mem>>)
      } else {
      }
      %eq3A_308 = arith.constant 30 : i32
      %eq3A_309 = arith.cmpi eq, %scan3A_128, %eq3A_308 : i32
      %convert_element_type3A_310 = arith.extui %eq3A_309 : i1 to i32
      %cond3A_311 = arith.constant 0 : i32
      %cond3A_312 = arith.cmpi ne, %convert_element_type3A_310, %cond3A_311 : i32
      scf.if %cond3A_312 {
        %add3A_347 = arith.constant 9920 : i32
        %add3A_348 = arith.addi %mul3A_2, %add3A_347 : i32
        %dma_start3A_349 = tpu.memref_slice %arg2[%add3A_348] : memref<320000xi32, #tpu.memory_space<hbm>> -> memref<80xi32, #tpu.memory_space<hbm>>
        %dma_start3A_350 = tpu.memref_slice %arg2[%add3A_348] : memref<320000xi32, #tpu.memory_space<hbm>> -> memref<80xi32, #tpu.memory_space<hbm>>
        tpu.enqueue_dma source(%dma_start3A_350 : memref<80xi32, #tpu.memory_space<hbm>>) target(%arg7 : memref<80xi32, #tpu.memory_space<vmem>>) target_semaphore(%arg16 : memref<!tpu.dma_semaphore, #tpu.memory_space<semaphore_mem>>)
        %dma_start3A_351 = tpu.memref_slice %arg3[%add3A_348] : memref<320000xi32, #tpu.memory_space<hbm>> -> memref<80xi32, #tpu.memory_space<hbm>>
        %dma_start3A_352 = tpu.memref_slice %arg3[%add3A_348] : memref<320000xi32, #tpu.memory_space<hbm>> -> memref<80xi32, #tpu.memory_space<hbm>>
        tpu.enqueue_dma source(%dma_start3A_352 : memref<80xi32, #tpu.memory_space<hbm>>) target(%arg11 : memref<80xi32, #tpu.memory_space<vmem>>) target_semaphore(%arg16 : memref<!tpu.dma_semaphore, #tpu.memory_space<semaphore_mem>>)
        %dma_start3A_353 = arith.constant 0 : i32
        %dma_start3A_354 = arith.constant 0 : i32
        %dma_start3A_355 = tpu.memref_slice %arg15[%dma_start3A_353, %dma_start3A_354] : memref<320x128xf32, #tpu.memory_space<vmem>> -> memref<80x128xf32, #tpu.memory_space<vmem>>
        %dma_start3A_356 = arith.constant 0 : i32
        %dma_start3A_357 = tpu.memref_slice %arg4[%add3A_348, %dma_start3A_356] : memref<320000x128xf32, #tpu.memory_space<hbm>> -> memref<80x128xf32, #tpu.memory_space<hbm>>
        %dma_start3A_358 = arith.constant 0 : i32
        %dma_start3A_359 = arith.constant 0 : i32
        %dma_start3A_360 = tpu.memref_slice %arg15[%dma_start3A_358, %dma_start3A_359] : memref<320x128xf32, #tpu.memory_space<vmem>> -> memref<80x128xf32, #tpu.memory_space<vmem>>
        %dma_start3A_361 = arith.constant 0 : i32
        %dma_start3A_362 = tpu.memref_slice %arg4[%add3A_348, %dma_start3A_361] : memref<320000x128xf32, #tpu.memory_space<hbm>> -> memref<80x128xf32, #tpu.memory_space<hbm>>
        tpu.enqueue_dma source(%dma_start3A_362 : memref<80x128xf32, #tpu.memory_space<hbm>>) target(%dma_start3A_360 : memref<80x128xf32, #tpu.memory_space<vmem>>) target_semaphore(%arg16 : memref<!tpu.dma_semaphore, #tpu.memory_space<semaphore_mem>>)
      } else {
      }
      %dma_wait3A_313 = arith.constant 80 : i32
      %dma_wait3A_314 = arith.constant 0 : i32
      %dma_wait3A_315 = tpu.memref_slice %arg15[%dma_wait3A_313, %dma_wait3A_314] : memref<320x128xf32, #tpu.memory_space<vmem>> -> memref<80x128xf32, #tpu.memory_space<vmem>>
      %dma_wait3A_316 = arith.constant 0 : i32
      %dma_wait3A_317 = arith.constant 0 : i32
      %dma_wait3A_318 = tpu.memref_slice %arg28[%dma_wait3A_316, %dma_wait3A_317] : memref<10000x128xf32, #tpu.memory_space<vmem_shared>> -> memref<10000x128xf32, #tpu.memory_space<vmem_shared>>
      tpu.wait_indirect_dma semaphore(%arg25 : memref<!tpu.dma_semaphore, #tpu.memory_space<semaphore_mem>>) src(%dma_wait3A_315 : memref<80x128xf32, #tpu.memory_space<vmem>>) dst(%dma_wait3A_318 : memref<10000x128xf32, #tpu.memory_space<vmem_shared>>)
      %lt3A_319 = arith.constant 30 : i32
      %lt3A_320 = arith.cmpi slt, %scan3A_128, %lt3A_319 : i32
      %convert_element_type3A_321 = arith.extui %lt3A_320 : i1 to i32
      %cond3A_322 = arith.constant 0 : i32
      %cond3A_323 = arith.cmpi ne, %convert_element_type3A_321, %cond3A_322 : i32
      scf.if %cond3A_323 {
        %add3A_347 = arith.constant 1 : i32
        %add3A_348 = arith.addi %scan3A_128, %add3A_347 : i32
        %mul3A_349 = arith.constant 4 : i32
        %mul3A_350 = arith.muli %add3A_348, %mul3A_349 : i32
        %add3A_351 = arith.constant 1 : i32
        %add3A_352 = arith.addi %mul3A_350, %add3A_351 : i32
        %mul3A_353 = arith.constant 80 : i32
        %mul3A_354 = arith.muli %add3A_352, %mul3A_353 : i32
        %add3A_355 = arith.addi %mul3A_2, %mul3A_354 : i32
        %dma_start3A_356 = tpu.memref_slice %arg2[%add3A_355] : memref<320000xi32, #tpu.memory_space<hbm>> -> memref<80xi32, #tpu.memory_space<hbm>>
        %dma_start3A_357 = tpu.memref_slice %arg2[%add3A_355] : memref<320000xi32, #tpu.memory_space<hbm>> -> memref<80xi32, #tpu.memory_space<hbm>>
        tpu.enqueue_dma source(%dma_start3A_357 : memref<80xi32, #tpu.memory_space<hbm>>) target(%arg8 : memref<80xi32, #tpu.memory_space<vmem>>) target_semaphore(%arg17 : memref<!tpu.dma_semaphore, #tpu.memory_space<semaphore_mem>>)
        %dma_start3A_358 = tpu.memref_slice %arg3[%add3A_355] : memref<320000xi32, #tpu.memory_space<hbm>> -> memref<80xi32, #tpu.memory_space<hbm>>
        %dma_start3A_359 = tpu.memref_slice %arg3[%add3A_355] : memref<320000xi32, #tpu.memory_space<hbm>> -> memref<80xi32, #tpu.memory_space<hbm>>
        tpu.enqueue_dma source(%dma_start3A_359 : memref<80xi32, #tpu.memory_space<hbm>>) target(%arg12 : memref<80xi32, #tpu.memory_space<vmem>>) target_semaphore(%arg17 : memref<!tpu.dma_semaphore, #tpu.memory_space<semaphore_mem>>)
        %dma_start3A_360 = arith.constant 80 : i32
        %dma_start3A_361 = arith.constant 0 : i32
        %dma_start3A_362 = tpu.memref_slice %arg15[%dma_start3A_360, %dma_start3A_361] : memref<320x128xf32, #tpu.memory_space<vmem>> -> memref<80x128xf32, #tpu.memory_space<vmem>>
        %dma_start3A_363 = arith.constant 0 : i32
        %dma_start3A_364 = tpu.memref_slice %arg4[%add3A_355, %dma_start3A_363] : memref<320000x128xf32, #tpu.memory_space<hbm>> -> memref<80x128xf32, #tpu.memory_space<hbm>>
        %dma_start3A_365 = arith.constant 80 : i32
        %dma_start3A_366 = arith.constant 0 : i32
        %dma_start3A_367 = tpu.memref_slice %arg15[%dma_start3A_365, %dma_start3A_366] : memref<320x128xf32, #tpu.memory_space<vmem>> -> memref<80x128xf32, #tpu.memory_space<vmem>>
        %dma_start3A_368 = arith.constant 0 : i32
        %dma_start3A_369 = tpu.memref_slice %arg4[%add3A_355, %dma_start3A_368] : memref<320000x128xf32, #tpu.memory_space<hbm>> -> memref<80x128xf32, #tpu.memory_space<hbm>>
        tpu.enqueue_dma source(%dma_start3A_369 : memref<80x128xf32, #tpu.memory_space<hbm>>) target(%dma_start3A_367 : memref<80x128xf32, #tpu.memory_space<vmem>>) target_semaphore(%arg17 : memref<!tpu.dma_semaphore, #tpu.memory_space<semaphore_mem>>)
      } else {
      }
      %dma_wait3A_324 = arith.constant 160 : i32
      %dma_wait3A_325 = arith.constant 0 : i32
      %dma_wait3A_326 = tpu.memref_slice %arg15[%dma_wait3A_324, %dma_wait3A_325] : memref<320x128xf32, #tpu.memory_space<vmem>> -> memref<80x128xf32, #tpu.memory_space<vmem>>
      %dma_wait3A_327 = arith.constant 0 : i32
      %dma_wait3A_328 = arith.constant 0 : i32
      %dma_wait3A_329 = tpu.memref_slice %arg28[%dma_wait3A_327, %dma_wait3A_328] : memref<10000x128xf32, #tpu.memory_space<vmem_shared>> -> memref<10000x128xf32, #tpu.memory_space<vmem_shared>>
      tpu.wait_indirect_dma semaphore(%arg26 : memref<!tpu.dma_semaphore, #tpu.memory_space<semaphore_mem>>) src(%dma_wait3A_326 : memref<80x128xf32, #tpu.memory_space<vmem>>) dst(%dma_wait3A_329 : memref<10000x128xf32, #tpu.memory_space<vmem_shared>>)
      %lt3A_330 = arith.constant 30 : i32
      %lt3A_331 = arith.cmpi slt, %scan3A_128, %lt3A_330 : i32
      %convert_element_type3A_332 = arith.extui %lt3A_331 : i1 to i32
      %cond3A_333 = arith.constant 0 : i32
      %cond3A_334 = arith.cmpi ne, %convert_element_type3A_332, %cond3A_333 : i32
      scf.if %cond3A_334 {
        %add3A_347 = arith.constant 1 : i32
        %add3A_348 = arith.addi %scan3A_128, %add3A_347 : i32
        %mul3A_349 = arith.constant 4 : i32
        %mul3A_350 = arith.muli %add3A_348, %mul3A_349 : i32
        %add3A_351 = arith.constant 2 : i32
        %add3A_352 = arith.addi %mul3A_350, %add3A_351 : i32
        %mul3A_353 = arith.constant 80 : i32
        %mul3A_354 = arith.muli %add3A_352, %mul3A_353 : i32
        %add3A_355 = arith.addi %mul3A_2, %mul3A_354 : i32
        %dma_start3A_356 = tpu.memref_slice %arg2[%add3A_355] : memref<320000xi32, #tpu.memory_space<hbm>> -> memref<80xi32, #tpu.memory_space<hbm>>
        %dma_start3A_357 = tpu.memref_slice %arg2[%add3A_355] : memref<320000xi32, #tpu.memory_space<hbm>> -> memref<80xi32, #tpu.memory_space<hbm>>
        tpu.enqueue_dma source(%dma_start3A_357 : memref<80xi32, #tpu.memory_space<hbm>>) target(%arg9 : memref<80xi32, #tpu.memory_space<vmem>>) target_semaphore(%arg18 : memref<!tpu.dma_semaphore, #tpu.memory_space<semaphore_mem>>)
        %dma_start3A_358 = tpu.memref_slice %arg3[%add3A_355] : memref<320000xi32, #tpu.memory_space<hbm>> -> memref<80xi32, #tpu.memory_space<hbm>>
        %dma_start3A_359 = tpu.memref_slice %arg3[%add3A_355] : memref<320000xi32, #tpu.memory_space<hbm>> -> memref<80xi32, #tpu.memory_space<hbm>>
        tpu.enqueue_dma source(%dma_start3A_359 : memref<80xi32, #tpu.memory_space<hbm>>) target(%arg13 : memref<80xi32, #tpu.memory_space<vmem>>) target_semaphore(%arg18 : memref<!tpu.dma_semaphore, #tpu.memory_space<semaphore_mem>>)
        %dma_start3A_360 = arith.constant 160 : i32
        %dma_start3A_361 = arith.constant 0 : i32
        %dma_start3A_362 = tpu.memref_slice %arg15[%dma_start3A_360, %dma_start3A_361] : memref<320x128xf32, #tpu.memory_space<vmem>> -> memref<80x128xf32, #tpu.memory_space<vmem>>
        %dma_start3A_363 = arith.constant 0 : i32
        %dma_start3A_364 = tpu.memref_slice %arg4[%add3A_355, %dma_start3A_363] : memref<320000x128xf32, #tpu.memory_space<hbm>> -> memref<80x128xf32, #tpu.memory_space<hbm>>
        %dma_start3A_365 = arith.constant 160 : i32
        %dma_start3A_366 = arith.constant 0 : i32
        %dma_start3A_367 = tpu.memref_slice %arg15[%dma_start3A_365, %dma_start3A_366] : memref<320x128xf32, #tpu.memory_space<vmem>> -> memref<80x128xf32, #tpu.memory_space<vmem>>
        %dma_start3A_368 = arith.constant 0 : i32
        %dma_start3A_369 = tpu.memref_slice %arg4[%add3A_355, %dma_start3A_368] : memref<320000x128xf32, #tpu.memory_space<hbm>> -> memref<80x128xf32, #tpu.memory_space<hbm>>
        tpu.enqueue_dma source(%dma_start3A_369 : memref<80x128xf32, #tpu.memory_space<hbm>>) target(%dma_start3A_367 : memref<80x128xf32, #tpu.memory_space<vmem>>) target_semaphore(%arg18 : memref<!tpu.dma_semaphore, #tpu.memory_space<semaphore_mem>>)
      } else {
      }
      %dma_wait3A_335 = arith.constant 240 : i32
      %dma_wait3A_336 = arith.constant 0 : i32
      %dma_wait3A_337 = tpu.memref_slice %arg15[%dma_wait3A_335, %dma_wait3A_336] : memref<320x128xf32, #tpu.memory_space<vmem>> -> memref<80x128xf32, #tpu.memory_space<vmem>>
      %dma_wait3A_338 = arith.constant 0 : i32
      %dma_wait3A_339 = arith.constant 0 : i32
      %dma_wait3A_340 = tpu.memref_slice %arg28[%dma_wait3A_338, %dma_wait3A_339] : memref<10000x128xf32, #tpu.memory_space<vmem_shared>> -> memref<10000x128xf32, #tpu.memory_space<vmem_shared>>
      tpu.wait_indirect_dma semaphore(%arg27 : memref<!tpu.dma_semaphore, #tpu.memory_space<semaphore_mem>>) src(%dma_wait3A_337 : memref<80x128xf32, #tpu.memory_space<vmem>>) dst(%dma_wait3A_340 : memref<10000x128xf32, #tpu.memory_space<vmem_shared>>)
      %lt3A_341 = arith.constant 30 : i32
      %lt3A_342 = arith.cmpi slt, %scan3A_128, %lt3A_341 : i32
      %convert_element_type3A_343 = arith.extui %lt3A_342 : i1 to i32
      %cond3A_344 = arith.constant 0 : i32
      %cond3A_345 = arith.cmpi ne, %convert_element_type3A_343, %cond3A_344 : i32
      scf.if %cond3A_345 {
        %add3A_347 = arith.constant 1 : i32
        %add3A_348 = arith.addi %scan3A_128, %add3A_347 : i32
        %mul3A_349 = arith.constant 4 : i32
        %mul3A_350 = arith.muli %add3A_348, %mul3A_349 : i32
        %add3A_351 = arith.constant 3 : i32
        %add3A_352 = arith.addi %mul3A_350, %add3A_351 : i32
        %mul3A_353 = arith.constant 80 : i32
        %mul3A_354 = arith.muli %add3A_352, %mul3A_353 : i32
        %add3A_355 = arith.addi %mul3A_2, %mul3A_354 : i32
        %dma_start3A_356 = tpu.memref_slice %arg2[%add3A_355] : memref<320000xi32, #tpu.memory_space<hbm>> -> memref<80xi32, #tpu.memory_space<hbm>>
        %dma_start3A_357 = tpu.memref_slice %arg2[%add3A_355] : memref<320000xi32, #tpu.memory_space<hbm>> -> memref<80xi32, #tpu.memory_space<hbm>>
        tpu.enqueue_dma source(%dma_start3A_357 : memref<80xi32, #tpu.memory_space<hbm>>) target(%arg10 : memref<80xi32, #tpu.memory_space<vmem>>) target_semaphore(%arg19 : memref<!tpu.dma_semaphore, #tpu.memory_space<semaphore_mem>>)
        %dma_start3A_358 = tpu.memref_slice %arg3[%add3A_355] : memref<320000xi32, #tpu.memory_space<hbm>> -> memref<80xi32, #tpu.memory_space<hbm>>
        %dma_start3A_359 = tpu.memref_slice %arg3[%add3A_355] : memref<320000xi32, #tpu.memory_space<hbm>> -> memref<80xi32, #tpu.memory_space<hbm>>
        tpu.enqueue_dma source(%dma_start3A_359 : memref<80xi32, #tpu.memory_space<hbm>>) target(%arg14 : memref<80xi32, #tpu.memory_space<vmem>>) target_semaphore(%arg19 : memref<!tpu.dma_semaphore, #tpu.memory_space<semaphore_mem>>)
        %dma_start3A_360 = arith.constant 240 : i32
        %dma_start3A_361 = arith.constant 0 : i32
        %dma_start3A_362 = tpu.memref_slice %arg15[%dma_start3A_360, %dma_start3A_361] : memref<320x128xf32, #tpu.memory_space<vmem>> -> memref<80x128xf32, #tpu.memory_space<vmem>>
        %dma_start3A_363 = arith.constant 0 : i32
        %dma_start3A_364 = tpu.memref_slice %arg4[%add3A_355, %dma_start3A_363] : memref<320000x128xf32, #tpu.memory_space<hbm>> -> memref<80x128xf32, #tpu.memory_space<hbm>>
        %dma_start3A_365 = arith.constant 240 : i32
        %dma_start3A_366 = arith.constant 0 : i32
        %dma_start3A_367 = tpu.memref_slice %arg15[%dma_start3A_365, %dma_start3A_366] : memref<320x128xf32, #tpu.memory_space<vmem>> -> memref<80x128xf32, #tpu.memory_space<vmem>>
        %dma_start3A_368 = arith.constant 0 : i32
        %dma_start3A_369 = tpu.memref_slice %arg4[%add3A_355, %dma_start3A_368] : memref<320000x128xf32, #tpu.memory_space<hbm>> -> memref<80x128xf32, #tpu.memory_space<hbm>>
        tpu.enqueue_dma source(%dma_start3A_369 : memref<80x128xf32, #tpu.memory_space<hbm>>) target(%dma_start3A_367 : memref<80x128xf32, #tpu.memory_space<vmem>>) target_semaphore(%arg19 : memref<!tpu.dma_semaphore, #tpu.memory_space<semaphore_mem>>)
      } else {
      }
      %scan3A_346 = arith.constant 0 : i32
      scf.yield %scan3A_346 : i32
    }
    %scan3A_79 = arith.constant 31 : i32
    %add3A_80 = arith.constant 9920 : i32
    %add3A_81 = arith.addi %mul3A_2, %add3A_80 : i32
    %dma_wait3A = tpu.memref_slice %arg2[%add3A_81] : memref<320000xi32, #tpu.memory_space<hbm>> -> memref<80xi32, #tpu.memory_space<hbm>>
    %dma_wait3A_82 = tpu.memref_slice %arg2[%add3A_81] : memref<320000xi32, #tpu.memory_space<hbm>> -> memref<80xi32, #tpu.memory_space<hbm>>
    tpu.wait_dma2 semaphore(%arg16 : memref<!tpu.dma_semaphore, #tpu.memory_space<semaphore_mem>>) src(%dma_wait3A_82 : memref<80xi32, #tpu.memory_space<hbm>>) dst(%arg7 : memref<80xi32, #tpu.memory_space<vmem>>)
    %dma_wait3A_83 = tpu.memref_slice %arg3[%add3A_81] : memref<320000xi32, #tpu.memory_space<hbm>> -> memref<80xi32, #tpu.memory_space<hbm>>
    %dma_wait3A_84 = tpu.memref_slice %arg3[%add3A_81] : memref<320000xi32, #tpu.memory_space<hbm>> -> memref<80xi32, #tpu.memory_space<hbm>>
    tpu.wait_dma2 semaphore(%arg16 : memref<!tpu.dma_semaphore, #tpu.memory_space<semaphore_mem>>) src(%dma_wait3A_84 : memref<80xi32, #tpu.memory_space<hbm>>) dst(%arg11 : memref<80xi32, #tpu.memory_space<vmem>>)
    %dma_wait3A_85 = arith.constant 0 : i32
    %dma_wait3A_86 = arith.constant 0 : i32
    %dma_wait3A_87 = tpu.memref_slice %arg15[%dma_wait3A_85, %dma_wait3A_86] : memref<320x128xf32, #tpu.memory_space<vmem>> -> memref<80x128xf32, #tpu.memory_space<vmem>>
    %dma_wait3A_88 = arith.constant 0 : i32
    %dma_wait3A_89 = tpu.memref_slice %arg4[%add3A_81, %dma_wait3A_88] : memref<320000x128xf32, #tpu.memory_space<hbm>> -> memref<80x128xf32, #tpu.memory_space<hbm>>
    %dma_wait3A_90 = arith.constant 0 : i32
    %dma_wait3A_91 = arith.constant 0 : i32
    %dma_wait3A_92 = tpu.memref_slice %arg15[%dma_wait3A_90, %dma_wait3A_91] : memref<320x128xf32, #tpu.memory_space<vmem>> -> memref<80x128xf32, #tpu.memory_space<vmem>>
    %dma_wait3A_93 = arith.constant 0 : i32
    %dma_wait3A_94 = tpu.memref_slice %arg4[%add3A_81, %dma_wait3A_93] : memref<320000x128xf32, #tpu.memory_space<hbm>> -> memref<80x128xf32, #tpu.memory_space<hbm>>
    tpu.wait_dma2 semaphore(%arg16 : memref<!tpu.dma_semaphore, #tpu.memory_space<semaphore_mem>>) src(%dma_wait3A_94 : memref<80x128xf32, #tpu.memory_space<hbm>>) dst(%dma_wait3A_92 : memref<80x128xf32, #tpu.memory_space<vmem>>)
    %dma_start3A_95 = arith.constant 0 : i32
    %dma_start3A_96 = arith.constant 0 : i32
    %dma_start3A_97 = tpu.memref_slice %arg15[%dma_start3A_95, %dma_start3A_96] : memref<320x128xf32, #tpu.memory_space<vmem>> -> memref<80x128xf32, #tpu.memory_space<vmem>>
    %dma_start3A_98 = arith.constant 0 : i32
    %dma_start3A_99 = arith.constant 0 : i32
    %dma_start3A_100 = tpu.memref_slice %arg5[%dma_start3A_98, %dma_start3A_99] : memref<10000x128xf32, #tpu.memory_space<hbm>> -> memref<10000x128xf32, #tpu.memory_space<hbm>>
    tpu.enqueue_indirect_dma source(%dma_start3A_100 : memref<10000x128xf32, #tpu.memory_space<hbm>>) target(%dma_start3A_97 : memref<80x128xf32, #tpu.memory_space<vmem>>) offsets(%arg7 : memref<80xi32, #tpu.memory_space<vmem>>) semaphore(%arg20 : memref<!tpu.dma_semaphore, #tpu.memory_space<semaphore_mem>>) {add = true}
    %dma_wait3A_101 = arith.constant 0 : i32
    %dma_wait3A_102 = arith.constant 0 : i32
    %dma_wait3A_103 = tpu.memref_slice %arg15[%dma_wait3A_101, %dma_wait3A_102] : memref<320x128xf32, #tpu.memory_space<vmem>> -> memref<80x128xf32, #tpu.memory_space<vmem>>
    %dma_wait3A_104 = arith.constant 0 : i32
    %dma_wait3A_105 = arith.constant 0 : i32
    %dma_wait3A_106 = tpu.memref_slice %arg5[%dma_wait3A_104, %dma_wait3A_105] : memref<10000x128xf32, #tpu.memory_space<hbm>> -> memref<10000x128xf32, #tpu.memory_space<hbm>>
    tpu.wait_indirect_dma semaphore(%arg20 : memref<!tpu.dma_semaphore, #tpu.memory_space<semaphore_mem>>) src(%dma_wait3A_106 : memref<10000x128xf32, #tpu.memory_space<hbm>>) dst(%dma_wait3A_103 : memref<80x128xf32, #tpu.memory_space<vmem>>)
    %parallel_loop3A_107 = arith.constant 0 : i32
    %parallel_loop3A_108 = arith.constant 80 : i32
    %parallel_loop3A_109 = arith.constant 1 : i32
    scf.for %parallel_loop3A_128 = %parallel_loop3A_107 to %parallel_loop3A_108 step %parallel_loop3A_109  : i32 {
      %parallel_loop3A_129 = arith.constant 0 : i32
      %parallel_loop3A_130 = arith.addi %parallel_loop3A_129, %parallel_loop3A_128 : i32
      %parallel_loop3A_131 = arith.index_cast %parallel_loop3A_130 : i32 to index
      %parallel_loop3A_132 = arith.constant 0 : index
      %parallel_loop3A_133 = tpu.vector_load %arg15[%parallel_loop3A_131, %parallel_loop3A_132] {strides = array<i32>} : memref<320x128xf32, #tpu.memory_space<vmem>>, vector<1x16xf32>,
      %parallel_loop3A_134 = vector.shape_cast %parallel_loop3A_133 : vector<1x16xf32> to vector<16xf32>
      %parallel_loop3A_135 = arith.constant 0.000000e+00 : f32
      %parallel_loop3A_136 = vector.broadcast %parallel_loop3A_135 : f32 to vector<16xf32>
      %parallel_loop3A_137 = arith.maximumf %parallel_loop3A_134, %parallel_loop3A_136 : vector<16xf32>
      %parallel_loop3A_138 = arith.constant 0 : i32
      %parallel_loop3A_139 = arith.addi %parallel_loop3A_138, %parallel_loop3A_128 : i32
      %parallel_loop3A_140 = arith.index_cast %parallel_loop3A_139 : i32 to index
      %parallel_loop3A_141 = arith.constant 0 : index
      %parallel_loop3A_142 = tpu.vector_load %arg15[%parallel_loop3A_140, %parallel_loop3A_141] {strides = array<i32>} : memref<320x128xf32, #tpu.memory_space<vmem>>, vector<1x16xf32>,
      %parallel_loop3A_143 = vector.shape_cast %parallel_loop3A_142 : vector<1x16xf32> to vector<16xf32>
      %parallel_loop3A_144 = vector.shape_cast %parallel_loop3A_137 : vector<16xf32> to vector<1x16xf32>
      tpu.vector_store %arg15[%parallel_loop3A_140, %parallel_loop3A_141], %parallel_loop3A_144 {strides = array<i32>} : memref<320x128xf32, #tpu.memory_space<vmem>>, vector<1x16xf32>,
      %parallel_loop3A_145 = arith.constant 0 : i32
      %parallel_loop3A_146 = arith.addi %parallel_loop3A_145, %parallel_loop3A_128 : i32
      %parallel_loop3A_147 = arith.index_cast %parallel_loop3A_146 : i32 to index
      %parallel_loop3A_148 = arith.constant 16 : index
      %parallel_loop3A_149 = tpu.vector_load %arg15[%parallel_loop3A_147, %parallel_loop3A_148] {strides = array<i32>} : memref<320x128xf32, #tpu.memory_space<vmem>>, vector<1x16xf32>,
      %parallel_loop3A_150 = vector.shape_cast %parallel_loop3A_149 : vector<1x16xf32> to vector<16xf32>
      %parallel_loop3A_151 = arith.constant 0.000000e+00 : f32
      %parallel_loop3A_152 = vector.broadcast %parallel_loop3A_151 : f32 to vector<16xf32>
      %parallel_loop3A_153 = arith.maximumf %parallel_loop3A_150, %parallel_loop3A_152 : vector<16xf32>
      %parallel_loop3A_154 = arith.constant 0 : i32
      %parallel_loop3A_155 = arith.addi %parallel_loop3A_154, %parallel_loop3A_128 : i32
      %parallel_loop3A_156 = arith.index_cast %parallel_loop3A_155 : i32 to index
      %parallel_loop3A_157 = arith.constant 16 : index
      %parallel_loop3A_158 = tpu.vector_load %arg15[%parallel_loop3A_156, %parallel_loop3A_157] {strides = array<i32>} : memref<320x128xf32, #tpu.memory_space<vmem>>, vector<1x16xf32>,
      %parallel_loop3A_159 = vector.shape_cast %parallel_loop3A_158 : vector<1x16xf32> to vector<16xf32>
      %parallel_loop3A_160 = vector.shape_cast %parallel_loop3A_153 : vector<16xf32> to vector<1x16xf32>
      tpu.vector_store %arg15[%parallel_loop3A_156, %parallel_loop3A_157], %parallel_loop3A_160 {strides = array<i32>} : memref<320x128xf32, #tpu.memory_space<vmem>>, vector<1x16xf32>,
      %parallel_loop3A_161 = arith.constant 0 : i32
      %parallel_loop3A_162 = arith.addi %parallel_loop3A_161, %parallel_loop3A_128 : i32
      %parallel_loop3A_163 = arith.index_cast %parallel_loop3A_162 : i32 to index
      %parallel_loop3A_164 = arith.constant 32 : index
      %parallel_loop3A_165 = tpu.vector_load %arg15[%parallel_loop3A_163, %parallel_loop3A_164] {strides = array<i32>} : memref<320x128xf32, #tpu.memory_space<vmem>>, vector<1x16xf32>,
      %parallel_loop3A_166 = vector.shape_cast %parallel_loop3A_165 : vector<1x16xf32> to vector<16xf32>
      %parallel_loop3A_167 = arith.constant 0.000000e+00 : f32
      %parallel_loop3A_168 = vector.broadcast %parallel_loop3A_167 : f32 to vector<16xf32>
      %parallel_loop3A_169 = arith.maximumf %parallel_loop3A_166, %parallel_loop3A_168 : vector<16xf32>
      %parallel_loop3A_170 = arith.constant 0 : i32
      %parallel_loop3A_171 = arith.addi %parallel_loop3A_170, %parallel_loop3A_128 : i32
      %parallel_loop3A_172 = arith.index_cast %parallel_loop3A_171 : i32 to index
      %parallel_loop3A_173 = arith.constant 32 : index
      %parallel_loop3A_174 = tpu.vector_load %arg15[%parallel_loop3A_172, %parallel_loop3A_173] {strides = array<i32>} : memref<320x128xf32, #tpu.memory_space<vmem>>, vector<1x16xf32>,
      %parallel_loop3A_175 = vector.shape_cast %parallel_loop3A_174 : vector<1x16xf32> to vector<16xf32>
      %parallel_loop3A_176 = vector.shape_cast %parallel_loop3A_169 : vector<16xf32> to vector<1x16xf32>
      tpu.vector_store %arg15[%parallel_loop3A_172, %parallel_loop3A_173], %parallel_loop3A_176 {strides = array<i32>} : memref<320x128xf32, #tpu.memory_space<vmem>>, vector<1x16xf32>,
      %parallel_loop3A_177 = arith.constant 0 : i32
      %parallel_loop3A_178 = arith.addi %parallel_loop3A_177, %parallel_loop3A_128 : i32
      %parallel_loop3A_179 = arith.index_cast %parallel_loop3A_178 : i32 to index
      %parallel_loop3A_180 = arith.constant 48 : index
      %parallel_loop3A_181 = tpu.vector_load %arg15[%parallel_loop3A_179, %parallel_loop3A_180] {strides = array<i32>} : memref<320x128xf32, #tpu.memory_space<vmem>>, vector<1x16xf32>,
      %parallel_loop3A_182 = vector.shape_cast %parallel_loop3A_181 : vector<1x16xf32> to vector<16xf32>
      %parallel_loop3A_183 = arith.constant 0.000000e+00 : f32
      %parallel_loop3A_184 = vector.broadcast %parallel_loop3A_183 : f32 to vector<16xf32>
      %parallel_loop3A_185 = arith.maximumf %parallel_loop3A_182, %parallel_loop3A_184 : vector<16xf32>
      %parallel_loop3A_186 = arith.constant 0 : i32
      %parallel_loop3A_187 = arith.addi %parallel_loop3A_186, %parallel_loop3A_128 : i32
      %parallel_loop3A_188 = arith.index_cast %parallel_loop3A_187 : i32 to index
      %parallel_loop3A_189 = arith.constant 48 : index
      %parallel_loop3A_190 = tpu.vector_load %arg15[%parallel_loop3A_188, %parallel_loop3A_189] {strides = array<i32>} : memref<320x128xf32, #tpu.memory_space<vmem>>, vector<1x16xf32>,
      %parallel_loop3A_191 = vector.shape_cast %parallel_loop3A_190 : vector<1x16xf32> to vector<16xf32>
      %parallel_loop3A_192 = vector.shape_cast %parallel_loop3A_185 : vector<16xf32> to vector<1x16xf32>
      tpu.vector_store %arg15[%parallel_loop3A_188, %parallel_loop3A_189], %parallel_loop3A_192 {strides = array<i32>} : memref<320x128xf32, #tpu.memory_space<vmem>>, vector<1x16xf32>,
      %parallel_loop3A_193 = arith.constant 0 : i32
      %parallel_loop3A_194 = arith.addi %parallel_loop3A_193, %parallel_loop3A_128 : i32
      %parallel_loop3A_195 = arith.index_cast %parallel_loop3A_194 : i32 to index
      %parallel_loop3A_196 = arith.constant 64 : index
      %parallel_loop3A_197 = tpu.vector_load %arg15[%parallel_loop3A_195, %parallel_loop3A_196] {strides = array<i32>} : memref<320x128xf32, #tpu.memory_space<vmem>>, vector<1x16xf32>,
      %parallel_loop3A_198 = vector.shape_cast %parallel_loop3A_197 : vector<1x16xf32> to vector<16xf32>
      %parallel_loop3A_199 = arith.constant 0.000000e+00 : f32
      %parallel_loop3A_200 = vector.broadcast %parallel_loop3A_199 : f32 to vector<16xf32>
      %parallel_loop3A_201 = arith.maximumf %parallel_loop3A_198, %parallel_loop3A_200 : vector<16xf32>
      %parallel_loop3A_202 = arith.constant 0 : i32
      %parallel_loop3A_203 = arith.addi %parallel_loop3A_202, %parallel_loop3A_128 : i32
      %parallel_loop3A_204 = arith.index_cast %parallel_loop3A_203 : i32 to index
      %parallel_loop3A_205 = arith.constant 64 : index
      %parallel_loop3A_206 = tpu.vector_load %arg15[%parallel_loop3A_204, %parallel_loop3A_205] {strides = array<i32>} : memref<320x128xf32, #tpu.memory_space<vmem>>, vector<1x16xf32>,
      %parallel_loop3A_207 = vector.shape_cast %parallel_loop3A_206 : vector<1x16xf32> to vector<16xf32>
      %parallel_loop3A_208 = vector.shape_cast %parallel_loop3A_201 : vector<16xf32> to vector<1x16xf32>
      tpu.vector_store %arg15[%parallel_loop3A_204, %parallel_loop3A_205], %parallel_loop3A_208 {strides = array<i32>} : memref<320x128xf32, #tpu.memory_space<vmem>>, vector<1x16xf32>,
      %parallel_loop3A_209 = arith.constant 0 : i32
      %parallel_loop3A_210 = arith.addi %parallel_loop3A_209, %parallel_loop3A_128 : i32
      %parallel_loop3A_211 = arith.index_cast %parallel_loop3A_210 : i32 to index
      %parallel_loop3A_212 = arith.constant 80 : index
      %parallel_loop3A_213 = tpu.vector_load %arg15[%parallel_loop3A_211, %parallel_loop3A_212] {strides = array<i32>} : memref<320x128xf32, #tpu.memory_space<vmem>>, vector<1x16xf32>,
      %parallel_loop3A_214 = vector.shape_cast %parallel_loop3A_213 : vector<1x16xf32> to vector<16xf32>
      %parallel_loop3A_215 = arith.constant 0.000000e+00 : f32
      %parallel_loop3A_216 = vector.broadcast %parallel_loop3A_215 : f32 to vector<16xf32>
      %parallel_loop3A_217 = arith.maximumf %parallel_loop3A_214, %parallel_loop3A_216 : vector<16xf32>
      %parallel_loop3A_218 = arith.constant 0 : i32
      %parallel_loop3A_219 = arith.addi %parallel_loop3A_218, %parallel_loop3A_128 : i32
      %parallel_loop3A_220 = arith.index_cast %parallel_loop3A_219 : i32 to index
      %parallel_loop3A_221 = arith.constant 80 : index
      %parallel_loop3A_222 = tpu.vector_load %arg15[%parallel_loop3A_220, %parallel_loop3A_221] {strides = array<i32>} : memref<320x128xf32, #tpu.memory_space<vmem>>, vector<1x16xf32>,
      %parallel_loop3A_223 = vector.shape_cast %parallel_loop3A_222 : vector<1x16xf32> to vector<16xf32>
      %parallel_loop3A_224 = vector.shape_cast %parallel_loop3A_217 : vector<16xf32> to vector<1x16xf32>
      tpu.vector_store %arg15[%parallel_loop3A_220, %parallel_loop3A_221], %parallel_loop3A_224 {strides = array<i32>} : memref<320x128xf32, #tpu.memory_space<vmem>>, vector<1x16xf32>,
      %parallel_loop3A_225 = arith.constant 0 : i32
      %parallel_loop3A_226 = arith.addi %parallel_loop3A_225, %parallel_loop3A_128 : i32
      %parallel_loop3A_227 = arith.index_cast %parallel_loop3A_226 : i32 to index
      %parallel_loop3A_228 = arith.constant 96 : index
      %parallel_loop3A_229 = tpu.vector_load %arg15[%parallel_loop3A_227, %parallel_loop3A_228] {strides = array<i32>} : memref<320x128xf32, #tpu.memory_space<vmem>>, vector<1x16xf32>,
      %parallel_loop3A_230 = vector.shape_cast %parallel_loop3A_229 : vector<1x16xf32> to vector<16xf32>
      %parallel_loop3A_231 = arith.constant 0.000000e+00 : f32
      %parallel_loop3A_232 = vector.broadcast %parallel_loop3A_231 : f32 to vector<16xf32>
      %parallel_loop3A_233 = arith.maximumf %parallel_loop3A_230, %parallel_loop3A_232 : vector<16xf32>
      %parallel_loop3A_234 = arith.constant 0 : i32
      %parallel_loop3A_235 = arith.addi %parallel_loop3A_234, %parallel_loop3A_128 : i32
      %parallel_loop3A_236 = arith.index_cast %parallel_loop3A_235 : i32 to index
      %parallel_loop3A_237 = arith.constant 96 : index
      %parallel_loop3A_238 = tpu.vector_load %arg15[%parallel_loop3A_236, %parallel_loop3A_237] {strides = array<i32>} : memref<320x128xf32, #tpu.memory_space<vmem>>, vector<1x16xf32>,
      %parallel_loop3A_239 = vector.shape_cast %parallel_loop3A_238 : vector<1x16xf32> to vector<16xf32>
      %parallel_loop3A_240 = vector.shape_cast %parallel_loop3A_233 : vector<16xf32> to vector<1x16xf32>
      tpu.vector_store %arg15[%parallel_loop3A_236, %parallel_loop3A_237], %parallel_loop3A_240 {strides = array<i32>} : memref<320x128xf32, #tpu.memory_space<vmem>>, vector<1x16xf32>,
      %parallel_loop3A_241 = arith.constant 0 : i32
      %parallel_loop3A_242 = arith.addi %parallel_loop3A_241, %parallel_loop3A_128 : i32
      %parallel_loop3A_243 = arith.index_cast %parallel_loop3A_242 : i32 to index
      %parallel_loop3A_244 = arith.constant 112 : index
      %parallel_loop3A_245 = tpu.vector_load %arg15[%parallel_loop3A_243, %parallel_loop3A_244] {strides = array<i32>} : memref<320x128xf32, #tpu.memory_space<vmem>>, vector<1x16xf32>,
      %parallel_loop3A_246 = vector.shape_cast %parallel_loop3A_245 : vector<1x16xf32> to vector<16xf32>
      %parallel_loop3A_247 = arith.constant 0.000000e+00 : f32
      %parallel_loop3A_248 = vector.broadcast %parallel_loop3A_247 : f32 to vector<16xf32>
      %parallel_loop3A_249 = arith.maximumf %parallel_loop3A_246, %parallel_loop3A_248 : vector<16xf32>
      %parallel_loop3A_250 = arith.constant 0 : i32
      %parallel_loop3A_251 = arith.addi %parallel_loop3A_250, %parallel_loop3A_128 : i32
      %parallel_loop3A_252 = arith.index_cast %parallel_loop3A_251 : i32 to index
      %parallel_loop3A_253 = arith.constant 112 : index
      %parallel_loop3A_254 = tpu.vector_load %arg15[%parallel_loop3A_252, %parallel_loop3A_253] {strides = array<i32>} : memref<320x128xf32, #tpu.memory_space<vmem>>, vector<1x16xf32>,
      %parallel_loop3A_255 = vector.shape_cast %parallel_loop3A_254 : vector<1x16xf32> to vector<16xf32>
      %parallel_loop3A_256 = vector.shape_cast %parallel_loop3A_249 : vector<16xf32> to vector<1x16xf32>
      tpu.vector_store %arg15[%parallel_loop3A_252, %parallel_loop3A_253], %parallel_loop3A_256 {strides = array<i32>} : memref<320x128xf32, #tpu.memory_space<vmem>>, vector<1x16xf32>,
    } {sc.loop_unroll_factor = 4 : i64, sc.parallel_access}
    %dma_start3A_110 = arith.constant 0 : i32
    %dma_start3A_111 = arith.constant 0 : i32
    %dma_start3A_112 = tpu.memref_slice %arg15[%dma_start3A_110, %dma_start3A_111] : memref<320x128xf32, #tpu.memory_space<vmem>> -> memref<80x128xf32, #tpu.memory_space<vmem>>
    %dma_start3A_113 = arith.constant 0 : i32
    %dma_start3A_114 = arith.constant 0 : i32
    %dma_start3A_115 = tpu.memref_slice %arg28[%dma_start3A_113, %dma_start3A_114] : memref<10000x128xf32, #tpu.memory_space<vmem_shared>> -> memref<10000x128xf32, #tpu.memory_space<vmem_shared>>
    tpu.enqueue_indirect_dma source(%dma_start3A_112 : memref<80x128xf32, #tpu.memory_space<vmem>>) target(%dma_start3A_115 : memref<10000x128xf32, #tpu.memory_space<vmem_shared>>) offsets(%arg11 : memref<80xi32, #tpu.memory_space<vmem>>) semaphore(%arg24 : memref<!tpu.dma_semaphore, #tpu.memory_space<semaphore_mem>>) {add = true}
    %dma_wait3A_116 = arith.constant 0 : i32
    %dma_wait3A_117 = arith.constant 0 : i32
    %dma_wait3A_118 = tpu.memref_slice %arg15[%dma_wait3A_116, %dma_wait3A_117] : memref<320x128xf32, #tpu.memory_space<vmem>> -> memref<80x128xf32, #tpu.memory_space<vmem>>
    %dma_wait3A_119 = arith.constant 0 : i32
    %dma_wait3A_120 = arith.constant 0 : i32
    %dma_wait3A_121 = tpu.memref_slice %arg28[%dma_wait3A_119, %dma_wait3A_120] : memref<10000x128xf32, #tpu.memory_space<vmem_shared>> -> memref<10000x128xf32, #tpu.memory_space<vmem_shared>>
    tpu.wait_indirect_dma semaphore(%arg24 : memref<!tpu.dma_semaphore, #tpu.memory_space<semaphore_mem>>) src(%dma_wait3A_118 : memref<80x128xf32, #tpu.memory_space<vmem>>) dst(%dma_wait3A_121 : memref<10000x128xf32, #tpu.memory_space<vmem_shared>>)
    %barrier3A_122 = arith.constant 0 : index
    tpu.barrier barrier_id(%barrier3A_122)
    "tpu.region"() ({
      %run_scoped3A = tpu.sem_alloc : memref<!tpu.dma_semaphore, #tpu.memory_space<semaphore_mem>>
      %dma_start3A_128 = arith.constant 0 : i32
      %dma_start3A_129 = tpu.memref_slice %arg6[%arg0, %mul3A_4, %dma_start3A_128] : memref<2x10000x128xf32, #tpu.memory_space<hbm>> -> memref<1x624x128xf32, #tpu.memory_space<hbm>>
      %dma_start3A_130 = tpu.memref_squeeze %dma_start3A_129 : memref<1x624x128xf32, #tpu.memory_space<hbm>> -> memref<624x128xf32, #tpu.memory_space<hbm>>
      %dma_start3A_131 = arith.constant 0 : i32
      %dma_start3A_132 = tpu.memref_slice %arg28[%mul3A_4, %dma_start3A_131] : memref<10000x128xf32, #tpu.memory_space<vmem_shared>> -> memref<624x128xf32, #tpu.memory_space<vmem_shared>>
      tpu.enqueue_dma source(%dma_start3A_132 : memref<624x128xf32, #tpu.memory_space<vmem_shared>>) target(%dma_start3A_130 : memref<624x128xf32, #tpu.memory_space<hbm>>) target_semaphore(%run_scoped3A : memref<!tpu.dma_semaphore, #tpu.memory_space<semaphore_mem>>)
      %dma_wait3A_133 = arith.constant 0 : i32
      %dma_wait3A_134 = tpu.memref_slice %arg6[%arg0, %mul3A_4, %dma_wait3A_133] : memref<2x10000x128xf32, #tpu.memory_space<hbm>> -> memref<1x624x128xf32, #tpu.memory_space<hbm>>
      %dma_wait3A_135 = tpu.memref_squeeze %dma_wait3A_134 : memref<1x624x128xf32, #tpu.memory_space<hbm>> -> memref<624x128xf32, #tpu.memory_space<hbm>>
      %dma_wait3A_136 = arith.constant 0 : i32
      %dma_wait3A_137 = tpu.memref_slice %arg28[%mul3A_4, %dma_wait3A_136] : memref<10000x128xf32, #tpu.memory_space<vmem_shared>> -> memref<624x128xf32, #tpu.memory_space<vmem_shared>>
      tpu.wait_dma2 semaphore(%run_scoped3A : memref<!tpu.dma_semaphore, #tpu.memory_space<semaphore_mem>>) src(%dma_wait3A_137 : memref<624x128xf32, #tpu.memory_space<vmem_shared>>) dst(%dma_wait3A_135 : memref<624x128xf32, #tpu.memory_space<hbm>>)
      tpu.yield
    }) : () -> ()
    %eq3A_123 = arith.constant 0 : i32
    %eq3A_124 = arith.cmpi eq, %arg1, %eq3A_123 : i32
    %convert_element_type3A_125 = arith.extui %eq3A_124 : i1 to i32
    %cond3A_126 = arith.constant 0 : i32
    %cond3A_127 = arith.cmpi ne, %convert_element_type3A_125, %cond3A_126 : i32
    scf.if %cond3A_127 {
      "tpu.region"() ({
        %run_scoped3A = tpu.sem_alloc : memref<!tpu.dma_semaphore, #tpu.memory_space<semaphore_mem>>
        %dma_start3A_128 = arith.constant 9984 : i32
        %dma_start3A_129 = arith.constant 0 : i32
        %dma_start3A_130 = tpu.memref_slice %arg6[%arg0, %dma_start3A_128, %dma_start3A_129] : memref<2x10000x128xf32, #tpu.memory_space<hbm>> -> memref<1x16x128xf32, #tpu.memory_space<hbm>>
        %dma_start3A_131 = tpu.memref_squeeze %dma_start3A_130 : memref<1x16x128xf32, #tpu.memory_space<hbm>> -> memref<16x128xf32, #tpu.memory_space<hbm>>
        %dma_start3A_132 = arith.constant 9984 : i32
        %dma_start3A_133 = arith.constant 0 : i32
        %dma_start3A_134 = tpu.memref_slice %arg28[%dma_start3A_132, %dma_start3A_133] : memref<10000x128xf32, #tpu.memory_space<vmem_shared>> -> memref<16x128xf32, #tpu.memory_space<vmem_shared>>
        tpu.enqueue_dma source(%dma_start3A_134 : memref<16x128xf32, #tpu.memory_space<vmem_shared>>) target(%dma_start3A_131 : memref<16x128xf32, #tpu.memory_space<hbm>>) target_semaphore(%run_scoped3A : memref<!tpu.dma_semaphore, #tpu.memory_space<semaphore_mem>>)
        %dma_wait3A_135 = arith.constant 9984 : i32
        %dma_wait3A_136 = arith.constant 0 : i32
        %dma_wait3A_137 = tpu.memref_slice %arg6[%arg0, %dma_wait3A_135, %dma_wait3A_136] : memref<2x10000x128xf32, #tpu.memory_space<hbm>> -> memref<1x16x128xf32, #tpu.memory_space<hbm>>
        %dma_wait3A_138 = tpu.memref_squeeze %dma_wait3A_137 : memref<1x16x128xf32, #tpu.memory_space<hbm>> -> memref<16x128xf32, #tpu.memory_space<hbm>>
        %dma_wait3A_139 = arith.constant 9984 : i32
        %dma_wait3A_140 = arith.constant 0 : i32
        %dma_wait3A_141 = tpu.memref_slice %arg28[%dma_wait3A_139, %dma_wait3A_140] : memref<10000x128xf32, #tpu.memory_space<vmem_shared>> -> memref<16x128xf32, #tpu.memory_space<vmem_shared>>
        tpu.wait_dma2 semaphore(%run_scoped3A : memref<!tpu.dma_semaphore, #tpu.memory_space<semaphore_mem>>) src(%dma_wait3A_141 : memref<16x128xf32, #tpu.memory_space<vmem_shared>>) dst(%dma_wait3A_138 : memref<16x128xf32, #tpu.memory_space<hbm>>)
        tpu.yield
      }) : () -> ()
    } else {
    }
    return
  }
}

module attributes {stable_mosaic.version = 14 : i64} {
  func.func @_prep_body(%arg0: i32, %arg1: memref<6400x4xf32, #tpu.memory_space<vmem>>, %arg2: memref<132x128xf32, #tpu.memory_space<vmem>>, %arg3: memref<1x128xf32, #tpu.memory_space<vmem>>, %arg4: memref<2x320000xi32, #tpu.memory_space<vmem>>, %arg5: memref<6400x128xf32, #tpu.memory_space<vmem>>, %arg6: memref<320000xi32, #tpu.memory_space<vmem>>, %arg7: memref<320000xi32, #tpu.memory_space<vmem>>) attributes {dimension_semantics = [#tpu.dimension_semantics<arbitrary>], iteration_bounds = array<i64: 50>, scalar_prefetch = 0 : i64, scratch_operands = 0 : i64, tpu.core_type = #tpu.core_type<tc>, window_params = [{transform_indices = @transform_0, window_bounds = array<i64: 6400, 4>}, {pipeline_mode = #tpu.pipeline_mode<synchronous>, transform_indices = @transform_1, window_bounds = array<i64: 132, 128>}, {pipeline_mode = #tpu.pipeline_mode<synchronous>, transform_indices = @transform_2, window_bounds = array<i64: 1, 128>}, {pipeline_mode = #tpu.pipeline_mode<synchronous>, transform_indices = @transform_3, window_bounds = array<i64: 2, 320000>}, {transform_indices = @transform_4, window_bounds = array<i64: 6400, 128>}, {pipeline_mode = #tpu.pipeline_mode<synchronous>, transform_indices = @transform_5, window_bounds = array<i64: 320000>}, {pipeline_mode = #tpu.pipeline_mode<synchronous>, transform_indices = @transform_6, window_bounds = array<i64: 320000>}]} {
    %get3A = arith.constant 0 : index
    %get3A_0 = arith.constant 0 : index
    %get3A_1 = vector.load %arg1[%get3A, %get3A_0] : memref<6400x4xf32, #tpu.memory_space<vmem>>, vector<6400x4xf32>
    %get3A_2 = arith.constant 128 : index
    %get3A_3 = arith.constant 0 : index
    %get3A_4 = vector.load %arg2[%get3A_2, %get3A_3] : memref<132x128xf32, #tpu.memory_space<vmem>>, vector<4x128xf32>
    %dot_general3A = arith.constant dense<0.000000e+00> : vector<6400x128xf32>
    %dot_general3A_5 = tpu.matmul %get3A_1, %get3A_4, %dot_general3A {dimension_numbers = #tpu.dot_dimension_numbers<[1], [0], [0], [1], [0, 0, 1, 1], [], []>, transpose_lhs_hint = false} : vector<6400x4xf32>, vector<4x128xf32>, vector<6400x128xf32> -> vector<6400x128xf32>
    %get3A_6 = arith.constant 0 : index
    %get3A_7 = arith.constant 0 : index
    %get3A_8 = vector.load %arg3[%get3A_6, %get3A_7] : memref<1x128xf32, #tpu.memory_space<vmem>>, vector<1x128xf32>
    %add3A = vector.broadcast %get3A_8 : vector<1x128xf32> to vector<6400x128xf32>
    %add3A_9 = arith.addf %dot_general3A_5, %add3A : vector<6400x128xf32>
    %swap3A = arith.constant 0 : index
    %swap3A_10 = arith.constant 0 : index
    %swap3A_11 = vector.load %arg5[%swap3A, %swap3A_10] : memref<6400x128xf32, #tpu.memory_space<vmem>>, vector<6400x128xf32>
    tpu.vector_store %arg5[%swap3A, %swap3A_10], %add3A_9 {strides = array<i32>} : memref<6400x128xf32, #tpu.memory_space<vmem>>, vector<6400x128xf32>,
    %mul3A = arith.constant 6400 : i32
    %mul3A_12 = arith.muli %arg0, %mul3A : i32
    %get3A_13 = arith.constant 0 : index
    %get3A_14 = arith.index_cast %mul3A_12 : i32 to index
    %get3A_15 = vector.load %arg4[%get3A_13, %get3A_14] : memref<2x320000xi32, #tpu.memory_space<vmem>>, vector<1x6400xi32>
    %get3A_16 = vector.shape_cast %get3A_15 : vector<1x6400xi32> to vector<6400xi32>
    %swap3A_17 = arith.index_cast %mul3A_12 : i32 to index
    %swap3A_18 = vector.load %arg6[%swap3A_17] : memref<320000xi32, #tpu.memory_space<vmem>>, vector<6400xi32>
    tpu.vector_store %arg6[%swap3A_17], %get3A_16 {strides = array<i32>} : memref<320000xi32, #tpu.memory_space<vmem>>, vector<6400xi32>,
    %get3A_19 = arith.constant 1 : index
    %get3A_20 = arith.index_cast %mul3A_12 : i32 to index
    %get3A_21 = vector.load %arg4[%get3A_19, %get3A_20] : memref<2x320000xi32, #tpu.memory_space<vmem>>, vector<1x6400xi32>
    %get3A_22 = vector.shape_cast %get3A_21 : vector<1x6400xi32> to vector<6400xi32>
    %swap3A_23 = arith.index_cast %mul3A_12 : i32 to index
    %swap3A_24 = vector.load %arg7[%swap3A_23] : memref<320000xi32, #tpu.memory_space<vmem>>, vector<6400xi32>
    tpu.vector_store %arg7[%swap3A_23], %get3A_22 {strides = array<i32>} : memref<320000xi32, #tpu.memory_space<vmem>>, vector<6400xi32>,
    return
  }
  func.func @transform_0(%arg0: i32) -> (i32, i32) {
    %c0_i32 = arith.constant 0 : i32
    %c0_i32_0 = arith.constant 0 : i32
    return %arg0, %c0_i32 : i32, i32
  }
  func.func @transform_1(%arg0: i32) -> (i32, i32) {
    %c0_i32 = arith.constant 0 : i32
    %c0_i32_0 = arith.constant 0 : i32
    %c0_i32_1 = arith.constant 0 : i32
    return %c0_i32, %c0_i32_0 : i32, i32
  }
  func.func @transform_2(%arg0: i32) -> (i32, i32) {
    %c0_i32 = arith.constant 0 : i32
    %c0_i32_0 = arith.constant 0 : i32
    %c0_i32_1 = arith.constant 0 : i32
    return %c0_i32, %c0_i32_0 : i32, i32
  }
  func.func @transform_3(%arg0: i32) -> (i32, i32) {
    %c0_i32 = arith.constant 0 : i32
    %c0_i32_0 = arith.constant 0 : i32
    %c0_i32_1 = arith.constant 0 : i32
    return %c0_i32, %c0_i32_0 : i32, i32
  }
  func.func @transform_4(%arg0: i32) -> (i32, i32) {
    %c0_i32 = arith.constant 0 : i32
    %c0_i32_0 = arith.constant 0 : i32
    return %arg0, %c0_i32 : i32, i32
  }
  func.func @transform_5(%arg0: i32) -> i32 {
    %c0_i32 = arith.constant 0 : i32
    %c0_i32_0 = arith.constant 0 : i32
    return %c0_i32 : i32
  }
  func.func @transform_6(%arg0: i32) -> i32 {
    %c0_i32 = arith.constant 0 : i32
    %c0_i32_0 = arith.constant 0 : i32
    return %c0_i32 : i32
  }
}

module attributes {stable_mosaic.version = 14 : i64} {
  func.func @_upd_body(%arg0: i32, %arg1: memref<2000x128xf32, #tpu.memory_space<vmem>>, %arg2: memref<2x2000x128xf32, #tpu.memory_space<vmem>>, %arg3: memref<256x128xf32, #tpu.memory_space<vmem>>, %arg4: memref<1x128xf32, #tpu.memory_space<vmem>>, %arg5: memref<2000x128xf32, #tpu.memory_space<vmem>>) attributes {dimension_semantics = [#tpu.dimension_semantics<arbitrary>], iteration_bounds = array<i64: 5>, scalar_prefetch = 0 : i64, scratch_operands = 0 : i64, tpu.core_type = #tpu.core_type<tc>, window_params = [{transform_indices = @transform_0, window_bounds = array<i64: 2000, 128>}, {transform_indices = @transform_1, window_bounds = array<i64: 2, 2000, 128>}, {pipeline_mode = #tpu.pipeline_mode<synchronous>, transform_indices = @transform_2, window_bounds = array<i64: 256, 128>}, {pipeline_mode = #tpu.pipeline_mode<synchronous>, transform_indices = @transform_3, window_bounds = array<i64: 1, 128>}, {transform_indices = @transform_4, window_bounds = array<i64: 2000, 128>}]} {
    %get3A = arith.constant 0 : index
    %get3A_0 = arith.constant 0 : index
    %get3A_1 = arith.constant 0 : index
    %get3A_2 = vector.load %arg2[%get3A, %get3A_0, %get3A_1] : memref<2x2000x128xf32, #tpu.memory_space<vmem>>, vector<1x2000x128xf32>
    %get3A_3 = vector.shape_cast %get3A_2 : vector<1x2000x128xf32> to vector<2000x128xf32>
    %get3A_4 = arith.constant 1 : index
    %get3A_5 = arith.constant 0 : index
    %get3A_6 = arith.constant 0 : index
    %get3A_7 = vector.load %arg2[%get3A_4, %get3A_5, %get3A_6] : memref<2x2000x128xf32, #tpu.memory_space<vmem>>, vector<1x2000x128xf32>
    %get3A_8 = vector.shape_cast %get3A_7 : vector<1x2000x128xf32> to vector<2000x128xf32>
    %add3A = arith.addf %get3A_3, %get3A_8 : vector<2000x128xf32>
    %get3A_9 = arith.constant 0 : index
    %get3A_10 = arith.constant 0 : index
    %get3A_11 = vector.load %arg1[%get3A_9, %get3A_10] : memref<2000x128xf32, #tpu.memory_space<vmem>>, vector<2000x128xf32>
    %get3A_12 = arith.constant 0 : index
    %get3A_13 = arith.constant 0 : index
    %get3A_14 = vector.load %arg3[%get3A_12, %get3A_13] : memref<256x128xf32, #tpu.memory_space<vmem>>, vector<128x128xf32>
    %dot_general3A = arith.constant dense<0.000000e+00> : vector<2000x128xf32>
    %dot_general3A_15 = tpu.matmul %get3A_11, %get3A_14, %dot_general3A {dimension_numbers = #tpu.dot_dimension_numbers<[1], [0], [0], [1], [0, 0, 1, 1], [], []>, transpose_lhs_hint = false} : vector<2000x128xf32>, vector<128x128xf32>, vector<2000x128xf32> -> vector<2000x128xf32>
    %get3A_16 = arith.constant 128 : index
    %get3A_17 = arith.constant 0 : index
    %get3A_18 = vector.load %arg3[%get3A_16, %get3A_17] : memref<256x128xf32, #tpu.memory_space<vmem>>, vector<128x128xf32>
    %dot_general3A_19 = arith.constant dense<0.000000e+00> : vector<2000x128xf32>
    %dot_general3A_20 = tpu.matmul %add3A, %get3A_18, %dot_general3A_19 {dimension_numbers = #tpu.dot_dimension_numbers<[1], [0], [0], [1], [0, 0, 1, 1], [], []>, transpose_lhs_hint = false} : vector<2000x128xf32>, vector<128x128xf32>, vector<2000x128xf32> -> vector<2000x128xf32>
    %add3A_21 = arith.addf %dot_general3A_15, %dot_general3A_20 : vector<2000x128xf32>
    %get3A_22 = arith.constant 0 : index
    %get3A_23 = arith.constant 0 : index
    %get3A_24 = vector.load %arg4[%get3A_22, %get3A_23] : memref<1x128xf32, #tpu.memory_space<vmem>>, vector<1x128xf32>
    %add3A_25 = vector.broadcast %get3A_24 : vector<1x128xf32> to vector<2000x128xf32>
    %add3A_26 = arith.addf %add3A_21, %add3A_25 : vector<2000x128xf32>
    %max3A = arith.constant 0.000000e+00 : f32
    %max3A_27 = vector.broadcast %max3A : f32 to vector<2000x128xf32>
    %max3A_28 = arith.maximumf %add3A_26, %max3A_27 : vector<2000x128xf32>
    %get3A_29 = arith.constant 0 : index
    %get3A_30 = arith.constant 0 : index
    %get3A_31 = vector.load %arg1[%get3A_29, %get3A_30] : memref<2000x128xf32, #tpu.memory_space<vmem>>, vector<2000x128xf32>
    %add3A_32 = arith.addf %max3A_28, %get3A_31 : vector<2000x128xf32>
    %swap3A = arith.constant 0 : index
    %swap3A_33 = arith.constant 0 : index
    %swap3A_34 = vector.load %arg5[%swap3A, %swap3A_33] : memref<2000x128xf32, #tpu.memory_space<vmem>>, vector<2000x128xf32>
    tpu.vector_store %arg5[%swap3A, %swap3A_33], %add3A_32 {strides = array<i32>} : memref<2000x128xf32, #tpu.memory_space<vmem>>, vector<2000x128xf32>,
    return
  }
  func.func @transform_0(%arg0: i32) -> (i32, i32) {
    %c0_i32 = arith.constant 0 : i32
    %c0_i32_0 = arith.constant 0 : i32
    return %arg0, %c0_i32 : i32, i32
  }
  func.func @transform_1(%arg0: i32) -> (i32, i32, i32) {
    %c0_i32 = arith.constant 0 : i32
    %c0_i32_0 = arith.constant 0 : i32
    %c0_i32_1 = arith.constant 0 : i32
    return %c0_i32, %arg0, %c0_i32_0 : i32, i32, i32
  }
  func.func @transform_2(%arg0: i32) -> (i32, i32) {
    %c0_i32 = arith.constant 0 : i32
    %c0_i32_0 = arith.constant 0 : i32
    %c0_i32_1 = arith.constant 0 : i32
    return %c0_i32, %c0_i32_0 : i32, i32
  }
  func.func @transform_3(%arg0: i32) -> (i32, i32) {
    %c0_i32 = arith.constant 0 : i32
    %c0_i32_0 = arith.constant 0 : i32
    %c0_i32_1 = arith.constant 0 : i32
    return %c0_i32, %c0_i32_0 : i32, i32
  }
  func.func @transform_4(%arg0: i32) -> (i32, i32) {
    %c0_i32 = arith.constant 0 : i32
    %c0_i32_0 = arith.constant 0 : i32
    return %arg0, %c0_i32 : i32, i32
  }
}

module attributes {stable_mosaic.version = 14 : i64} {
  func.func @_y_body(%arg0: i32, %arg1: memref<2000x128xf32, #tpu.memory_space<vmem>>, %arg2: memref<132x128xf32, #tpu.memory_space<vmem>>, %arg3: memref<2000x128xf32, #tpu.memory_space<vmem>>) attributes {dimension_semantics = [#tpu.dimension_semantics<arbitrary>], iteration_bounds = array<i64: 5>, scalar_prefetch = 0 : i64, scratch_operands = 0 : i64, tpu.core_type = #tpu.core_type<tc>, window_params = [{transform_indices = @transform_0, window_bounds = array<i64: 2000, 128>}, {pipeline_mode = #tpu.pipeline_mode<synchronous>, transform_indices = @transform_1, window_bounds = array<i64: 132, 128>}, {transform_indices = @transform_2, window_bounds = array<i64: 2000, 128>}]} {
    %get3A = arith.constant 0 : index
    %get3A_0 = arith.constant 0 : index
    %get3A_1 = vector.load %arg1[%get3A, %get3A_0] : memref<2000x128xf32, #tpu.memory_space<vmem>>, vector<2000x128xf32>
    %get3A_2 = arith.constant 0 : index
    %get3A_3 = arith.constant 0 : index
    %get3A_4 = vector.load %arg2[%get3A_2, %get3A_3] : memref<132x128xf32, #tpu.memory_space<vmem>>, vector<128x128xf32>
    %dot_general3A = arith.constant dense<0.000000e+00> : vector<2000x128xf32>
    %dot_general3A_5 = tpu.matmul %get3A_1, %get3A_4, %dot_general3A {dimension_numbers = #tpu.dot_dimension_numbers<[1], [0], [0], [1], [0, 0, 1, 1], [], []>, transpose_lhs_hint = false} : vector<2000x128xf32>, vector<128x128xf32>, vector<2000x128xf32> -> vector<2000x128xf32>
    %swap3A = arith.constant 0 : index
    %swap3A_6 = arith.constant 0 : index
    %swap3A_7 = vector.load %arg3[%swap3A, %swap3A_6] : memref<2000x128xf32, #tpu.memory_space<vmem>>, vector<2000x128xf32>
    tpu.vector_store %arg3[%swap3A, %swap3A_6], %dot_general3A_5 {strides = array<i32>} : memref<2000x128xf32, #tpu.memory_space<vmem>>, vector<2000x128xf32>,
    return
  }
  func.func @transform_0(%arg0: i32) -> (i32, i32) {
    %c0_i32 = arith.constant 0 : i32
    %c0_i32_0 = arith.constant 0 : i32
    return %arg0, %c0_i32 : i32, i32
  }
  func.func @transform_1(%arg0: i32) -> (i32, i32) {
    %c0_i32 = arith.constant 0 : i32
    %c0_i32_0 = arith.constant 0 : i32
    %c0_i32_1 = arith.constant 0 : i32
    return %c0_i32, %c0_i32_0 : i32, i32
  }
  func.func @transform_2(%arg0: i32) -> (i32, i32) {
    %c0_i32 = arith.constant 0 : i32
    %c0_i32_0 = arith.constant 0 : i32
    return %arg0, %c0_i32 : i32, i32
  }
}

</mosaic_0001>

<sc_bundles>
// kernel: kernel.6.cloned.1.call-start
scs
__scs_entry_jumppad:
0x0: {  	(pc) =	sbr.rel $0x88, $3  }
0x1: {  	(tag) =	ssettag $0x0;
	lr =	simm.s32 $0x1  }
0x2: {  	[smem:$0x3F9A] =	sst lr;
	_ =	strace $0xD0000000  }
0x3: {  	_ = 	snop  }
0x4: {  	_ = 	snop  }
0x5: {  	_ = 	snop  }
0x6: {  	_ = 	snop  }
0x7: {  	_ = 	snop  }
__scs_overlays_trampoline_lowered:
0x8: {  	[smem:$0x3FA9] =	sst s0  }
0x9: {  	[smem:$0x3FAA] =	sst s1  }
0xa: {  	[smem:$0x3FAB] =	sst s2  }
0xb: {  	[smem:$0x3FAC] =	sst s3  }
0xc: {  	[smem:$0x3FAD] =	sst s4  }
0xd: {  	[smem:$0x3FAE] =	sst s5  }
0xe: {  	[smem:$0x3FAF] =	sst s6  }
0xf: {  	[smem:$0x3FB0] =	sst s7  }
0x10: {  	[smem:$0x3FB1] =	sst s8  }
0x11: {  	[smem:$0x3FB2] =	sst s9;
	s0 =	simm.s32 @!p0 $0x0  }
0x12: {  	s1 =	sld [smem:$0x3F98];
	s0 =	simm.s32 @p0 $0x1  }
0x13: {  	[smem:$0x3FB3] =	sst s0;
	s0 =	simm.s32 @!p1 $0x0  }
0x14: {  	s2 =	sld [smem:$0x3F97];
	s0 =	simm.s32 @p1 $0x1  }
0x15: {  	[smem:$0x3FB4] =	sst s0;
	s0 =	simm.s32 @!p2 $0x0  }
0x16: {  	s3 =	sld [smem:$0x3FDB];
	s0 =	simm.s32 @p2 $0x1  }
0x17: {  	s4 =	simm.s32 $0x1BF5;
	[smem:$0x3FB6] =	sst s0  }
0x18: {  	s0 =	sld [smem:$0x3F99];
	_ =	swait.ge [sflag:s4], $0x0  }
0x19: {  	s7 =	sld [smem:$0x3F9A]  }
0x1a: {  	s8 =	sadd.s32 $0xFFFFE003, lr  }
0x1b: {  	s9 =	sadd.s32 $0xFFFFFEF7, lr;
	s5 =	simm.s32 $0xFFFFFFFF;
	p2 =	slt.u32 s8, $0xFFFFF086  }
0x1c: {  	p1 =	slt.u32 s9, $0xF7A;
	s5 =	simm.s32 @!p2 $0x0  }
0x1d: {  	s5 =	simm.s32 @p1 $0x1;
	p0 =	seq.s32 s7, s2  }
0x1e: {  	s7 =	smul.u32 @!p0 $0xF7A, s2;
	p2 =	seq.s32 @!p0 s5, $0x0  }
0x1f: {  	s9 =	smul.u32 $0xF7A, s1;
	s8 =	simm.s32 @!p0 $0x1BF5;
	p2 =	por !p2, p0  }
0x20: {  	[sflag:s8] =	ssyncset.s32 @!p0 $0xFFFFF086;
	s6 =	sadd.s32 @!p0 s3, s7;
	s7 =	simm.s32 @!p0 $0x108  }
0x21: {  	s3 =	sadd.s32 s3, s9;
	s6 =	sadd.s32 @!p0 $0x88, s6;
	s7 =	simm.s32 @p2 $0x1082  }
0x22: {  	[simem:s7], [sflag:s8] =	dma.local @!p0 [hbm:s6], $0xF7A  }
0x23: {  	s9 =	sor.u32 $0xD0000000, s2;
	s6 =	simm.s32 $0x108;
	_ =	swait.ge @!p0 [sflag:s8], $0x0  }
0x24: {  	s3 =	sadd.s32 $0x88, s3;
	s6 =	simm.s32 @!p1 $0x1082;
	[sflag:s4] =	ssyncset.s32 $0xFFFFF086  }
0x25: {  	[simem:s6], [sflag:s4] =	dma.local [hbm:s3], $0xF7A  }
0x26: {  	[smem:$0x3F9A] =	sst s1;
	(tag) =	ssettag s2;
	_ =	strace s9  }
0x27: {  	s1 =	sld [smem:$0x3FAA]  }
0x28: {  	s2 =	sld [smem:$0x3FAB]  }
0x29: {  	s4 =	sld [smem:$0x3FAD]  }
0x2a: {  	p0 =	seq.s32 s5, $0x0;
	s5 =	sld [smem:$0x3FAE]  }
0x2b: {  	s6 =	sld [smem:$0x3FAF]  }
0x2c: {  	s7 =	sld [smem:$0x3FB0]  }
0x2d: {  	s3 =	simm.s32 $0x108;
	s8 =	sld [smem:$0x3FB1]  }
0x2e: {  	s3 =	simm.s32 @!p0 $0x1082;
	s9 =	sld [smem:$0x3FB2]  }
0x2f: {  	lr =	sadd.s32 s0, s3;
	s0 =	sld [smem:$0x3FA9]  }
0x30: {  	s3 =	sld [smem:$0x3FAC]  }
0x31: {  	[smem:$0x3FB5] =	sst s10  }
0x32: {  	s10 =	sld [smem:$0x3FB3];
	_ =	sdelay $0x3  }
0x33: {  	p0 =	seq.s32 s10, $0x1;
	s10 =	sld [smem:$0x3FB5];
	_ =	sdelay $0x3  }
0x34: {  	[smem:$0x3FB5] =	sst s10  }
0x35: {  	s10 =	sld [smem:$0x3FB4];
	_ =	sdelay $0x3  }
0x36: {  	p1 =	seq.s32 s10, $0x1;
	s10 =	sld [smem:$0x3FB5];
	_ =	sdelay $0x3  }
0x37: {  	[smem:$0x3FB5] =	sst s10  }
0x38: {  	s10 =	sld [smem:$0x3FB6]  }
0x39: {  	_ = 	snop;
	(pc) =	sbr.ind lr, $3  }
0x3a: {  	_ = 	snop  }
0x3b: {  	_ = 	snop  }
0x3c: {  	p2 =	seq.s32 s10, $0x1;
	s10 =	sld [smem:$0x3FB5]  }
0x3d: {  	_ =	shalt  }
0x3e: {  	_ =	shalt  }
0x3f: {  	_ =	shalt  }
0x40: {  	_ =	shalt  }
0x41: {  	_ =	shalt  }
0x42: {  	_ =	shalt  }
0x43: {  	_ =	shalt  }
0x44: {  	_ =	shalt  }
0x45: {  	_ =	shalt  }
0x46: {  	_ =	shalt  }
0x47: {  	_ =	shalt  }
0x48: {  	_ =	shalt  }
0x49: {  	_ =	shalt  }
0x4a: {  	_ =	shalt  }
0x4b: {  	_ =	shalt  }
0x4c: {  	_ =	shalt  }
0x4d: {  	_ =	shalt  }
0x4e: {  	_ =	shalt  }
0x4f: {  	_ =	shalt  }
0x50: {  	_ =	shalt  }
0x51: {  	_ =	shalt  }
0x52: {  	_ =	shalt  }
0x53: {  	_ =	shalt  }
0x54: {  	_ =	shalt  }
0x55: {  	_ =	shalt  }
0x56: {  	_ =	shalt  }
0x57: {  	_ =	shalt  }
0x58: {  	_ =	shalt  }
0x59: {  	_ =	shalt  }
0x5a: {  	_ =	shalt  }
0x5b: {  	_ =	shalt  }
0x5c: {  	_ =	shalt  }
0x5d: {  	_ =	shalt  }
0x5e: {  	_ =	shalt  }
0x5f: {  	_ =	shalt  }
0x60: {  	_ =	shalt  }
0x61: {  	_ =	shalt  }
0x62: {  	_ =	shalt  }
0x63: {  	_ =	shalt  }
0x64: {  	_ =	shalt  }
0x65: {  	_ =	shalt  }
0x66: {  	_ =	shalt  }
0x67: {  	_ =	shalt  }
0x68: {  	_ =	shalt  }
0x69: {  	_ =	shalt  }
0x6a: {  	_ =	shalt  }
0x6b: {  	_ =	shalt  }
0x6c: {  	_ =	shalt  }
0x6d: {  	_ =	shalt  }
0x6e: {  	_ =	shalt  }
0x6f: {  	_ =	shalt  }
0x70: {  	_ =	shalt  }
0x71: {  	_ =	shalt  }
0x72: {  	_ =	shalt  }
0x73: {  	_ =	shalt  }
0x74: {  	_ =	shalt  }
0x75: {  	_ =	shalt  }
0x76: {  	_ =	shalt  }
0x77: {  	_ =	shalt  }
0x78: {  	_ =	shalt  }
0x79: {  	_ =	shalt  }
0x7a: {  	_ =	shalt  }
0x7b: {  	_ =	shalt  }
0x7c: {  	_ =	shalt  }
0x7d: {  	_ =	shalt  }
0x7e: {  	_ =	shalt  }
0x7f: {  	_ =	shalt  }
0x80: {  	_ =	shalt  }
0x81: {  	_ =	shalt  }
0x82: {  	_ =	shalt  }
0x83: {  	_ =	shalt  }
0x84: {  	_ =	shalt  }
0x85: {  	_ =	shalt  }
0x86: {  	_ =	shalt  }
0x87: {  	_ =	shalt  }
.Lfunc_end0:
.L_simem_size_0:
called_computation_lowered:
.L_overlay_start_0:
0x88: {  	s2 =	sld [smem:$0x3FD9]  }
0x89: {  	s3 =	sld [smem:$0x3FFE];
	_ =	sdelay $0x1  }
0x8a: {  	s1 =	srdreg.scid  }
0x8b: {  	s0 =	sand.u32 $0x1, s1  }
0x8c: {  	s17 =	sshll.u32 s0, $0xA;
	s2 =	sadd.s32 s3, s2  }
0x8d: {  	s2 =	sadd.s32 s2, s17  }
0x8e: {  	[smem:$0x3FC1] =	sst s2  }
0x8f: {  	_ = 	snop  }
0x90: {  	s2 =	sld [smem:$0x3FD0];
	(tm) =	ssettm $0x1  }
0x91: {  	s18 =	sld [smem:$0x3FFB];
	_ =	sdelay $0x3  }
0x92: {  	_ =	strace s18  }
0x93: {  	s3 =	sld [smem:$0x3FFC];
	_ =	sdelay $0x3  }
0x94: {  	_ =	strace s3  }
0x95: {  	s3 =	sld [smem:$0x3FFD];
	_ =	sdelay $0x3  }
0x96: {  	_ =	strace s3  }
0x97: {  	_ =	strace $0x8FFFFFFF  }
0x98: {  	s19 =	sld [smem:$0x3FDB];
	_ =	sdelay $0x1  }
0x99: {  	s4 =	simm.s32 $_scs_section_size  }
0x9a: {  	s5 =	simm.s32 $_size__tile_overlayer_lowered;
	s6 =	simm.s32 $_tile_overlayer_lowered  }
0x9b: {  	s22 =	simm.s32 $0x1BFF;
	s21 =	sshll.u32 s6, $0x1;
	s3 =	sadd.s32 s4, s19  }
0x9c: {  	s7 =	simm.s32 $0x0;
	s20 =	sshll.u32 s5, $0x1;
	s5 =	sadd.s32 s21, s3  }
0x9d: {  	[timem:s7], [sflag:s22] =	dma.local [hbm:s5], s20  }
0x9e: {  	_ =	swait.ge [sflag:s22], s20  }
0x9f: {  	s4 =	ssub.s32 $0x0, s20;
	[sflag:s22] =	ssyncset.done $0x0  }
0xa0: {  	[sflag:s22] =	ssyncadd.s32 s4;
	_ =	sdelay $0x1  }
0xa1: {  	s23 =	simm.s32 $0x1B8B  }
0xa2: {  	_ =	swait.ge [sflag:s23], $0x1  }
0xa3: {  	[sflag:s23] =	ssyncset.done $0x0  }
0xa4: {  	s25 =	simm.s32 $0x1B8E;
	s24 =	sld [smem:$0x3FFE];
	[sflag:s23] =	ssyncadd.s32 $0xFFFFFFFF  }
0xa5: {  	s26 =	simm.s32 $execute0_lowered;
	[smem:$0x3FD2] =	sst s25  }
0xa6: {  	s5 =	sshll.u32 s26, $0x1;
	_ =	strace $0x80000046;
	[dreg:$0x1] =	wrdreg $0xFFFFFFFF  }
0xa7: {  	s28 =	simm.s32 $_size_execute0_lowered;
	s3 =	sadd.s32 s3, s5;
	[dreg:$0x0] =	wrdreg $0x0  }
0xa8: {  	s5 =	sshll.u32 s28, $0x1;
	[dreg:$0x2] =	wrdreg s3  }
0xa9: {  	[dreg:$0x3] =	wrdreg s5  }
0xaa: {  	[dreg:$0x4] =	wrdreg $0xC0  }
0xab: {  	_ =	task [dreg:s7], $0x5FFFF  }
0xac: {  	[dreg:$0x1] =	wrdreg $0xFFFFFFFF  }
0xad: {  	[dreg:$0x0] =	wrdreg $0x60  }
0xae: {  	[dreg:$0x2] =	wrdreg s24  }
0xaf: {  	[dreg:$0x3] =	wrdreg s2  }
0xb0: {  	[dreg:$0x4] =	wrdreg $0xA4000  }
0xb1: {  	[dreg:$0x5] =	wrdreg $0x9  }
0xb2: {  	_ =	task.clear_ibuf [dreg:s7], $0x6FFFF;
	_ =	strace $0x90000046  }
0xb3: {  	s29 =	simm.s32 $0x9;
	_ =	strace $0x80000048  }
0xb4: {  	_ =	swait.ge [sflag:s29], $0x1  }
0xb5: {  	[sflag:s29] =	ssyncadd.s32 $0xFFFFFFFF  }
0xb6: {  	_ =	strace $0x90000048  }
0xb7: {  	_ =	sfence  }
0xb8: {  	s30 =	sld [smem:$0x0];
	_ =	sdelay $0x2  }
0xb9: {  	s31 =	sshll.u32 s1, $0xD;
	s1 =	sshrl.u32 s1, $0x2  }
0xba: {  	s3 =	sand.u32 $0x4000, s31;
	s1 =	sadd.s32 s1, s30  }
0xbb: {  	s0 =	sor.u32 s3, s0;
	s1 =	sshll.u32 s1, $0x11  }
0xbc: {  	s0 =	sor.u32 s1, s0  }
0xbd: {  	s0 =	sadd.s32 $0x8F2B, s0  }
0xbe: {  	[sflag:s0] =	ssyncadd.remote.s32 $0x1  }
0xbf: {  	_ =	sfence.sel $0xFFFF  }
0xc0: {  	[dreg:$0x0] =	wrdreg $0xFFFFFFFF;
	(pc) =	sbr.abs _section_cstart, $3  }
0xc1: {  	[dreg:$0x1] =	wrdreg $0xFFFFFFFF  }
0xc2: {  	_ =	task.clear_ibuf [dreg:s7], $0x2FFFF;
	_ =	strace $0x9FFFFFFF  }
0xc3: {  	(tm) =	ssettm $0x7FFFFFFF  }
tec
execute0_lowered:
.L_overlay_start_1:
0x0: {  	(tag) =	ssettag $0x1  }
0x1: {  	s0 =	rddreg [dreg:$0x0]  }
0x2: {  	s1 =	rddreg [dreg:$0x1]  }
0x3: {  	s2 =	rddreg [dreg:$0x2];
	s3 =	simm.s32 $0x0  }
0x4: {  	s5 =	srdreg.scid;
	s14 =	stileid.u32;
	s28 =	simm.s32 $0x2  }
0x5: {  	s29 =	simm.s32 $0x3;
	s30 =	simm.s32 $0x4;
	s31 =	simm.s32 $0x5  }
0x6: {  	[smem:$0x7FF] =	sst s3;
	s4 =	sadd.s32 $0x1C00, s0;
	s10 =	smul.u32 $0x4E000, s14  }
0x7: {  	s6 =	sand.u32 $0x1, s5;
	s5 =	sadd.s32 $0xBA00, s0;
	s26 =	smul.u32 $0x13800, s14  }
0x8: {  	p0 =	sne.s32 s14, $0x0;
	_ =	strace $0x80000047;
	s7 =	sshll.u32 s6, $0x4  }
0x9: {  	s8 =	ssub.s32 $0x2, s6;
	s6 =	smul.u32 $0x138800, s6;
	s9 =	sor.u32 s14, s7  }
0xa: {  	s7 =	sadd.s32 $0x4E3C00, s0;
	s11 =	sshrl.u32 s8, $0x1;
	s0 =	sadd.s32 $0x15800, s0  }
0xb: {  	s10 =	sshrl.u32 s10, $0x2;
	s14 =	simm.s32 $0x2C00;
	s12 =	smul.u32 $0x2710, s9  }
0xc: {  	s8 =	ssub.s32 s8, s11;
	s9 =	smul.u32 $0x27100, s9;
	s15 =	sadd.s32 s10, s2  }
0xd: {  	[dreg:$0x4] =	wrdreg s15;
	s16 =	sshrl.u32 s12, $0x3;
	s13 =	sadd.s32 $0x50, s12  }
0xe: {  	s9 =	sadd.s32 s7, s9;
	s22 =	sadd.s32 $0xA0, s12;
	s25 =	sadd.s32 $0xF0, s12  }
0xf: {  	s17 =	sadd.s32 s4, s16;
	s18 =	sshrl.u32 s13, $0x3;
	[dreg:$0x7] =	wrdreg s9  }
0x10: {  	s11 =	sadd.s32 s5, s16;
	s23 =	sshrl.u32 s22, $0x3;
	[dreg:$0x5] =	wrdreg s17  }
0x11: {  	s10 =	sshll.u32 s22, $0x4;
	s22 =	sadd.s32 $0x190, s12;
	[dreg:$0x6] =	wrdreg s11  }
0x12: {  	s21 =	sshll.u32 s13, $0x4;
	s13 =	simm.s32 $0x0;
	[dreg:$0x13] =	wrdreg s22  }
0x13: {  	s16 =	sshrl.u32 s25, $0x3;
	s19 =	sadd.s32 s4, s18;
	[dreg:$0x1d] =	wrdreg s13  }
0x14: {  	s20 =	sadd.s32 s5, s18;
	s9 =	sadd.s32 s7, s21;
	[dreg:$0x8] =	wrdreg s19  }
0x15: {  	s24 =	sadd.s32 s4, s23;
	s17 =	sadd.s32 s4, s16;
	[dreg:$0x9] =	wrdreg s20  }
0x16: {  	s18 =	sadd.s32 s26, s6;
	s6 =	sshrl.u32 s6, $0x3;
	[dreg:$0xa] =	wrdreg s9  }
0x17: {  	s21 =	sadd.s32 $0x26C0, s12;
	s11 =	smax.u32 s8, $0x1;
	[dreg:$0xb] =	wrdreg s24  }
0x18: {  	s8 =	simm.s32 $0x7;
	s22 =	simm.s32 $0xA;
	[dreg:$0xe] =	wrdreg s17  }
0x19: {  	s9 =	sadd.s32 s5, s23;
	s19 =	sshll.u32 s25, $0x4;
	[dreg:$0x1a] =	wrdreg s11  }
0x1a: {  	s20 =	sadd.s32 $0x140, s12;
	s23 =	sadd.s32 $0x1E0, s12;
	[dreg:$0xc] =	wrdreg s9  }
0x1b: {  	s24 =	sshrl.u32 s21, $0x3;
	s25 =	sadd.s32 $0x230, s12;
	[dreg:$0x12] =	wrdreg s20  }
0x1c: {  	s12 =	sadd.s32 $0xA000, s15;
	s11 =	simm.s32 $0x200;
	[dreg:$0x14] =	wrdreg s23  }
0x1d: {  	s17 =	simm.s32 $0x5400;
	s9 =	sadd.s32 s7, s10;
	[dreg:$0x15] =	wrdreg s25  }
0x1e: {  	s10 =	sadd.s32 s5, s16;
	s26 =	sadd.s32 s4, s24;
	[dreg:$0x1b] =	wrdreg s12  }
0x1f: {  	s25 =	sadd.s32 $0x138000, s2;
	s16 =	simm.s32 $0x80;
	[dreg:$0xd] =	wrdreg s9  }
0x20: {  	s20 =	simm.s32 $0x7C00;
	s23 =	simm.s32 $0xB;
	[dreg:$0xf] =	wrdreg s10  }
0x21: {  	s9 =	sshrl.u32 s18, $0x3;
	s10 =	sadd.s32 s7, s19;
	[dreg:$0x16] =	wrdreg s26  }
0x22: {  	s18 =	simm.s32 $0x280;
	s19 =	simm.s32 $0x300;
	[dreg:$0x1c] =	wrdreg s25  }
0x23: {  	[dreg:$0x10] =	wrdreg s10;
	s9 =	sadd.s32 s0, s9;
	s0 =	sadd.s32 s0, s6  }
0x24: {  	s6 =	sshll.u32 s21, $0x4;
	[dreg:$0x11] =	wrdreg s9;
	s9 =	sadd.s32 s5, s24  }
0x25: {  	s26 =	simm.s32 $0x50;
	s6 =	sadd.s32 s7, s6;
	[dreg:$0x17] =	wrdreg s9  }
0x26: {  	s21 =	simm.s32 $0x1;
	s0 =	sadd.s32 $0x27000, s0;
	[dreg:$0x18] =	wrdreg s6  }
0x27: {  	s10 =	simm.s32 $0x9;
	s24 =	simm.s32 $0xC;
	[dreg:$0x19] =	wrdreg s0  }
0x28: {  	v0 =	vimm.f32 $0.0e+00;
	s9 =	simm.s32 $0x400;
	s0 =	simm.s32 $0x6;
	s6 =	simm.s32 $0x8  }
.LBB2_1:
0x29: {  	s12 =	simm.s32 $0x500  }
0x2a: {  	[tilespmem:s12+$0xFFFFFF00] =	vst v0  }
0x2b: {  	[tilespmem:s12+$0xF0] =	vst v0  }
0x2c: {  	[tilespmem:s12+$0xE0] =	vst v0  }
0x2d: {  	[tilespmem:s12+$0xD0] =	vst v0  }
0x2e: {  	[tilespmem:s12+$0xC0] =	vst v0  }
0x2f: {  	[tilespmem:s12+$0xB0] =	vst v0  }
0x30: {  	[tilespmem:s12+$0xA0] =	vst v0  }
0x31: {  	[tilespmem:s12+$0x90] =	vst v0  }
0x32: {  	[tilespmem:s12+$0x80] =	vst v0  }
0x33: {  	[tilespmem:s12+$0x70] =	vst v0  }
0x34: {  	[tilespmem:s12+$0x60] =	vst v0  }
0x35: {  	[tilespmem:s12+$0x50] =	vst v0  }
0x36: {  	[tilespmem:s12+$0x40] =	vst v0  }
0x37: {  	[tilespmem:s12+$0x30] =	vst v0  }
0x38: {  	[tilespmem:s12+$0x20] =	vst v0  }
0x39: {  	[tilespmem:s12+$0x10] =	vst v0  }
0x3a: {  	[tilespmem:s12+$0x0] =	vst v0  }
0x3b: {  	[tilespmem:s12+$0xFFFFFFF0] =	vst v0  }
0x3c: {  	[tilespmem:s12+$0xFFFFFFE0] =	vst v0  }
0x3d: {  	[tilespmem:s12+$0xFFFFFFD0] =	vst v0  }
0x3e: {  	[tilespmem:s12+$0xFFFFFFC0] =	vst v0  }
0x3f: {  	[tilespmem:s12+$0xFFFFFFB0] =	vst v0  }
0x40: {  	[tilespmem:s12+$0xFFFFFFA0] =	vst v0  }
0x41: {  	[tilespmem:s12+$0xFFFFFF90] =	vst v0  }
0x42: {  	[tilespmem:s12+$0xFFFFFF80] =	vst v0  }
0x43: {  	[tilespmem:s12+$0xFFFFFF70] =	vst v0  }
0x44: {  	[tilespmem:s12+$0xFFFFFF60] =	vst v0  }
0x45: {  	[tilespmem:s12+$0xFFFFFF50] =	vst v0  }
0x46: {  	[tilespmem:s12+$0xFFFFFF40] =	vst v0  }
0x47: {  	[tilespmem:s12+$0xFFFFFF30] =	vst v0  }
0x48: {  	s13 =	simm.s32 $0x0;
	[tilespmem:s12+$0xFFFFFF20] =	vst v0  }
.LBB2_2:
0x49: {  	s13 =	sadd.s32 $0x4, s13;
	[tilespmem:s12+$0xFFFFFF10] =	vst v0;
	s12 =	sadd.s32 $0x200, s12  }
0x4a: {  	[tilespmem:s12+$0xFFFFFF00] =	vst v0;
	p1 =	slt.u32 s13, $0x13C  }
0x4b: {  	[tilespmem:s12+$0xF0] =	vst v0  }
0x4c: {  	[tilespmem:s12+$0xE0] =	vst v0  }
0x4d: {  	[tilespmem:s12+$0xD0] =	vst v0  }
0x4e: {  	[tilespmem:s12+$0xC0] =	vst v0  }
0x4f: {  	[tilespmem:s12+$0xB0] =	vst v0  }
0x50: {  	[tilespmem:s12+$0xA0] =	vst v0  }
0x51: {  	[tilespmem:s12+$0x90] =	vst v0  }
0x52: {  	[tilespmem:s12+$0x80] =	vst v0  }
0x53: {  	[tilespmem:s12+$0x70] =	vst v0  }
0x54: {  	[tilespmem:s12+$0x60] =	vst v0  }
0x55: {  	[tilespmem:s12+$0x50] =	vst v0  }
0x56: {  	[tilespmem:s12+$0x40] =	vst v0  }
0x57: {  	[tilespmem:s12+$0x30] =	vst v0  }
0x58: {  	[tilespmem:s12+$0x20] =	vst v0  }
0x59: {  	[tilespmem:s12+$0x10] =	vst v0  }
0x5a: {  	[tilespmem:s12+$0x0] =	vst v0  }
0x5b: {  	[tilespmem:s12+$0xFFFFFFF0] =	vst v0  }
0x5c: {  	[tilespmem:s12+$0xFFFFFFE0] =	vst v0  }
0x5d: {  	[tilespmem:s12+$0xFFFFFFD0] =	vst v0  }
0x5e: {  	[tilespmem:s12+$0xFFFFFFC0] =	vst v0  }
0x5f: {  	[tilespmem:s12+$0xFFFFFFB0] =	vst v0  }
0x60: {  	[tilespmem:s12+$0xFFFFFFA0] =	vst v0  }
0x61: {  	[tilespmem:s12+$0xFFFFFF90] =	vst v0  }
0x62: {  	[tilespmem:s12+$0xFFFFFF80] =	vst v0  }
0x63: {  	[tilespmem:s12+$0xFFFFFF70] =	vst v0  }
.Ltmp0:
0x64: {  	[tilespmem:s12+$0xFFFFFF60] =	vst v0;
	(pc) =	sbr.rel @p1 .LBB2_2-.Ltmp0, $4  }
0x65: {  	[tilespmem:s12+$0xFFFFFF50] =	vst v0  }
0x66: {  	[tilespmem:s12+$0xFFFFFF40] =	vst v0  }
0x67: {  	[tilespmem:s12+$0xFFFFFF30] =	vst v0  }
0x68: {  	[tilespmem:s12+$0xFFFFFF20] =	vst v0  }
0x69: {  	[tilespmem:s12+$0xFFFFFF10] =	vst v0;
	s13 =	simm.s32 $0xD  }
0x6a: {  	[spmem:s15] =	stream.linear.scatter [tilespmem:s9], [sflag:$0xD], $0xA000, $0x38;
	[tilespmem:$0x1DC80] =	vst v63  }
0x6b: {  	_ =	swait.ge [sflag:s13], $0xA000  }
0x6c: {  	[sflag:s13] =	ssyncset.done $0x0  }
0x6d: {  	s15 =	rddreg [dreg:$0x1b];
	[sflag:s13] =	ssyncadd.s32 $0xFFFF6000  }
0x6e: {  	[spmem:s15] =	stream.linear.scatter [tilespmem:s9], [sflag:$0xD], $0x9800, $0x38;
	[tilespmem:$0x1DC80] =	vst v63  }
0x6f: {  	_ =	swait.ge [sflag:s13], $0x9800  }
0x70: {  	[sflag:s13] =	ssyncset.done $0x0  }
0x71: {  	s12 =	simm.s32 @!p0 $0x400;
	[sflag:s13] =	ssyncadd.s32 $0xFFFF6800  }
0x72: {  	[spmem:s25] =	stream.linear.scatter @!p0 [tilespmem:s12], [sflag:$0xD], $0x800, $0x38;
	[tilespmem:$0x1DC80] =	vst v63  }
0x73: {  	s12 =	simm.s32 @!p0 $0xD  }
0x74: {  	_ =	swait.ge @!p0 [sflag:s12], $0x800  }
0x75: {  	[sflag:s12] =	ssyncset.done @!p0 $0x0  }
0x76: {  	[sflag:s12] =	ssyncadd.s32 @!p0 $0xFFFFF800  }
0x77: {  	[bflag:$0x0] =	sbarrier.arrive $0xFFFF  }
0x78: {  	s25 =	simm.s32 $0x0;
	s13 =	rddreg [dreg:$0x5]  }
0x79: {  	[tilespmem:s25], [sflag:$0x1] =	stream.linear.gather [hbm4b:s13+s25], $0x50, $0x38;
	[tilespmem:$0x1DC80] =	vst v63  }
0x7a: {  	s15 =	rddreg [dreg:$0x6]  }
0x7b: {  	[tilespmem:s11], [sflag:$0x1] =	stream.linear.gather [hbm4b:s15+s25], $0x50, $0x38;
	[tilespmem:$0x1DC80] =	vst v63  }
0x7c: {  	s13 =	rddreg [dreg:$0x7]  }
0x7d: {  	[tilespmem:s9], [sflag:$0x1] =	stream.linear.gather [hbm4b:s13+s25], $0x2800, $0x38;
	[tilespmem:$0x1DC80] =	vst v63  }
0x7e: {  	s15 =	rddreg [dreg:$0x8]  }
0x7f: {  	[tilespmem:s16], [sflag:$0x2] =	stream.linear.gather [hbm4b:s15+s25], $0x50, $0x38;
	[tilespmem:$0x1DC80] =	vst v63  }
0x80: {  	s11 =	rddreg [dreg:$0x9]  }
0x81: {  	[tilespmem:s18], [sflag:$0x2] =	stream.linear.gather [hbm4b:s11+s25], $0x50, $0x38;
	[tilespmem:$0x1DC80] =	vst v63  }
0x82: {  	s13 =	rddreg [dreg:$0xa]  }
0x83: {  	[tilespmem:s14], [sflag:$0x2] =	stream.linear.gather [hbm4b:s13+s25], $0x2800, $0x38;
	[tilespmem:$0x1DC80] =	vst v63  }
0x84: {  	s15 =	rddreg [dreg:$0xb];
	s13 =	simm.s32 $0x100  }
0x85: {  	[tilespmem:s13], [sflag:$0x3] =	stream.linear.gather [hbm4b:s15+s25], $0x50, $0x38;
	[tilespmem:$0x1DC80] =	vst v63  }
0x86: {  	s11 =	rddreg [dreg:$0xc]  }
0x87: {  	[tilespmem:s19], [sflag:$0x3] =	stream.linear.gather [hbm4b:s11+s25], $0x50, $0x38;
	[tilespmem:$0x1DC80] =	vst v63  }
0x88: {  	s15 =	rddreg [dreg:$0xd]  }
0x89: {  	[tilespmem:s17], [sflag:$0x3] =	stream.linear.gather [hbm4b:s15+s25], $0x2800, $0x38;
	[tilespmem:$0x1DC80] =	vst v63  }
0x8a: {  	s11 =	rddreg [dreg:$0xe];
	s15 =	simm.s32 $0x180  }
0x8b: {  	[tilespmem:s15], [sflag:$0x4] =	stream.linear.gather [hbm4b:s11+s25], $0x50, $0x38;
	[tilespmem:$0x1DC80] =	vst v63  }
0x8c: {  	s12 =	rddreg [dreg:$0xf];
	s11 =	simm.s32 $0x380  }
0x8d: {  	[tilespmem:s11], [sflag:$0x4] =	stream.linear.gather [hbm4b:s12+s25], $0x50, $0x38;
	[tilespmem:$0x1DC80] =	vst v63  }
0x8e: {  	s11 =	rddreg [dreg:$0x10]  }
0x8f: {  	[tilespmem:s20], [sflag:$0x4] =	stream.linear.gather [hbm4b:s11+s25], $0x2800, $0x38;
	[tilespmem:$0x1DC80] =	vst v63  }
.LBB2_4:
0x90: {  	_ =	swait.ge [sflag:s21], $0x50  }
0x91: {  	[sflag:s21] =	ssyncset.done $0x0  }
0x92: {  	[sflag:s21] =	ssyncadd.s32 $0xFFFFFFB0  }
0x93: {  	_ =	swait.ge [sflag:s21], $0x50  }
0x94: {  	[sflag:s21] =	ssyncset.done $0x0  }
0x95: {  	[sflag:s21] =	ssyncadd.s32 $0xFFFFFFB0  }
0x96: {  	_ =	swait.ge [sflag:s21], $0x2800  }
0x97: {  	[sflag:s21] =	ssyncset.done $0x0  }
0x98: {  	[sflag:s21] =	ssyncadd.s32 $0xFFFFD800  }
0x99: {  	[tilespmem:s9], [sflag:$0x5] =	stream.indirect.gather.add.f32 [hbm:s1], $0x80, s3, s26, $0xb8;
	[tilespmem:$0x1DC80] =	vst v63  }
0x9a: {  	_ =	swait.ge [sflag:s28], $0x50  }
0x9b: {  	[sflag:s28] =	ssyncset.done $0x0  }
0x9c: {  	[sflag:s28] =	ssyncadd.s32 $0xFFFFFFB0  }
0x9d: {  	_ =	swait.ge [sflag:s28], $0x50  }
0x9e: {  	[sflag:s28] =	ssyncset.done $0x0  }
0x9f: {  	[sflag:s28] =	ssyncadd.s32 $0xFFFFFFB0  }
0xa0: {  	_ =	swait.ge [sflag:s28], $0x2800  }
0xa1: {  	[sflag:s28] =	ssyncset.done $0x0  }
0xa2: {  	[sflag:s28] =	ssyncadd.s32 $0xFFFFD800  }
0xa3: {  	[tilespmem:s14], [sflag:$0x6] =	stream.indirect.gather.add.f32 [hbm:s1], $0x80, s16, s26, $0xb8;
	[tilespmem:$0x1DC80] =	vst v63  }
0xa4: {  	_ =	swait.ge [sflag:s29], $0x50  }
0xa5: {  	[sflag:s29] =	ssyncset.done $0x0  }
0xa6: {  	[sflag:s29] =	ssyncadd.s32 $0xFFFFFFB0  }
0xa7: {  	_ =	swait.ge [sflag:s29], $0x50  }
0xa8: {  	[sflag:s29] =	ssyncset.done $0x0  }
0xa9: {  	[sflag:s29] =	ssyncadd.s32 $0xFFFFFFB0  }
0xaa: {  	_ =	swait.ge [sflag:s29], $0x2800  }
0xab: {  	[sflag:s29] =	ssyncset.done $0x0  }
0xac: {  	[sflag:s29] =	ssyncadd.s32 $0xFFFFD800  }
0xad: {  	[tilespmem:s17], [sflag:$0x7] =	stream.indirect.gather.add.f32 [hbm:s1], $0x80, s13, s26, $0xb8;
	[tilespmem:$0x1DC80] =	vst v63  }
0xae: {  	_ =	swait.ge [sflag:s30], $0x50  }
0xaf: {  	[sflag:s30] =	ssyncset.done $0x0  }
0xb0: {  	[sflag:s30] =	ssyncadd.s32 $0xFFFFFFB0  }
0xb1: {  	_ =	swait.ge [sflag:s30], $0x50  }
0xb2: {  	[sflag:s30] =	ssyncset.done $0x0  }
0xb3: {  	[sflag:s30] =	ssyncadd.s32 $0xFFFFFFB0  }
0xb4: {  	_ =	swait.ge [sflag:s30], $0x2800  }
0xb5: {  	[sflag:s30] =	ssyncset.done $0x0  }
0xb6: {  	[sflag:s30] =	ssyncadd.s32 $0xFFFFD800  }
0xb7: {  	[tilespmem:s20], [sflag:$0x8] =	stream.indirect.gather.add.f32 [hbm:s1], $0x80, s15, s26, $0xb8;
	[tilespmem:$0x1DC80] =	vst v63  }
0xb8: {  	_ =	swait.ge [sflag:s31], $0x2800  }
0xb9: {  	[sflag:s31] =	ssyncset.done $0x0  }
0xba: {  	s12 =	simm.s32 $0x500;
	[sflag:s31] =	ssyncadd.s32 $0xFFFFD800  }
0xbb: {  	v1 =	vld [tilespmem:s12+$0xFFFFFF10]  }
0xbc: {  	v7 =	vld [tilespmem:s12+$0xF0]  }
0xbd: {  	v2 =	vld [tilespmem:s12+$0xFFFFFF20]  }
0xbe: {  	v8 =	vld [tilespmem:s12+$0xFFFFFF80]  }
0xbf: {  	v3 =	vld [tilespmem:s12+$0xFFFFFF30]  }
0xc0: {  	v9 =	vld [tilespmem:s12+$0xFFFFFF90];
	v1 =	vmax.f32 v1, $0.0e+00  }
0xc1: {  	v4 =	vld [tilespmem:s12+$0xFFFFFF40];
	v7 =	vmax.f32 v7, $0.0e+00;
	[tilespmem:s12+$0xFFFFFF10] =	vst v1  }
0xc2: {  	v5 =	vld [tilespmem:s12+$0xFFFFFF50];
	v2 =	vmax.f32 v2, $0.0e+00;
	[tilespmem:s12+$0xF0] =	vst v7  }
0xc3: {  	v6 =	vld [tilespmem:s12+$0xFFFFFF60];
	[tilespmem:s12+$0xFFFFFF20] =	vst v2;
	v2 =	vmax.f32 v8, $0.0e+00  }
0xc4: {  	v1 =	vld [tilespmem:s12+$0xFFFFFF70];
	[tilespmem:s12+$0xFFFFFF80] =	vst v2;
	v2 =	vmax.f32 v3, $0.0e+00  }
0xc5: {  	v10 =	vld [tilespmem:s12+$0xFFFFFFA0];
	[tilespmem:s12+$0xFFFFFF30] =	vst v2;
	v2 =	vmax.f32 v9, $0.0e+00  }
0xc6: {  	v11 =	vld [tilespmem:s12+$0xFFFFFFB0];
	[tilespmem:s12+$0xFFFFFF90] =	vst v2;
	v2 =	vmax.f32 v4, $0.0e+00  }
0xc7: {  	v7 =	vld [tilespmem:s12+$0xFFFFFFC0];
	[tilespmem:s12+$0xFFFFFF40] =	vst v2;
	v2 =	vmax.f32 v5, $0.0e+00  }
0xc8: {  	v5 =	vld [tilespmem:s12+$0x0];
	[tilespmem:s12+$0xFFFFFF50] =	vst v2;
	v2 =	vmax.f32 v6, $0.0e+00  }
0xc9: {  	v8 =	vld [tilespmem:s12+$0xFFFFFFD0];
	v1 =	vmax.f32 v1, $0.0e+00;
	[tilespmem:s12+$0xFFFFFF60] =	vst v2  }
0xca: {  	v2 =	vld [tilespmem:s12+$0x10];
	[tilespmem:s12+$0xFFFFFF70] =	vst v1;
	v1 =	vmax.f32 v10, $0.0e+00  }
0xcb: {  	v3 =	vld [tilespmem:s12+$0xFFFFFFE0];
	[tilespmem:s12+$0xFFFFFFA0] =	vst v1;
	v1 =	vmax.f32 v11, $0.0e+00  }
0xcc: {  	v4 =	vld [tilespmem:s12+$0xFFFFFFF0];
	[tilespmem:s12+$0xFFFFFFB0] =	vst v1;
	v1 =	vmax.f32 v7, $0.0e+00  }
0xcd: {  	v6 =	vld [tilespmem:s12+$0x20];
	[tilespmem:s12+$0xFFFFFFC0] =	vst v1;
	v1 =	vmax.f32 v5, $0.0e+00  }
0xce: {  	v5 =	vld [tilespmem:s12+$0x50];
	[tilespmem:s12+$0x0] =	vst v1;
	v1 =	vmax.f32 v8, $0.0e+00  }
0xcf: {  	v63 =	vld [tilespmem:s12+$0x30];
	[tilespmem:s12+$0xFFFFFFD0] =	vst v1;
	v1 =	vmax.f32 v2, $0.0e+00  }
0xd0: {  	v7 =	vld [tilespmem:s12+$0x40];
	[tilespmem:s12+$0x10] =	vst v1;
	v1 =	vmax.f32 v3, $0.0e+00  }
0xd1: {  	v2 =	vld [tilespmem:s12+$0x60];
	[tilespmem:s12+$0xFFFFFFE0] =	vst v1;
	v1 =	vmax.f32 v4, $0.0e+00  }
0xd2: {  	v3 =	vld [tilespmem:s12+$0x80];
	[tilespmem:s12+$0xFFFFFFF0] =	vst v1;
	v1 =	vmax.f32 v6, $0.0e+00  }
0xd3: {  	v4 =	vld [tilespmem:s12+$0x70];
	v5 =	vmax.f32 v5, $0.0e+00;
	[tilespmem:s12+$0x20] =	vst v1  }
0xd4: {  	v6 =	vld [tilespmem:s12+$0x90];
	v1 =	vmax.f32 v63, $0.0e+00;
	[tilespmem:s12+$0x50] =	vst v5  }
0xd5: {  	[tilespmem:s12+$0x30] =	vst v1;
	v1 =	vmax.f32 v7, $0.0e+00;
	v7 =	vld [tilespmem:s12+$0xA0]  }
0xd6: {  	v5 =	vmax.f32 v2, $0.0e+00;
	[tilespmem:s12+$0x40] =	vst v1;
	v1 =	vld [tilespmem:s12+$0xB0]  }
0xd7: {  	v2 =	vld [tilespmem:s12+$0xC0];
	[tilespmem:s12+$0x60] =	vst v5;
	v5 =	vmax.f32 v3, $0.0e+00  }
0xd8: {  	v3 =	vld [tilespmem:s12+$0xD0];
	v4 =	vmax.f32 v4, $0.0e+00;
	[tilespmem:s12+$0x80] =	vst v5  }
0xd9: {  	[tilespmem:s12+$0x70] =	vst v4;
	v6 =	vmax.f32 v6, $0.0e+00;
	v4 =	vld [tilespmem:s12+$0xE0]  }
0xda: {  	s13 =	simm.s32 $0x0;
	s15 =	simm.s32 $0x700;
	v5 =	vld [tilespmem:s12+$0xFFFFFF00];
	[tilespmem:s12+$0x90] =	vst v6;
	v6 =	vmax.f32 v7, $0.0e+00  }
.LBB2_5:
0xdb: {  	v7 =	vld [tilespmem:s15+$0xF0];
	s13 =	sadd.s32 $0x4, s13;
	[tilespmem:s12+$0xA0] =	vst v6;
	v1 =	vmax.f32 v1, $0.0e+00  }
0xdc: {  	v6 =	vld [tilespmem:s15+$0xFFFFFF10];
	p1 =	slt.u32 s13, $0x4C;
	[tilespmem:s12+$0xB0] =	vst v1;
	v1 =	vmax.f32 v2, $0.0e+00  }
0xdd: {  	v2 =	vld [tilespmem:s15+$0xFFFFFF20];
	[tilespmem:s12+$0xC0] =	vst v1;
	v1 =	vmax.f32 v3, $0.0e+00  }
0xde: {  	v3 =	vld [tilespmem:s15+$0xFFFFFF30];
	[tilespmem:s12+$0xD0] =	vst v1;
	v1 =	vmax.f32 v4, $0.0e+00  }
0xdf: {  	v4 =	vld [tilespmem:s15+$0xFFFFFF40];
	v5 =	vmax.f32 v5, $0.0e+00;
	[tilespmem:s12+$0xE0] =	vst v1  }
0xe0: {  	v1 =	vld [tilespmem:s15+$0xFFFFFF50];
	v7 =	vmax.f32 v7, $0.0e+00;
	[tilespmem:s12+$0xFFFFFF00] =	vst v5;
	s12 =	smov.u32 s15  }
0xe1: {  	v5 =	vmax.f32 v6, $0.0e+00;
	v6 =	vld [tilespmem:s15+$0xFFFFFF60];
	[tilespmem:s15+$0xF0] =	vst v7  }
0xe2: {  	[tilespmem:s15+$0xFFFFFF10] =	vst v5;
	v2 =	vmax.f32 v2, $0.0e+00;
	v5 =	vld [tilespmem:s15+$0xFFFFFF70]  }
0xe3: {  	[tilespmem:s15+$0xFFFFFF20] =	vst v2;
	v2 =	vmax.f32 v3, $0.0e+00;
	v3 =	vld [tilespmem:s15+$0xFFFFFF80]  }
0xe4: {  	[tilespmem:s15+$0xFFFFFF30] =	vst v2;
	v2 =	vmax.f32 v4, $0.0e+00;
	v4 =	vld [tilespmem:s15+$0xFFFFFF90]  }
0xe5: {  	[tilespmem:s15+$0xFFFFFF40] =	vst v2;
	v1 =	vmax.f32 v1, $0.0e+00;
	v2 =	vld [tilespmem:s15+$0xFFFFFFA0]  }
0xe6: {  	[tilespmem:s15+$0xFFFFFF50] =	vst v1;
	v1 =	vmax.f32 v6, $0.0e+00;
	v6 =	vld [tilespmem:s15+$0xFFFFFFB0]  }
0xe7: {  	[tilespmem:s15+$0xFFFFFF60] =	vst v1;
	v1 =	vmax.f32 v5, $0.0e+00;
	v5 =	vld [tilespmem:s15+$0xFFFFFFC0]  }
0xe8: {  	[tilespmem:s15+$0xFFFFFF70] =	vst v1;
	v1 =	vmax.f32 v3, $0.0e+00;
	v3 =	vld [tilespmem:s15+$0xFFFFFFD0]  }
0xe9: {  	[tilespmem:s15+$0xFFFFFF80] =	vst v1;
	v1 =	vmax.f32 v4, $0.0e+00;
	v4 =	vld [tilespmem:s15+$0xFFFFFFE0]  }
0xea: {  	[tilespmem:s15+$0xFFFFFF90] =	vst v1;
	v1 =	vmax.f32 v2, $0.0e+00;
	v2 =	vld [tilespmem:s15+$0xFFFFFFF0]  }
0xeb: {  	[tilespmem:s15+$0xFFFFFFA0] =	vst v1;
	v1 =	vmax.f32 v6, $0.0e+00;
	v6 =	vld [tilespmem:s15+$0x0]  }
0xec: {  	[tilespmem:s15+$0xFFFFFFB0] =	vst v1;
	v1 =	vmax.f32 v5, $0.0e+00;
	v5 =	vld [tilespmem:s15+$0x10]  }
0xed: {  	[tilespmem:s15+$0xFFFFFFC0] =	vst v1;
	v1 =	vmax.f32 v3, $0.0e+00;
	v3 =	vld [tilespmem:s15+$0x20]  }
0xee: {  	[tilespmem:s15+$0xFFFFFFD0] =	vst v1;
	v1 =	vmax.f32 v4, $0.0e+00;
	v4 =	vld [tilespmem:s15+$0x30]  }
0xef: {  	[tilespmem:s15+$0xFFFFFFE0] =	vst v1;
	v1 =	vmax.f32 v2, $0.0e+00;
	v2 =	vld [tilespmem:s15+$0x40]  }
0xf0: {  	[tilespmem:s15+$0xFFFFFFF0] =	vst v1;
	v1 =	vmax.f32 v6, $0.0e+00;
	v6 =	vld [tilespmem:s15+$0x50]  }
0xf1: {  	[tilespmem:s15+$0x0] =	vst v1;
	v1 =	vmax.f32 v5, $0.0e+00;
	v5 =	vld [tilespmem:s15+$0x60]  }
0xf2: {  	[tilespmem:s15+$0x10] =	vst v1;
	v1 =	vmax.f32 v3, $0.0e+00;
	v3 =	vld [tilespmem:s15+$0x70]  }
0xf3: {  	[tilespmem:s15+$0x20] =	vst v1;
	v1 =	vmax.f32 v4, $0.0e+00;
	v4 =	vld [tilespmem:s15+$0x80]  }
0xf4: {  	[tilespmem:s15+$0x30] =	vst v1;
	v1 =	vmax.f32 v2, $0.0e+00;
	v7 =	vld [tilespmem:s15+$0x90]  }
0xf5: {  	[tilespmem:s15+$0x40] =	vst v1;
	v1 =	vmax.f32 v6, $0.0e+00;
	v6 =	vld [tilespmem:s15+$0xA0]  }
.Ltmp1:
0xf6: {  	[tilespmem:s15+$0x50] =	vst v1;
	v2 =	vmax.f32 v5, $0.0e+00;
	v1 =	vld [tilespmem:s15+$0xB0];
	(pc) =	sbr.rel @p1 .LBB2_5-.Ltmp1, $4  }
0xf7: {  	[tilespmem:s15+$0x60] =	vst v2;
	v3 =	vmax.f32 v3, $0.0e+00;
	v2 =	vld [tilespmem:s15+$0xC0]  }
0xf8: {  	[tilespmem:s15+$0x70] =	vst v3;
	v4 =	vmax.f32 v4, $0.0e+00;
	v3 =	vld [tilespmem:s15+$0xD0]  }
0xf9: {  	[tilespmem:s15+$0x80] =	vst v4;
	v7 =	vmax.f32 v7, $0.0e+00;
	v4 =	vld [tilespmem:s15+$0xE0]  }
0xfa: {  	s15 =	sadd.s32 $0x200, s15;
	v5 =	vld [tilespmem:s12+$0xFFFFFF00];
	[tilespmem:s12+$0x90] =	vst v7;
	v6 =	vmax.f32 v6, $0.0e+00  }
0xfb: {  	[tilespmem:s12+$0xA0] =	vst v6;
	v1 =	vmax.f32 v1, $0.0e+00  }
0xfc: {  	[tilespmem:s12+$0xB0] =	vst v1;
	v1 =	vmax.f32 v2, $0.0e+00  }
0xfd: {  	[tilespmem:s12+$0xC0] =	vst v1;
	v1 =	vmax.f32 v3, $0.0e+00  }
0xfe: {  	[tilespmem:s12+$0xD0] =	vst v1;
	v1 =	vmax.f32 v4, $0.0e+00  }
0xff: {  	v2 =	vmax.f32 v5, $0.0e+00;
	[tilespmem:s12+$0xE0] =	vst v1  }
0x100: {  	s11 =	simm.s32 $0x200;
	[tilespmem:s12+$0xFFFFFF00] =	vst v2  }
0x101: {  	[spmem:s2] =	stream.indirect.scatter.add.f32 [tilespmem:s9], [sflag:$0x9], $0x80, s11, s26, $0xb8;
	[tilespmem:$0x1DC80] =	vst v63  }
0x102: {  	_ =	swait.ge [sflag:s0], $0x2800  }
0x103: {  	[sflag:s0] =	ssyncset.done $0x0  }
0x104: {  	s12 =	simm.s32 $0x2DF0;
	[sflag:s0] =	ssyncadd.s32 $0xFFFFD800  }
0x105: {  	v1 =	vld [tilespmem:s12+$0xFFFFFE20]  }
0x106: {  	v7 =	vld [tilespmem:s12+$0x0]  }
0x107: {  	v2 =	vld [tilespmem:s12+$0xFFFFFE30]  }
0x108: {  	v8 =	vld [tilespmem:s12+$0xFFFFFE90]  }
0x109: {  	v3 =	vld [tilespmem:s12+$0xFFFFFE40]  }
0x10a: {  	v9 =	vld [tilespmem:s12+$0xFFFFFEA0];
	v1 =	vmax.f32 v1, $0.0e+00  }
0x10b: {  	v4 =	vld [tilespmem:s12+$0xFFFFFE50];
	v7 =	vmax.f32 v7, $0.0e+00;
	[tilespmem:s12+$0xFFFFFE20] =	vst v1  }
0x10c: {  	v5 =	vld [tilespmem:s12+$0xFFFFFE60];
	v2 =	vmax.f32 v2, $0.0e+00;
	[tilespmem:s12+$0x0] =	vst v7  }
0x10d: {  	v6 =	vld [tilespmem:s12+$0xFFFFFE70];
	[tilespmem:s12+$0xFFFFFE30] =	vst v2;
	v2 =	vmax.f32 v8, $0.0e+00  }
0x10e: {  	v1 =	vld [tilespmem:s12+$0xFFFFFE80];
	[tilespmem:s12+$0xFFFFFE90] =	vst v2;
	v2 =	vmax.f32 v3, $0.0e+00  }
0x10f: {  	v10 =	vld [tilespmem:s12+$0xFFFFFEB0];
	[tilespmem:s12+$0xFFFFFE40] =	vst v2;
	v2 =	vmax.f32 v9, $0.0e+00  }
0x110: {  	v11 =	vld [tilespmem:s12+$0xFFFFFEC0];
	[tilespmem:s12+$0xFFFFFEA0] =	vst v2;
	v2 =	vmax.f32 v4, $0.0e+00  }
0x111: {  	v7 =	vld [tilespmem:s12+$0xFFFFFED0];
	[tilespmem:s12+$0xFFFFFE50] =	vst v2;
	v2 =	vmax.f32 v5, $0.0e+00  }
0x112: {  	v5 =	vld [tilespmem:s12+$0xFFFFFF10];
	[tilespmem:s12+$0xFFFFFE60] =	vst v2;
	v2 =	vmax.f32 v6, $0.0e+00  }
0x113: {  	v8 =	vld [tilespmem:s12+$0xFFFFFEE0];
	v1 =	vmax.f32 v1, $0.0e+00;
	[tilespmem:s12+$0xFFFFFE70] =	vst v2  }
0x114: {  	v2 =	vld [tilespmem:s12+$0xFFFFFF20];
	[tilespmem:s12+$0xFFFFFE80] =	vst v1;
	v1 =	vmax.f32 v10, $0.0e+00  }
0x115: {  	v3 =	vld [tilespmem:s12+$0xFFFFFEF0];
	[tilespmem:s12+$0xFFFFFEB0] =	vst v1;
	v1 =	vmax.f32 v11, $0.0e+00  }
0x116: {  	v4 =	vld [tilespmem:s12+$0xFFFFFF00];
	[tilespmem:s12+$0xFFFFFEC0] =	vst v1;
	v1 =	vmax.f32 v7, $0.0e+00  }
0x117: {  	v6 =	vld [tilespmem:s12+$0xFFFFFF30];
	[tilespmem:s12+$0xFFFFFED0] =	vst v1;
	v1 =	vmax.f32 v5, $0.0e+00  }
0x118: {  	v5 =	vld [tilespmem:s12+$0xFFFFFF60];
	[tilespmem:s12+$0xFFFFFF10] =	vst v1;
	v1 =	vmax.f32 v8, $0.0e+00  }
0x119: {  	v63 =	vld [tilespmem:s12+$0xFFFFFF40];
	[tilespmem:s12+$0xFFFFFEE0] =	vst v1;
	v1 =	vmax.f32 v2, $0.0e+00  }
0x11a: {  	v7 =	vld [tilespmem:s12+$0xFFFFFF50];
	[tilespmem:s12+$0xFFFFFF20] =	vst v1;
	v1 =	vmax.f32 v3, $0.0e+00  }
0x11b: {  	v2 =	vld [tilespmem:s12+$0xFFFFFF70];
	[tilespmem:s12+$0xFFFFFEF0] =	vst v1;
	v1 =	vmax.f32 v4, $0.0e+00  }
0x11c: {  	v3 =	vld [tilespmem:s12+$0xFFFFFF90];
	[tilespmem:s12+$0xFFFFFF00] =	vst v1;
	v1 =	vmax.f32 v6, $0.0e+00  }
0x11d: {  	v4 =	vld [tilespmem:s12+$0xFFFFFF80];
	v5 =	vmax.f32 v5, $0.0e+00;
	[tilespmem:s12+$0xFFFFFF30] =	vst v1  }
0x11e: {  	v6 =	vld [tilespmem:s12+$0xFFFFFFA0];
	v1 =	vmax.f32 v63, $0.0e+00;
	[tilespmem:s12+$0xFFFFFF60] =	vst v5  }
0x11f: {  	[tilespmem:s12+$0xFFFFFF40] =	vst v1;
	v1 =	vmax.f32 v7, $0.0e+00;
	v7 =	vld [tilespmem:s12+$0xFFFFFFB0]  }
0x120: {  	v5 =	vmax.f32 v2, $0.0e+00;
	[tilespmem:s12+$0xFFFFFF50] =	vst v1;
	v1 =	vld [tilespmem:s12+$0xFFFFFFC0]  }
0x121: {  	v2 =	vld [tilespmem:s12+$0xFFFFFFD0];
	[tilespmem:s12+$0xFFFFFF70] =	vst v5;
	v5 =	vmax.f32 v3, $0.0e+00  }
0x122: {  	v3 =	vld [tilespmem:s12+$0xFFFFFFE0];
	v4 =	vmax.f32 v4, $0.0e+00;
	[tilespmem:s12+$0xFFFFFF90] =	vst v5  }
0x123: {  	[tilespmem:s12+$0xFFFFFF80] =	vst v4;
	v6 =	vmax.f32 v6, $0.0e+00;
	v4 =	vld [tilespmem:s12+$0xFFFFFFF0]  }
0x124: {  	s13 =	simm.s32 $0x0;
	s15 =	simm.s32 $0x2FF0;
	v5 =	vld [tilespmem:s12+$0xFFFFFE10];
	[tilespmem:s12+$0xFFFFFFA0] =	vst v6;
	v6 =	vmax.f32 v7, $0.0e+00  }
.LBB2_7:
0x125: {  	v7 =	vld [tilespmem:s15+$0x0];
	s13 =	sadd.s32 $0x4, s13;
	[tilespmem:s12+$0xFFFFFFB0] =	vst v6;
	v1 =	vmax.f32 v1, $0.0e+00  }
0x126: {  	v6 =	vld [tilespmem:s15+$0xFFFFFE20];
	p1 =	slt.u32 s13, $0x4C;
	[tilespmem:s12+$0xFFFFFFC0] =	vst v1;
	v1 =	vmax.f32 v2, $0.0e+00  }
0x127: {  	v2 =	vld [tilespmem:s15+$0xFFFFFE30];
	[tilespmem:s12+$0xFFFFFFD0] =	vst v1;
	v1 =	vmax.f32 v3, $0.0e+00  }
0x128: {  	v3 =	vld [tilespmem:s15+$0xFFFFFE40];
	[tilespmem:s12+$0xFFFFFFE0] =	vst v1;
	v1 =	vmax.f32 v4, $0.0e+00  }
0x129: {  	v4 =	vld [tilespmem:s15+$0xFFFFFE50];
	v5 =	vmax.f32 v5, $0.0e+00;
	[tilespmem:s12+$0xFFFFFFF0] =	vst v1  }
0x12a: {  	v1 =	vld [tilespmem:s15+$0xFFFFFE60];
	v7 =	vmax.f32 v7, $0.0e+00;
	[tilespmem:s12+$0xFFFFFE10] =	vst v5;
	s12 =	smov.u32 s15  }
0x12b: {  	v5 =	vmax.f32 v6, $0.0e+00;
	v6 =	vld [tilespmem:s15+$0xFFFFFE70];
	[tilespmem:s15+$0x0] =	vst v7  }
0x12c: {  	[tilespmem:s15+$0xFFFFFE20] =	vst v5;
	v2 =	vmax.f32 v2, $0.0e+00;
	v5 =	vld [tilespmem:s15+$0xFFFFFE80]  }
0x12d: {  	[tilespmem:s15+$0xFFFFFE30] =	vst v2;
	v2 =	vmax.f32 v3, $0.0e+00;
	v3 =	vld [tilespmem:s15+$0xFFFFFE90]  }
0x12e: {  	[tilespmem:s15+$0xFFFFFE40] =	vst v2;
	v2 =	vmax.f32 v4, $0.0e+00;
	v4 =	vld [tilespmem:s15+$0xFFFFFEA0]  }
0x12f: {  	[tilespmem:s15+$0xFFFFFE50] =	vst v2;
	v1 =	vmax.f32 v1, $0.0e+00;
	v2 =	vld [tilespmem:s15+$0xFFFFFEB0]  }
0x130: {  	[tilespmem:s15+$0xFFFFFE60] =	vst v1;
	v1 =	vmax.f32 v6, $0.0e+00;
	v6 =	vld [tilespmem:s15+$0xFFFFFEC0]  }
0x131: {  	[tilespmem:s15+$0xFFFFFE70] =	vst v1;
	v1 =	vmax.f32 v5, $0.0e+00;
	v5 =	vld [tilespmem:s15+$0xFFFFFED0]  }
0x132: {  	[tilespmem:s15+$0xFFFFFE80] =	vst v1;
	v1 =	vmax.f32 v3, $0.0e+00;
	v3 =	vld [tilespmem:s15+$0xFFFFFEE0]  }
0x133: {  	[tilespmem:s15+$0xFFFFFE90] =	vst v1;
	v1 =	vmax.f32 v4, $0.0e+00;
	v4 =	vld [tilespmem:s15+$0xFFFFFEF0]  }
0x134: {  	[tilespmem:s15+$0xFFFFFEA0] =	vst v1;
	v1 =	vmax.f32 v2, $0.0e+00;
	v2 =	vld [tilespmem:s15+$0xFFFFFF00]  }
0x135: {  	[tilespmem:s15+$0xFFFFFEB0] =	vst v1;
	v1 =	vmax.f32 v6, $0.0e+00;
	v6 =	vld [tilespmem:s15+$0xFFFFFF10]  }
0x136: {  	[tilespmem:s15+$0xFFFFFEC0] =	vst v1;
	v1 =	vmax.f32 v5, $0.0e+00;
	v5 =	vld [tilespmem:s15+$0xFFFFFF20]  }
0x137: {  	[tilespmem:s15+$0xFFFFFED0] =	vst v1;
	v1 =	vmax.f32 v3, $0.0e+00;
	v3 =	vld [tilespmem:s15+$0xFFFFFF30]  }
0x138: {  	[tilespmem:s15+$0xFFFFFEE0] =	vst v1;
	v1 =	vmax.f32 v4, $0.0e+00;
	v4 =	vld [tilespmem:s15+$0xFFFFFF40]  }
0x139: {  	[tilespmem:s15+$0xFFFFFEF0] =	vst v1;
	v1 =	vmax.f32 v2, $0.0e+00;
	v2 =	vld [tilespmem:s15+$0xFFFFFF50]  }
0x13a: {  	[tilespmem:s15+$0xFFFFFF00] =	vst v1;
	v1 =	vmax.f32 v6, $0.0e+00;
	v6 =	vld [tilespmem:s15+$0xFFFFFF60]  }
0x13b: {  	[tilespmem:s15+$0xFFFFFF10] =	vst v1;
	v1 =	vmax.f32 v5, $0.0e+00;
	v5 =	vld [tilespmem:s15+$0xFFFFFF70]  }
0x13c: {  	[tilespmem:s15+$0xFFFFFF20] =	vst v1;
	v1 =	vmax.f32 v3, $0.0e+00;
	v3 =	vld [tilespmem:s15+$0xFFFFFF80]  }
0x13d: {  	[tilespmem:s15+$0xFFFFFF30] =	vst v1;
	v1 =	vmax.f32 v4, $0.0e+00;
	v4 =	vld [tilespmem:s15+$0xFFFFFF90]  }
0x13e: {  	[tilespmem:s15+$0xFFFFFF40] =	vst v1;
	v1 =	vmax.f32 v2, $0.0e+00;
	v7 =	vld [tilespmem:s15+$0xFFFFFFA0]  }
0x13f: {  	[tilespmem:s15+$0xFFFFFF50] =	vst v1;
	v1 =	vmax.f32 v6, $0.0e+00;
	v6 =	vld [tilespmem:s15+$0xFFFFFFB0]  }
.Ltmp2:
0x140: {  	[tilespmem:s15+$0xFFFFFF60] =	vst v1;
	v2 =	vmax.f32 v5, $0.0e+00;
	v1 =	vld [tilespmem:s15+$0xFFFFFFC0];
	(pc) =	sbr.rel @p1 .LBB2_7-.Ltmp2, $4  }
0x141: {  	[tilespmem:s15+$0xFFFFFF70] =	vst v2;
	v3 =	vmax.f32 v3, $0.0e+00;
	v2 =	vld [tilespmem:s15+$0xFFFFFFD0]  }
0x142: {  	[tilespmem:s15+$0xFFFFFF80] =	vst v3;
	v4 =	vmax.f32 v4, $0.0e+00;
	v3 =	vld [tilespmem:s15+$0xFFFFFFE0]  }
0x143: {  	[tilespmem:s15+$0xFFFFFF90] =	vst v4;
	v7 =	vmax.f32 v7, $0.0e+00;
	v4 =	vld [tilespmem:s15+$0xFFFFFFF0]  }
0x144: {  	s15 =	sadd.s32 $0x200, s15;
	v5 =	vld [tilespmem:s12+$0xFFFFFE10];
	[tilespmem:s12+$0xFFFFFFA0] =	vst v7;
	v6 =	vmax.f32 v6, $0.0e+00  }
0x145: {  	[tilespmem:s12+$0xFFFFFFB0] =	vst v6;
	v1 =	vmax.f32 v1, $0.0e+00  }
0x146: {  	[tilespmem:s12+$0xFFFFFFC0] =	vst v1;
	v1 =	vmax.f32 v2, $0.0e+00  }
0x147: {  	[tilespmem:s12+$0xFFFFFFD0] =	vst v1;
	v1 =	vmax.f32 v3, $0.0e+00  }
0x148: {  	[tilespmem:s12+$0xFFFFFFE0] =	vst v1;
	v1 =	vmax.f32 v4, $0.0e+00  }
0x149: {  	v2 =	vmax.f32 v5, $0.0e+00;
	[tilespmem:s12+$0xFFFFFFF0] =	vst v1  }
0x14a: {  	[tilespmem:s12+$0xFFFFFE10] =	vst v2  }
0x14b: {  	[spmem:s2] =	stream.indirect.scatter.add.f32 [tilespmem:s14], [sflag:$0xA], $0x80, s18, s26, $0xb8;
	[tilespmem:$0x1DC80] =	vst v63  }
0x14c: {  	_ =	swait.ge [sflag:s8], $0x2800  }
0x14d: {  	[sflag:s8] =	ssyncset.done $0x0  }
0x14e: {  	s12 =	simm.s32 $0x5400;
	[sflag:s8] =	ssyncadd.s32 $0xFFFFD800  }
0x14f: {  	v1 =	vld [tilespmem:s12+$0x10]  }
0x150: {  	v7 =	vld [tilespmem:s12+$0x1F0]  }
0x151: {  	v2 =	vld [tilespmem:s12+$0x20]  }
0x152: {  	v8 =	vld [tilespmem:s12+$0x80]  }
0x153: {  	v3 =	vld [tilespmem:s12+$0x30]  }
0x154: {  	v9 =	vld [tilespmem:s12+$0x90];
	v1 =	vmax.f32 v1, $0.0e+00  }
0x155: {  	v4 =	vld [tilespmem:s12+$0x40];
	v7 =	vmax.f32 v7, $0.0e+00;
	[tilespmem:s12+$0x10] =	vst v1  }
0x156: {  	v5 =	vld [tilespmem:s12+$0x50];
	v2 =	vmax.f32 v2, $0.0e+00;
	[tilespmem:s12+$0x1F0] =	vst v7  }
0x157: {  	v6 =	vld [tilespmem:s12+$0x60];
	[tilespmem:s12+$0x20] =	vst v2;
	v2 =	vmax.f32 v8, $0.0e+00  }
0x158: {  	v1 =	vld [tilespmem:s12+$0x70];
	[tilespmem:s12+$0x80] =	vst v2;
	v2 =	vmax.f32 v3, $0.0e+00  }
0x159: {  	v10 =	vld [tilespmem:s12+$0xA0];
	[tilespmem:s12+$0x30] =	vst v2;
	v2 =	vmax.f32 v9, $0.0e+00  }
0x15a: {  	v11 =	vld [tilespmem:s12+$0xB0];
	[tilespmem:s12+$0x90] =	vst v2;
	v2 =	vmax.f32 v4, $0.0e+00  }
0x15b: {  	v7 =	vld [tilespmem:s12+$0xC0];
	[tilespmem:s12+$0x40] =	vst v2;
	v2 =	vmax.f32 v5, $0.0e+00  }
0x15c: {  	v5 =	vld [tilespmem:s12+$0x100];
	[tilespmem:s12+$0x50] =	vst v2;
	v2 =	vmax.f32 v6, $0.0e+00  }
0x15d: {  	v8 =	vld [tilespmem:s12+$0xD0];
	v1 =	vmax.f32 v1, $0.0e+00;
	[tilespmem:s12+$0x60] =	vst v2  }
0x15e: {  	v2 =	vld [tilespmem:s12+$0x110];
	[tilespmem:s12+$0x70] =	vst v1;
	v1 =	vmax.f32 v10, $0.0e+00  }
0x15f: {  	v3 =	vld [tilespmem:s12+$0xE0];
	[tilespmem:s12+$0xA0] =	vst v1;
	v1 =	vmax.f32 v11, $0.0e+00  }
0x160: {  	v4 =	vld [tilespmem:s12+$0xF0];
	[tilespmem:s12+$0xB0] =	vst v1;
	v1 =	vmax.f32 v7, $0.0e+00  }
0x161: {  	v6 =	vld [tilespmem:s12+$0x120];
	[tilespmem:s12+$0xC0] =	vst v1;
	v1 =	vmax.f32 v5, $0.0e+00  }
0x162: {  	v5 =	vld [tilespmem:s12+$0x150];
	[tilespmem:s12+$0x100] =	vst v1;
	v1 =	vmax.f32 v8, $0.0e+00  }
0x163: {  	v63 =	vld [tilespmem:s12+$0x130];
	[tilespmem:s12+$0xD0] =	vst v1;
	v1 =	vmax.f32 v2, $0.0e+00  }
0x164: {  	v7 =	vld [tilespmem:s12+$0x140];
	[tilespmem:s12+$0x110] =	vst v1;
	v1 =	vmax.f32 v3, $0.0e+00  }
0x165: {  	v2 =	vld [tilespmem:s12+$0x160];
	[tilespmem:s12+$0xE0] =	vst v1;
	v1 =	vmax.f32 v4, $0.0e+00  }
0x166: {  	v3 =	vld [tilespmem:s12+$0x180];
	[tilespmem:s12+$0xF0] =	vst v1;
	v1 =	vmax.f32 v6, $0.0e+00  }
0x167: {  	v4 =	vld [tilespmem:s12+$0x170];
	v5 =	vmax.f32 v5, $0.0e+00;
	[tilespmem:s12+$0x120] =	vst v1  }
0x168: {  	v6 =	vld [tilespmem:s12+$0x190];
	v1 =	vmax.f32 v63, $0.0e+00;
	[tilespmem:s12+$0x150] =	vst v5  }
0x169: {  	[tilespmem:s12+$0x130] =	vst v1;
	v1 =	vmax.f32 v7, $0.0e+00;
	v7 =	vld [tilespmem:s12+$0x1A0]  }
0x16a: {  	v5 =	vmax.f32 v2, $0.0e+00;
	[tilespmem:s12+$0x140] =	vst v1;
	v1 =	vld [tilespmem:s12+$0x1B0]  }
0x16b: {  	v2 =	vld [tilespmem:s12+$0x1C0];
	[tilespmem:s12+$0x160] =	vst v5;
	v5 =	vmax.f32 v3, $0.0e+00  }
0x16c: {  	v3 =	vld [tilespmem:s12+$0x1D0];
	v4 =	vmax.f32 v4, $0.0e+00;
	[tilespmem:s12+$0x180] =	vst v5  }
0x16d: {  	[tilespmem:s12+$0x170] =	vst v4;
	v6 =	vmax.f32 v6, $0.0e+00;
	v4 =	vld [tilespmem:s12+$0x1E0]  }
0x16e: {  	s13 =	simm.s32 $0x0;
	s15 =	simm.s32 $0x5600;
	v5 =	vld [tilespmem:s12+$0x0];
	[tilespmem:s12+$0x190] =	vst v6;
	v6 =	vmax.f32 v7, $0.0e+00  }
.LBB2_9:
0x16f: {  	v7 =	vld [tilespmem:s15+$0x1F0];
	s13 =	sadd.s32 $0x4, s13;
	[tilespmem:s12+$0x1A0] =	vst v6;
	v1 =	vmax.f32 v1, $0.0e+00  }
0x170: {  	v6 =	vld [tilespmem:s15+$0x10];
	p1 =	slt.u32 s13, $0x4C;
	[tilespmem:s12+$0x1B0] =	vst v1;
	v1 =	vmax.f32 v2, $0.0e+00  }
0x171: {  	v2 =	vld [tilespmem:s15+$0x20];
	[tilespmem:s12+$0x1C0] =	vst v1;
	v1 =	vmax.f32 v3, $0.0e+00  }
0x172: {  	v3 =	vld [tilespmem:s15+$0x30];
	[tilespmem:s12+$0x1D0] =	vst v1;
	v1 =	vmax.f32 v4, $0.0e+00  }
0x173: {  	v4 =	vld [tilespmem:s15+$0x40];
	v5 =	vmax.f32 v5, $0.0e+00;
	[tilespmem:s12+$0x1E0] =	vst v1  }
0x174: {  	v1 =	vld [tilespmem:s15+$0x50];
	v7 =	vmax.f32 v7, $0.0e+00;
	[tilespmem:s12+$0x0] =	vst v5;
	s12 =	smov.u32 s15  }
0x175: {  	v5 =	vmax.f32 v6, $0.0e+00;
	v6 =	vld [tilespmem:s15+$0x60];
	[tilespmem:s15+$0x1F0] =	vst v7  }
0x176: {  	[tilespmem:s15+$0x10] =	vst v5;
	v2 =	vmax.f32 v2, $0.0e+00;
	v5 =	vld [tilespmem:s15+$0x70]  }
0x177: {  	[tilespmem:s15+$0x20] =	vst v2;
	v2 =	vmax.f32 v3, $0.0e+00;
	v3 =	vld [tilespmem:s15+$0x80]  }
0x178: {  	[tilespmem:s15+$0x30] =	vst v2;
	v2 =	vmax.f32 v4, $0.0e+00;
	v4 =	vld [tilespmem:s15+$0x90]  }
0x179: {  	[tilespmem:s15+$0x40] =	vst v2;
	v1 =	vmax.f32 v1, $0.0e+00;
	v2 =	vld [tilespmem:s15+$0xA0]  }
0x17a: {  	[tilespmem:s15+$0x50] =	vst v1;
	v1 =	vmax.f32 v6, $0.0e+00;
	v6 =	vld [tilespmem:s15+$0xB0]  }
0x17b: {  	[tilespmem:s15+$0x60] =	vst v1;
	v1 =	vmax.f32 v5, $0.0e+00;
	v5 =	vld [tilespmem:s15+$0xC0]  }
0x17c: {  	[tilespmem:s15+$0x70] =	vst v1;
	v1 =	vmax.f32 v3, $0.0e+00;
	v3 =	vld [tilespmem:s15+$0xD0]  }
0x17d: {  	[tilespmem:s15+$0x80] =	vst v1;
	v1 =	vmax.f32 v4, $0.0e+00;
	v4 =	vld [tilespmem:s15+$0xE0]  }
0x17e: {  	[tilespmem:s15+$0x90] =	vst v1;
	v1 =	vmax.f32 v2, $0.0e+00;
	v2 =	vld [tilespmem:s15+$0xF0]  }
0x17f: {  	[tilespmem:s15+$0xA0] =	vst v1;
	v1 =	vmax.f32 v6, $0.0e+00;
	v6 =	vld [tilespmem:s15+$0x100]  }
0x180: {  	[tilespmem:s15+$0xB0] =	vst v1;
	v1 =	vmax.f32 v5, $0.0e+00;
	v5 =	vld [tilespmem:s15+$0x110]  }
0x181: {  	[tilespmem:s15+$0xC0] =	vst v1;
	v1 =	vmax.f32 v3, $0.0e+00;
	v3 =	vld [tilespmem:s15+$0x120]  }
0x182: {  	[tilespmem:s15+$0xD0] =	vst v1;
	v1 =	vmax.f32 v4, $0.0e+00;
	v4 =	vld [tilespmem:s15+$0x130]  }
0x183: {  	[tilespmem:s15+$0xE0] =	vst v1;
	v1 =	vmax.f32 v2, $0.0e+00;
	v2 =	vld [tilespmem:s15+$0x140]  }
0x184: {  	[tilespmem:s15+$0xF0] =	vst v1;
	v1 =	vmax.f32 v6, $0.0e+00;
	v6 =	vld [tilespmem:s15+$0x150]  }
0x185: {  	[tilespmem:s15+$0x100] =	vst v1;
	v1 =	vmax.f32 v5, $0.0e+00;
	v5 =	vld [tilespmem:s15+$0x160]  }
0x186: {  	[tilespmem:s15+$0x110] =	vst v1;
	v1 =	vmax.f32 v3, $0.0e+00;
	v3 =	vld [tilespmem:s15+$0x170]  }
0x187: {  	[tilespmem:s15+$0x120] =	vst v1;
	v1 =	vmax.f32 v4, $0.0e+00;
	v4 =	vld [tilespmem:s15+$0x180]  }
0x188: {  	[tilespmem:s15+$0x130] =	vst v1;
	v1 =	vmax.f32 v2, $0.0e+00;
	v7 =	vld [tilespmem:s15+$0x190]  }
0x189: {  	[tilespmem:s15+$0x140] =	vst v1;
	v1 =	vmax.f32 v6, $0.0e+00;
	v6 =	vld [tilespmem:s15+$0x1A0]  }
.Ltmp3:
0x18a: {  	[tilespmem:s15+$0x150] =	vst v1;
	v2 =	vmax.f32 v5, $0.0e+00;
	v1 =	vld [tilespmem:s15+$0x1B0];
	(pc) =	sbr.rel @p1 .LBB2_9-.Ltmp3, $4  }
0x18b: {  	[tilespmem:s15+$0x160] =	vst v2;
	v3 =	vmax.f32 v3, $0.0e+00;
	v2 =	vld [tilespmem:s15+$0x1C0]  }
0x18c: {  	[tilespmem:s15+$0x170] =	vst v3;
	v4 =	vmax.f32 v4, $0.0e+00;
	v3 =	vld [tilespmem:s15+$0x1D0]  }
0x18d: {  	[tilespmem:s15+$0x180] =	vst v4;
	v7 =	vmax.f32 v7, $0.0e+00;
	v4 =	vld [tilespmem:s15+$0x1E0]  }
0x18e: {  	s15 =	sadd.s32 $0x200, s15;
	v5 =	vld [tilespmem:s12+$0x0];
	[tilespmem:s12+$0x190] =	vst v7;
	v6 =	vmax.f32 v6, $0.0e+00  }
0x18f: {  	[tilespmem:s12+$0x1A0] =	vst v6;
	v1 =	vmax.f32 v1, $0.0e+00  }
0x190: {  	[tilespmem:s12+$0x1B0] =	vst v1;
	v1 =	vmax.f32 v2, $0.0e+00  }
0x191: {  	[tilespmem:s12+$0x1C0] =	vst v1;
	v1 =	vmax.f32 v3, $0.0e+00  }
0x192: {  	[tilespmem:s12+$0x1D0] =	vst v1;
	v1 =	vmax.f32 v4, $0.0e+00  }
0x193: {  	v2 =	vmax.f32 v5, $0.0e+00;
	[tilespmem:s12+$0x1E0] =	vst v1  }
0x194: {  	[tilespmem:s12+$0x0] =	vst v2  }
0x195: {  	[spmem:s2] =	stream.indirect.scatter.add.f32 [tilespmem:s17], [sflag:$0xB], $0x80, s19, s26, $0xb8;
	[tilespmem:$0x1DC80] =	vst v63  }
0x196: {  	_ =	swait.ge [sflag:s6], $0x2800  }
0x197: {  	[sflag:s6] =	ssyncset.done $0x0  }
0x198: {  	s12 =	simm.s32 $0x7C00;
	[sflag:s6] =	ssyncadd.s32 $0xFFFFD800  }
0x199: {  	v1 =	vld [tilespmem:s12+$0x10]  }
0x19a: {  	v7 =	vld [tilespmem:s12+$0x1F0]  }
0x19b: {  	v2 =	vld [tilespmem:s12+$0x20]  }
0x19c: {  	v8 =	vld [tilespmem:s12+$0x80]  }
0x19d: {  	v3 =	vld [tilespmem:s12+$0x30]  }
0x19e: {  	v9 =	vld [tilespmem:s12+$0x90];
	v1 =	vmax.f32 v1, $0.0e+00  }
0x19f: {  	v4 =	vld [tilespmem:s12+$0x40];
	v7 =	vmax.f32 v7, $0.0e+00;
	[tilespmem:s12+$0x10] =	vst v1  }
0x1a0: {  	v5 =	vld [tilespmem:s12+$0x50];
	v2 =	vmax.f32 v2, $0.0e+00;
	[tilespmem:s12+$0x1F0] =	vst v7  }
0x1a1: {  	v6 =	vld [tilespmem:s12+$0x60];
	[tilespmem:s12+$0x20] =	vst v2;
	v2 =	vmax.f32 v8, $0.0e+00  }
0x1a2: {  	v1 =	vld [tilespmem:s12+$0x70];
	[tilespmem:s12+$0x80] =	vst v2;
	v2 =	vmax.f32 v3, $0.0e+00  }
0x1a3: {  	v10 =	vld [tilespmem:s12+$0xA0];
	[tilespmem:s12+$0x30] =	vst v2;
	v2 =	vmax.f32 v9, $0.0e+00  }
0x1a4: {  	v11 =	vld [tilespmem:s12+$0xB0];
	[tilespmem:s12+$0x90] =	vst v2;
	v2 =	vmax.f32 v4, $0.0e+00  }
0x1a5: {  	v7 =	vld [tilespmem:s12+$0xC0];
	[tilespmem:s12+$0x40] =	vst v2;
	v2 =	vmax.f32 v5, $0.0e+00  }
0x1a6: {  	v5 =	vld [tilespmem:s12+$0x100];
	[tilespmem:s12+$0x50] =	vst v2;
	v2 =	vmax.f32 v6, $0.0e+00  }
0x1a7: {  	v8 =	vld [tilespmem:s12+$0xD0];
	v1 =	vmax.f32 v1, $0.0e+00;
	[tilespmem:s12+$0x60] =	vst v2  }
0x1a8: {  	v2 =	vld [tilespmem:s12+$0x110];
	[tilespmem:s12+$0x70] =	vst v1;
	v1 =	vmax.f32 v10, $0.0e+00  }
0x1a9: {  	v3 =	vld [tilespmem:s12+$0xE0];
	[tilespmem:s12+$0xA0] =	vst v1;
	v1 =	vmax.f32 v11, $0.0e+00  }
0x1aa: {  	v4 =	vld [tilespmem:s12+$0xF0];
	[tilespmem:s12+$0xB0] =	vst v1;
	v1 =	vmax.f32 v7, $0.0e+00  }
0x1ab: {  	v6 =	vld [tilespmem:s12+$0x120];
	[tilespmem:s12+$0xC0] =	vst v1;
	v1 =	vmax.f32 v5, $0.0e+00  }
0x1ac: {  	v5 =	vld [tilespmem:s12+$0x150];
	[tilespmem:s12+$0x100] =	vst v1;
	v1 =	vmax.f32 v8, $0.0e+00  }
0x1ad: {  	v63 =	vld [tilespmem:s12+$0x130];
	[tilespmem:s12+$0xD0] =	vst v1;
	v1 =	vmax.f32 v2, $0.0e+00  }
0x1ae: {  	v7 =	vld [tilespmem:s12+$0x140];
	[tilespmem:s12+$0x110] =	vst v1;
	v1 =	vmax.f32 v3, $0.0e+00  }
0x1af: {  	v2 =	vld [tilespmem:s12+$0x160];
	[tilespmem:s12+$0xE0] =	vst v1;
	v1 =	vmax.f32 v4, $0.0e+00  }
0x1b0: {  	v3 =	vld [tilespmem:s12+$0x180];
	[tilespmem:s12+$0xF0] =	vst v1;
	v1 =	vmax.f32 v6, $0.0e+00  }
0x1b1: {  	v4 =	vld [tilespmem:s12+$0x170];
	v5 =	vmax.f32 v5, $0.0e+00;
	[tilespmem:s12+$0x120] =	vst v1  }
0x1b2: {  	v6 =	vld [tilespmem:s12+$0x190];
	v1 =	vmax.f32 v63, $0.0e+00;
	[tilespmem:s12+$0x150] =	vst v5  }
0x1b3: {  	[tilespmem:s12+$0x130] =	vst v1;
	v1 =	vmax.f32 v7, $0.0e+00;
	v7 =	vld [tilespmem:s12+$0x1A0]  }
0x1b4: {  	v5 =	vmax.f32 v2, $0.0e+00;
	[tilespmem:s12+$0x140] =	vst v1;
	v1 =	vld [tilespmem:s12+$0x1B0]  }
0x1b5: {  	v2 =	vld [tilespmem:s12+$0x1C0];
	[tilespmem:s12+$0x160] =	vst v5;
	v5 =	vmax.f32 v3, $0.0e+00  }
0x1b6: {  	v3 =	vld [tilespmem:s12+$0x1D0];
	v4 =	vmax.f32 v4, $0.0e+00;
	[tilespmem:s12+$0x180] =	vst v5  }
0x1b7: {  	[tilespmem:s12+$0x170] =	vst v4;
	v6 =	vmax.f32 v6, $0.0e+00;
	v4 =	vld [tilespmem:s12+$0x1E0]  }
0x1b8: {  	s13 =	simm.s32 $0x0;
	s15 =	simm.s32 $0x7E00;
	v5 =	vld [tilespmem:s12+$0x0];
	[tilespmem:s12+$0x190] =	vst v6;
	v6 =	vmax.f32 v7, $0.0e+00  }
.LBB2_11:
0x1b9: {  	v7 =	vld [tilespmem:s15+$0x1F0];
	s13 =	sadd.s32 $0x4, s13;
	[tilespmem:s12+$0x1A0] =	vst v6;
	v1 =	vmax.f32 v1, $0.0e+00  }
0x1ba: {  	v6 =	vld [tilespmem:s15+$0x10];
	p1 =	slt.u32 s13, $0x4C;
	[tilespmem:s12+$0x1B0] =	vst v1;
	v1 =	vmax.f32 v2, $0.0e+00  }
0x1bb: {  	v2 =	vld [tilespmem:s15+$0x20];
	[tilespmem:s12+$0x1C0] =	vst v1;
	v1 =	vmax.f32 v3, $0.0e+00  }
0x1bc: {  	v3 =	vld [tilespmem:s15+$0x30];
	[tilespmem:s12+$0x1D0] =	vst v1;
	v1 =	vmax.f32 v4, $0.0e+00  }
0x1bd: {  	v4 =	vld [tilespmem:s15+$0x40];
	v5 =	vmax.f32 v5, $0.0e+00;
	[tilespmem:s12+$0x1E0] =	vst v1  }
0x1be: {  	v1 =	vld [tilespmem:s15+$0x50];
	v7 =	vmax.f32 v7, $0.0e+00;
	[tilespmem:s12+$0x0] =	vst v5;
	s12 =	smov.u32 s15  }
0x1bf: {  	v5 =	vmax.f32 v6, $0.0e+00;
	v6 =	vld [tilespmem:s15+$0x60];
	[tilespmem:s15+$0x1F0] =	vst v7  }
0x1c0: {  	[tilespmem:s15+$0x10] =	vst v5;
	v2 =	vmax.f32 v2, $0.0e+00;
	v5 =	vld [tilespmem:s15+$0x70]  }
0x1c1: {  	[tilespmem:s15+$0x20] =	vst v2;
	v2 =	vmax.f32 v3, $0.0e+00;
	v3 =	vld [tilespmem:s15+$0x80]  }
0x1c2: {  	[tilespmem:s15+$0x30] =	vst v2;
	v2 =	vmax.f32 v4, $0.0e+00;
	v4 =	vld [tilespmem:s15+$0x90]  }
0x1c3: {  	[tilespmem:s15+$0x40] =	vst v2;
	v1 =	vmax.f32 v1, $0.0e+00;
	v2 =	vld [tilespmem:s15+$0xA0]  }
0x1c4: {  	[tilespmem:s15+$0x50] =	vst v1;
	v1 =	vmax.f32 v6, $0.0e+00;
	v6 =	vld [tilespmem:s15+$0xB0]  }
0x1c5: {  	[tilespmem:s15+$0x60] =	vst v1;
	v1 =	vmax.f32 v5, $0.0e+00;
	v5 =	vld [tilespmem:s15+$0xC0]  }
0x1c6: {  	[tilespmem:s15+$0x70] =	vst v1;
	v1 =	vmax.f32 v3, $0.0e+00;
	v3 =	vld [tilespmem:s15+$0xD0]  }
0x1c7: {  	[tilespmem:s15+$0x80] =	vst v1;
	v1 =	vmax.f32 v4, $0.0e+00;
	v4 =	vld [tilespmem:s15+$0xE0]  }
0x1c8: {  	[tilespmem:s15+$0x90] =	vst v1;
	v1 =	vmax.f32 v2, $0.0e+00;
	v2 =	vld [tilespmem:s15+$0xF0]  }
0x1c9: {  	[tilespmem:s15+$0xA0] =	vst v1;
	v1 =	vmax.f32 v6, $0.0e+00;
	v6 =	vld [tilespmem:s15+$0x100]  }
0x1ca: {  	[tilespmem:s15+$0xB0] =	vst v1;
	v1 =	vmax.f32 v5, $0.0e+00;
	v5 =	vld [tilespmem:s15+$0x110]  }
0x1cb: {  	[tilespmem:s15+$0xC0] =	vst v1;
	v1 =	vmax.f32 v3, $0.0e+00;
	v3 =	vld [tilespmem:s15+$0x120]  }
0x1cc: {  	[tilespmem:s15+$0xD0] =	vst v1;
	v1 =	vmax.f32 v4, $0.0e+00;
	v4 =	vld [tilespmem:s15+$0x130]  }
0x1cd: {  	[tilespmem:s15+$0xE0] =	vst v1;
	v1 =	vmax.f32 v2, $0.0e+00;
	v2 =	vld [tilespmem:s15+$0x140]  }
0x1ce: {  	[tilespmem:s15+$0xF0] =	vst v1;
	v1 =	vmax.f32 v6, $0.0e+00;
	v6 =	vld [tilespmem:s15+$0x150]  }
0x1cf: {  	[tilespmem:s15+$0x100] =	vst v1;
	v1 =	vmax.f32 v5, $0.0e+00;
	v5 =	vld [tilespmem:s15+$0x160]  }
0x1d0: {  	[tilespmem:s15+$0x110] =	vst v1;
	v1 =	vmax.f32 v3, $0.0e+00;
	v3 =	vld [tilespmem:s15+$0x170]  }
0x1d1: {  	[tilespmem:s15+$0x120] =	vst v1;
	v1 =	vmax.f32 v4, $0.0e+00;
	v4 =	vld [tilespmem:s15+$0x180]  }
0x1d2: {  	[tilespmem:s15+$0x130] =	vst v1;
	v1 =	vmax.f32 v2, $0.0e+00;
	v7 =	vld [tilespmem:s15+$0x190]  }
0x1d3: {  	[tilespmem:s15+$0x140] =	vst v1;
	v1 =	vmax.f32 v6, $0.0e+00;
	v6 =	vld [tilespmem:s15+$0x1A0]  }
.Ltmp4:
0x1d4: {  	[tilespmem:s15+$0x150] =	vst v1;
	v2 =	vmax.f32 v5, $0.0e+00;
	v1 =	vld [tilespmem:s15+$0x1B0];
	(pc) =	sbr.rel @p1 .LBB2_11-.Ltmp4, $4  }
0x1d5: {  	[tilespmem:s15+$0x160] =	vst v2;
	v3 =	vmax.f32 v3, $0.0e+00;
	v2 =	vld [tilespmem:s15+$0x1C0]  }
0x1d6: {  	[tilespmem:s15+$0x170] =	vst v3;
	v4 =	vmax.f32 v4, $0.0e+00;
	v3 =	vld [tilespmem:s15+$0x1D0]  }
0x1d7: {  	[tilespmem:s15+$0x180] =	vst v4;
	v7 =	vmax.f32 v7, $0.0e+00;
	v4 =	vld [tilespmem:s15+$0x1E0]  }
0x1d8: {  	s15 =	sadd.s32 $0x200, s15;
	v5 =	vld [tilespmem:s12+$0x0];
	[tilespmem:s12+$0x190] =	vst v7;
	v6 =	vmax.f32 v6, $0.0e+00  }
0x1d9: {  	[tilespmem:s12+$0x1A0] =	vst v6;
	v1 =	vmax.f32 v1, $0.0e+00  }
0x1da: {  	[tilespmem:s12+$0x1B0] =	vst v1;
	v1 =	vmax.f32 v2, $0.0e+00  }
0x1db: {  	[tilespmem:s12+$0x1C0] =	vst v1;
	v1 =	vmax.f32 v3, $0.0e+00  }
0x1dc: {  	[tilespmem:s12+$0x1D0] =	vst v1;
	v1 =	vmax.f32 v4, $0.0e+00  }
0x1dd: {  	p1 =	seq.s32 s25, $0x1E;
	v2 =	vmax.f32 v5, $0.0e+00;
	[tilespmem:s12+$0x1E0] =	vst v1  }
.Ltmp5:
0x1de: {  	s14 =	simm.s32 $0x380;
	[tilespmem:s12+$0x0] =	vst v2;
	(pc) =	sbr.rel @p1 .LBB2_14-.Ltmp5, $4  }
0x1df: {  	[spmem:s2] =	stream.indirect.scatter.add.f32 [tilespmem:s20], [sflag:$0xC], $0x80, s14, s26, $0xb8;
	[tilespmem:$0x1DC80] =	vst v63  }
0x1e0: {  	_ =	swait.ge [sflag:s10], $0x2800  }
0x1e1: {  	[sflag:s10] =	ssyncset.done $0x0  }
0x1e2: {  	[sflag:s10] =	ssyncadd.s32 $0xFFFFD800  }
0x1e3: {  	s12 =	smul.u32 $0x140, s25  }
0x1e4: {  	s13 =	rddreg [dreg:$0x12]  }
0x1e5: {  	s13 =	sadd.s32 s12, s13  }
0x1e6: {  	s15 =	sshrl.u32 s13, $0x3  }
0x1e7: {  	s16 =	sadd.s32 s4, s15  }
0x1e8: {  	[tilespmem:s3], [sflag:$0x1] =	stream.linear.gather [hbm4b:s16+s3], $0x50, $0x38;
	[tilespmem:$0x1DC80] =	vst v63  }
0x1e9: {  	s13 =	sshll.u32 s13, $0x4;
	s15 =	sadd.s32 s5, s15  }
0x1ea: {  	[tilespmem:s11], [sflag:$0x1] =	stream.linear.gather [hbm4b:s15+s3], $0x50, $0x38;
	[tilespmem:$0x1DC80] =	vst v63  }
0x1eb: {  	s13 =	sadd.s32 s7, s13  }
0x1ec: {  	[tilespmem:s9], [sflag:$0x1] =	stream.linear.gather [hbm4b:s13+s3], $0x2800, $0x38;
	[tilespmem:$0x1DC80] =	vst v63  }
0x1ed: {  	_ =	swait.ge [sflag:s22], $0x2800  }
0x1ee: {  	s16 =	rddreg [dreg:$0x13]  }
0x1ef: {  	s13 =	sadd.s32 s12, s16  }
0x1f0: {  	[sflag:s22] =	ssyncset.done $0x0;
	s19 =	sshrl.u32 s13, $0x3  }
0x1f1: {  	s18 =	simm.s32 $0x80;
	[sflag:s22] =	ssyncadd.s32 $0xFFFFD800;
	s11 =	sadd.s32 s4, s19  }
0x1f2: {  	[tilespmem:s18], [sflag:$0x2] =	stream.linear.gather [hbm4b:s11+s3], $0x50, $0x38;
	[tilespmem:$0x1DC80] =	vst v63  }
0x1f3: {  	s13 =	sshll.u32 s13, $0x4;
	s15 =	sadd.s32 s5, s19;
	s18 =	simm.s32 $0x280  }
0x1f4: {  	[tilespmem:s18], [sflag:$0x2] =	stream.linear.gather [hbm4b:s15+s3], $0x50, $0x38;
	[tilespmem:$0x1DC80] =	vst v63  }
0x1f5: {  	s16 =	simm.s32 $0x2C00;
	s13 =	sadd.s32 s7, s13  }
0x1f6: {  	[tilespmem:s16], [sflag:$0x2] =	stream.linear.gather [hbm4b:s13+s3], $0x2800, $0x38;
	[tilespmem:$0x1DC80] =	vst v63  }
0x1f7: {  	_ =	swait.ge [sflag:s23], $0x2800  }
0x1f8: {  	s19 =	rddreg [dreg:$0x14]  }
0x1f9: {  	s13 =	sadd.s32 s12, s19  }
0x1fa: {  	[sflag:s23] =	ssyncset.done $0x0;
	s15 =	sshrl.u32 s13, $0x3  }
0x1fb: {  	[sflag:s23] =	ssyncadd.s32 $0xFFFFD800;
	s19 =	simm.s32 $0x100;
	s11 =	sadd.s32 s4, s15  }
0x1fc: {  	[tilespmem:s19], [sflag:$0x3] =	stream.linear.gather [hbm4b:s11+s3], $0x50, $0x38;
	[tilespmem:$0x1DC80] =	vst v63  }
0x1fd: {  	s13 =	sshll.u32 s13, $0x4;
	s15 =	sadd.s32 s5, s15;
	s19 =	simm.s32 $0x300  }
0x1fe: {  	[tilespmem:s19], [sflag:$0x3] =	stream.linear.gather [hbm4b:s15+s3], $0x50, $0x38;
	[tilespmem:$0x1DC80] =	vst v63  }
0x1ff: {  	s13 =	sadd.s32 s7, s13  }
0x200: {  	[tilespmem:s17], [sflag:$0x3] =	stream.linear.gather [hbm4b:s13+s3], $0x2800, $0x38;
	[tilespmem:$0x1DC80] =	vst v63  }
0x201: {  	_ =	swait.ge [sflag:s24], $0x2800  }
0x202: {  	s15 =	rddreg [dreg:$0x15]  }
0x203: {  	s12 =	sadd.s32 s12, s15  }
0x204: {  	[sflag:s24] =	ssyncset.done $0x0;
	s13 =	sshrl.u32 s12, $0x3  }
0x205: {  	s11 =	simm.s32 $0x180;
	[sflag:s24] =	ssyncadd.s32 $0xFFFFD800;
	s15 =	sadd.s32 s4, s13  }
0x206: {  	[tilespmem:s11], [sflag:$0x4] =	stream.linear.gather [hbm4b:s15+s3], $0x50, $0x38;
	[tilespmem:$0x1DC80] =	vst v63  }
.Ltmp6:
0x207: {  	s25 =	sadd.s32 $0x1, s25;
	s12 =	sshll.u32 s12, $0x4;
	(pc) =	sbr.rel .LBB2_4-.Ltmp6, $4  }
0x208: {  	s16 =	simm.s32 $0x80;
	s13 =	sadd.s32 s5, s13;
	s12 =	sadd.s32 s7, s12  }
0x209: {  	[tilespmem:s14], [sflag:$0x4] =	stream.linear.gather [hbm4b:s13+s3], $0x50, $0x38;
	[tilespmem:$0x1DC80] =	vst v63  }
0x20a: {  	s15 =	simm.s32 $0x180;
	s14 =	simm.s32 $0x2C00;
	s13 =	simm.s32 $0x100  }
0x20b: {  	[tilespmem:s20], [sflag:$0x4] =	stream.linear.gather [hbm4b:s12+s3], $0x2800, $0x38;
	[tilespmem:$0x1DC80] =	vst v63  }
.LBB2_14:
0x20c: {  	s12 =	rddreg [dreg:$0x16]  }
0x20d: {  	[tilespmem:s3], [sflag:$0x1] =	stream.linear.gather [hbm4b:s12+s3], $0x50, $0x38;
	[tilespmem:$0x1DC80] =	vst v63  }
0x20e: {  	s16 =	rddreg [dreg:$0x17]  }
0x20f: {  	[tilespmem:s11], [sflag:$0x1] =	stream.linear.gather [hbm4b:s16+s3], $0x50, $0x38;
	[tilespmem:$0x1DC80] =	vst v63  }
0x210: {  	s25 =	rddreg [dreg:$0x18]  }
0x211: {  	[tilespmem:s9], [sflag:$0x1] =	stream.linear.gather [hbm4b:s25+s3], $0x2800, $0x38;
	[tilespmem:$0x1DC80] =	vst v63  }
0x212: {  	_ =	swait.ge [sflag:s22], $0x2800  }
0x213: {  	[sflag:s22] =	ssyncset.done $0x0  }
0x214: {  	[sflag:s22] =	ssyncadd.s32 $0xFFFFD800  }
0x215: {  	_ =	swait.ge [sflag:s23], $0x2800  }
0x216: {  	[sflag:s23] =	ssyncset.done $0x0  }
0x217: {  	[sflag:s23] =	ssyncadd.s32 $0xFFFFD800  }
0x218: {  	_ =	swait.ge [sflag:s24], $0x2800  }
0x219: {  	[sflag:s24] =	ssyncset.done $0x0  }
0x21a: {  	[sflag:s24] =	ssyncadd.s32 $0xFFFFD800  }
0x21b: {  	_ =	swait.ge [sflag:s21], $0x50  }
0x21c: {  	[sflag:s21] =	ssyncset.done $0x0  }
0x21d: {  	[sflag:s21] =	ssyncadd.s32 $0xFFFFFFB0  }
0x21e: {  	_ =	swait.ge [sflag:s21], $0x50  }
0x21f: {  	[sflag:s21] =	ssyncset.done $0x0  }
0x220: {  	[sflag:s21] =	ssyncadd.s32 $0xFFFFFFB0  }
0x221: {  	_ =	swait.ge [sflag:s21], $0x2800  }
0x222: {  	[sflag:s21] =	ssyncset.done $0x0  }
0x223: {  	[sflag:s21] =	ssyncadd.s32 $0xFFFFD800  }
0x224: {  	[tilespmem:s9], [sflag:$0x5] =	stream.indirect.gather.add.f32 [hbm:s1], $0x80, s3, s26, $0xb8;
	[tilespmem:$0x1DC80] =	vst v63  }
0x225: {  	_ =	swait.ge [sflag:s31], $0x2800  }
0x226: {  	[sflag:s31] =	ssyncset.done $0x0  }
0x227: {  	s12 =	simm.s32 $0x500;
	[sflag:s31] =	ssyncadd.s32 $0xFFFFD800  }
0x228: {  	v1 =	vld [tilespmem:s12+$0xFFFFFF10]  }
0x229: {  	v7 =	vld [tilespmem:s12+$0xF0]  }
0x22a: {  	v2 =	vld [tilespmem:s12+$0xFFFFFF20]  }
0x22b: {  	v8 =	vld [tilespmem:s12+$0xFFFFFF80]  }
0x22c: {  	v3 =	vld [tilespmem:s12+$0xFFFFFF30]  }
0x22d: {  	v9 =	vld [tilespmem:s12+$0xFFFFFF90];
	v1 =	vmax.f32 v1, $0.0e+00  }
0x22e: {  	v4 =	vld [tilespmem:s12+$0xFFFFFF40];
	v7 =	vmax.f32 v7, $0.0e+00;
	[tilespmem:s12+$0xFFFFFF10] =	vst v1  }
0x22f: {  	v5 =	vld [tilespmem:s12+$0xFFFFFF50];
	v2 =	vmax.f32 v2, $0.0e+00;
	[tilespmem:s12+$0xF0] =	vst v7  }
0x230: {  	v6 =	vld [tilespmem:s12+$0xFFFFFF60];
	[tilespmem:s12+$0xFFFFFF20] =	vst v2;
	v2 =	vmax.f32 v8, $0.0e+00  }
0x231: {  	v1 =	vld [tilespmem:s12+$0xFFFFFF70];
	[tilespmem:s12+$0xFFFFFF80] =	vst v2;
	v2 =	vmax.f32 v3, $0.0e+00  }
0x232: {  	v10 =	vld [tilespmem:s12+$0xFFFFFFA0];
	[tilespmem:s12+$0xFFFFFF30] =	vst v2;
	v2 =	vmax.f32 v9, $0.0e+00  }
0x233: {  	v11 =	vld [tilespmem:s12+$0xFFFFFFB0];
	[tilespmem:s12+$0xFFFFFF90] =	vst v2;
	v2 =	vmax.f32 v4, $0.0e+00  }
0x234: {  	v7 =	vld [tilespmem:s12+$0xFFFFFFC0];
	[tilespmem:s12+$0xFFFFFF40] =	vst v2;
	v2 =	vmax.f32 v5, $0.0e+00  }
0x235: {  	v5 =	vld [tilespmem:s12+$0x0];
	[tilespmem:s12+$0xFFFFFF50] =	vst v2;
	v2 =	vmax.f32 v6, $0.0e+00  }
0x236: {  	v8 =	vld [tilespmem:s12+$0xFFFFFFD0];
	v1 =	vmax.f32 v1, $0.0e+00;
	[tilespmem:s12+$0xFFFFFF60] =	vst v2  }
0x237: {  	v2 =	vld [tilespmem:s12+$0x10];
	[tilespmem:s12+$0xFFFFFF70] =	vst v1;
	v1 =	vmax.f32 v10, $0.0e+00  }
0x238: {  	v3 =	vld [tilespmem:s12+$0xFFFFFFE0];
	[tilespmem:s12+$0xFFFFFFA0] =	vst v1;
	v1 =	vmax.f32 v11, $0.0e+00  }
0x239: {  	v4 =	vld [tilespmem:s12+$0xFFFFFFF0];
	[tilespmem:s12+$0xFFFFFFB0] =	vst v1;
	v1 =	vmax.f32 v7, $0.0e+00  }
0x23a: {  	v6 =	vld [tilespmem:s12+$0x20];
	[tilespmem:s12+$0xFFFFFFC0] =	vst v1;
	v1 =	vmax.f32 v5, $0.0e+00  }
0x23b: {  	v5 =	vld [tilespmem:s12+$0x50];
	[tilespmem:s12+$0x0] =	vst v1;
	v1 =	vmax.f32 v8, $0.0e+00  }
0x23c: {  	v63 =	vld [tilespmem:s12+$0x30];
	[tilespmem:s12+$0xFFFFFFD0] =	vst v1;
	v1 =	vmax.f32 v2, $0.0e+00  }
0x23d: {  	v7 =	vld [tilespmem:s12+$0x40];
	[tilespmem:s12+$0x10] =	vst v1;
	v1 =	vmax.f32 v3, $0.0e+00  }
0x23e: {  	v2 =	vld [tilespmem:s12+$0x60];
	[tilespmem:s12+$0xFFFFFFE0] =	vst v1;
	v1 =	vmax.f32 v4, $0.0e+00  }
0x23f: {  	v3 =	vld [tilespmem:s12+$0x80];
	[tilespmem:s12+$0xFFFFFFF0] =	vst v1;
	v1 =	vmax.f32 v6, $0.0e+00  }
0x240: {  	v4 =	vld [tilespmem:s12+$0x70];
	v5 =	vmax.f32 v5, $0.0e+00;
	[tilespmem:s12+$0x20] =	vst v1  }
0x241: {  	v6 =	vld [tilespmem:s12+$0x90];
	v1 =	vmax.f32 v63, $0.0e+00;
	[tilespmem:s12+$0x50] =	vst v5  }
0x242: {  	[tilespmem:s12+$0x30] =	vst v1;
	v1 =	vmax.f32 v7, $0.0e+00;
	v7 =	vld [tilespmem:s12+$0xA0]  }
0x243: {  	v5 =	vmax.f32 v2, $0.0e+00;
	[tilespmem:s12+$0x40] =	vst v1;
	v1 =	vld [tilespmem:s12+$0xB0]  }
0x244: {  	v2 =	vld [tilespmem:s12+$0xC0];
	[tilespmem:s12+$0x60] =	vst v5;
	v5 =	vmax.f32 v3, $0.0e+00  }
0x245: {  	v3 =	vld [tilespmem:s12+$0xD0];
	v4 =	vmax.f32 v4, $0.0e+00;
	[tilespmem:s12+$0x80] =	vst v5  }
0x246: {  	[tilespmem:s12+$0x70] =	vst v4;
	v6 =	vmax.f32 v6, $0.0e+00;
	v4 =	vld [tilespmem:s12+$0xE0]  }
0x247: {  	s13 =	simm.s32 $0x0;
	s15 =	simm.s32 $0x700;
	v5 =	vld [tilespmem:s12+$0xFFFFFF00];
	[tilespmem:s12+$0x90] =	vst v6;
	v6 =	vmax.f32 v7, $0.0e+00  }
.LBB2_15:
0x248: {  	v7 =	vld [tilespmem:s15+$0xF0];
	s13 =	sadd.s32 $0x4, s13;
	[tilespmem:s12+$0xA0] =	vst v6;
	v1 =	vmax.f32 v1, $0.0e+00  }
0x249: {  	v6 =	vld [tilespmem:s15+$0xFFFFFF10];
	p1 =	slt.u32 s13, $0x4C;
	[tilespmem:s12+$0xB0] =	vst v1;
	v1 =	vmax.f32 v2, $0.0e+00  }
0x24a: {  	v2 =	vld [tilespmem:s15+$0xFFFFFF20];
	[tilespmem:s12+$0xC0] =	vst v1;
	v1 =	vmax.f32 v3, $0.0e+00  }
0x24b: {  	v3 =	vld [tilespmem:s15+$0xFFFFFF30];
	[tilespmem:s12+$0xD0] =	vst v1;
	v1 =	vmax.f32 v4, $0.0e+00  }
0x24c: {  	v4 =	vld [tilespmem:s15+$0xFFFFFF40];
	v5 =	vmax.f32 v5, $0.0e+00;
	[tilespmem:s12+$0xE0] =	vst v1  }
0x24d: {  	v1 =	vld [tilespmem:s15+$0xFFFFFF50];
	v7 =	vmax.f32 v7, $0.0e+00;
	[tilespmem:s12+$0xFFFFFF00] =	vst v5;
	s12 =	smov.u32 s15  }
0x24e: {  	v5 =	vmax.f32 v6, $0.0e+00;
	v6 =	vld [tilespmem:s15+$0xFFFFFF60];
	[tilespmem:s15+$0xF0] =	vst v7  }
0x24f: {  	[tilespmem:s15+$0xFFFFFF10] =	vst v5;
	v2 =	vmax.f32 v2, $0.0e+00;
	v5 =	vld [tilespmem:s15+$0xFFFFFF70]  }
0x250: {  	[tilespmem:s15+$0xFFFFFF20] =	vst v2;
	v2 =	vmax.f32 v3, $0.0e+00;
	v3 =	vld [tilespmem:s15+$0xFFFFFF80]  }
0x251: {  	[tilespmem:s15+$0xFFFFFF30] =	vst v2;
	v2 =	vmax.f32 v4, $0.0e+00;
	v4 =	vld [tilespmem:s15+$0xFFFFFF90]  }
0x252: {  	[tilespmem:s15+$0xFFFFFF40] =	vst v2;
	v1 =	vmax.f32 v1, $0.0e+00;
	v2 =	vld [tilespmem:s15+$0xFFFFFFA0]  }
0x253: {  	[tilespmem:s15+$0xFFFFFF50] =	vst v1;
	v1 =	vmax.f32 v6, $0.0e+00;
	v6 =	vld [tilespmem:s15+$0xFFFFFFB0]  }
0x254: {  	[tilespmem:s15+$0xFFFFFF60] =	vst v1;
	v1 =	vmax.f32 v5, $0.0e+00;
	v5 =	vld [tilespmem:s15+$0xFFFFFFC0]  }
0x255: {  	[tilespmem:s15+$0xFFFFFF70] =	vst v1;
	v1 =	vmax.f32 v3, $0.0e+00;
	v3 =	vld [tilespmem:s15+$0xFFFFFFD0]  }
0x256: {  	[tilespmem:s15+$0xFFFFFF80] =	vst v1;
	v1 =	vmax.f32 v4, $0.0e+00;
	v4 =	vld [tilespmem:s15+$0xFFFFFFE0]  }
0x257: {  	[tilespmem:s15+$0xFFFFFF90] =	vst v1;
	v1 =	vmax.f32 v2, $0.0e+00;
	v2 =	vld [tilespmem:s15+$0xFFFFFFF0]  }
0x258: {  	[tilespmem:s15+$0xFFFFFFA0] =	vst v1;
	v1 =	vmax.f32 v6, $0.0e+00;
	v6 =	vld [tilespmem:s15+$0x0]  }
0x259: {  	[tilespmem:s15+$0xFFFFFFB0] =	vst v1;
	v1 =	vmax.f32 v5, $0.0e+00;
	v5 =	vld [tilespmem:s15+$0x10]  }
0x25a: {  	[tilespmem:s15+$0xFFFFFFC0] =	vst v1;
	v1 =	vmax.f32 v3, $0.0e+00;
	v3 =	vld [tilespmem:s15+$0x20]  }
0x25b: {  	[tilespmem:s15+$0xFFFFFFD0] =	vst v1;
	v1 =	vmax.f32 v4, $0.0e+00;
	v4 =	vld [tilespmem:s15+$0x30]  }
0x25c: {  	[tilespmem:s15+$0xFFFFFFE0] =	vst v1;
	v1 =	vmax.f32 v2, $0.0e+00;
	v2 =	vld [tilespmem:s15+$0x40]  }
0x25d: {  	[tilespmem:s15+$0xFFFFFFF0] =	vst v1;
	v1 =	vmax.f32 v6, $0.0e+00;
	v6 =	vld [tilespmem:s15+$0x50]  }
0x25e: {  	[tilespmem:s15+$0x0] =	vst v1;
	v1 =	vmax.f32 v5, $0.0e+00;
	v5 =	vld [tilespmem:s15+$0x60]  }
0x25f: {  	[tilespmem:s15+$0x10] =	vst v1;
	v1 =	vmax.f32 v3, $0.0e+00;
	v3 =	vld [tilespmem:s15+$0x70]  }
0x260: {  	[tilespmem:s15+$0x20] =	vst v1;
	v1 =	vmax.f32 v4, $0.0e+00;
	v4 =	vld [tilespmem:s15+$0x80]  }
0x261: {  	[tilespmem:s15+$0x30] =	vst v1;
	v1 =	vmax.f32 v2, $0.0e+00;
	v7 =	vld [tilespmem:s15+$0x90]  }
0x262: {  	[tilespmem:s15+$0x40] =	vst v1;
	v1 =	vmax.f32 v6, $0.0e+00;
	v6 =	vld [tilespmem:s15+$0xA0]  }
.Ltmp7:
0x263: {  	[tilespmem:s15+$0x50] =	vst v1;
	v2 =	vmax.f32 v5, $0.0e+00;
	v1 =	vld [tilespmem:s15+$0xB0];
	(pc) =	sbr.rel @p1 .LBB2_15-.Ltmp7, $4  }
0x264: {  	[tilespmem:s15+$0x60] =	vst v2;
	v3 =	vmax.f32 v3, $0.0e+00;
	v2 =	vld [tilespmem:s15+$0xC0]  }
0x265: {  	[tilespmem:s15+$0x70] =	vst v3;
	v4 =	vmax.f32 v4, $0.0e+00;
	v3 =	vld [tilespmem:s15+$0xD0]  }
0x266: {  	[tilespmem:s15+$0x80] =	vst v4;
	v7 =	vmax.f32 v7, $0.0e+00;
	v4 =	vld [tilespmem:s15+$0xE0]  }
0x267: {  	s15 =	sadd.s32 $0x200, s15;
	v5 =	vld [tilespmem:s12+$0xFFFFFF00];
	[tilespmem:s12+$0x90] =	vst v7;
	v6 =	vmax.f32 v6, $0.0e+00  }
0x268: {  	[tilespmem:s12+$0xA0] =	vst v6;
	v1 =	vmax.f32 v1, $0.0e+00  }
0x269: {  	[tilespmem:s12+$0xB0] =	vst v1;
	v1 =	vmax.f32 v2, $0.0e+00  }
0x26a: {  	[tilespmem:s12+$0xC0] =	vst v1;
	v1 =	vmax.f32 v3, $0.0e+00  }
0x26b: {  	[tilespmem:s12+$0xD0] =	vst v1;
	v1 =	vmax.f32 v4, $0.0e+00  }
0x26c: {  	v2 =	vmax.f32 v5, $0.0e+00;
	[tilespmem:s12+$0xE0] =	vst v1  }
0x26d: {  	[tilespmem:s12+$0xFFFFFF00] =	vst v2  }
0x26e: {  	[spmem:s2] =	stream.indirect.scatter.add.f32 [tilespmem:s9], [sflag:$0x9], $0x80, s11, s26, $0xb8;
	[tilespmem:$0x1DC80] =	vst v63  }
0x26f: {  	_ =	swait.ge [sflag:s10], $0x2800  }
0x270: {  	[sflag:s10] =	ssyncset.done $0x0  }
0x271: {  	[sflag:s10] =	ssyncadd.s32 $0xFFFFD800  }
0x272: {  	s13 =	stileid.u32;
	[bflag:$0x0] =	sbarrier.arrive $0xFFFF  }
0x273: {  	s14 =	simm.s32 $0xD;
	s12 =	sshll.u32 s13, $0x6;
	s15 =	rddreg [dreg:$0x4]  }
0x274: {  	s12 =	sor.u32 $0x1C0D, s12;
	s16 =	rddreg [dreg:$0x11];
	s13 =	sshrl.u32 s15, $0x3  }
0x275: {  	[hbm:s16], [sflag:s12] =	dma.local [spmem:s13], $0x2700  }
0x276: {  	_ =	swait.ge [sflag:s14], $0x2700  }
0x277: {  	[sflag:s14] =	ssyncset.done $0x0;
	s25 =	rddreg [dreg:$0x1c]  }
0x278: {  	s16 =	rddreg [dreg:$0x19];
	[sflag:s14] =	ssyncadd.s32 $0xFFFFD900;
	s13 =	sshrl.u32 @!p0 s25, $0x3  }
0x279: {  	[hbm:s16], [sflag:s12] =	dma.local @!p0 [spmem:s13], $0x100  }
0x27a: {  	s12 =	simm.s32 @!p0 $0xD  }
0x27b: {  	_ =	swait.ge @!p0 [sflag:s12], $0x100  }
0x27c: {  	s14 =	rddreg [dreg:$0x1d]  }
0x27d: {  	s16 =	rddreg [dreg:$0x1a];
	s14 =	sadd.s32 $0x1, s14  }
0x27e: {  	p1 =	sne.s32 s14, s16  }
.Ltmp8:
0x27f: {  	_ = 	snop;
	(pc) =	sbr.rel @p1 .LBB2_1-.Ltmp8, $4  }
0x280: {  	_ = 	snop  }
0x281: {  	[sflag:s12] =	ssyncset.done @!p0 $0x0  }
0x282: {  	[sflag:s12] =	ssyncadd.s32 @!p0 $0xFFFFFF00  }
0x283: {  	[dreg:$0x1d] =	wrdreg s14;
	s16 =	simm.s32 $0x80;
	s14 =	simm.s32 $0x2C00  }
0x284: {  	_ =	sfence.sel $0x180000  }
0x285: {  	[bflag:$0x0] =	sbarrier.arrive $0xFFFF  }
0x286: {  	_ =	strace $0x90000047  }
0x287: {  	[bflag:$0x2] =	sbarrier.arrive $0xFFFF  }
0x288: {  	s0 =	rddreg [dreg:$0x3]  }
0x289: {  	s0 =	sadd.s32 @!p0 $0x100000, s0  }
0x28a: {  	[sflag:s0] =	ssyncadd.tile.s32 @!p0 $0x1;
	_ =	shalt  }
.Lfunc_end2:
_tile_overlayer_lowered:
.L_overlay_start_2:
0x28b: {  	(tag) =	ssettag $0x2  }
0x28c: {  	s0 =	rddreg [dreg:$0x0];
	s2 =	stileid.u32  }
0x28d: {  	s1 =	rddreg [dreg:$0x1];
	p0 =	sne.s32 s2, $0x0  }
0x28e: {  	s3 =	rddreg [dreg:$0x2];
	[bflag:$0x3] =	sbarrier.arrive $0xFFFF;
	s2 =	simm.s32 @!p0 $0x1C0D  }
0x28f: {  	[timem:s3], [sflag:s2] =	dma.local @!p0 [hbm:s0], s1  }
0x290: {  	s0 =	simm.s32 @!p0 $0xD  }
0x291: {  	_ =	swait.ge @!p0 [sflag:s0], s1  }
0x292: {  	s1 =	ssub.s32 @!p0 $0x0, s1;
	[sflag:s0] =	ssyncset.done @!p0 $0x0  }
0x293: {  	[sflag:s0] =	ssyncadd.s32 @!p0 s1  }
0x294: {  	[bflag:$0x3] =	sbarrier.arrive $0xFFFF  }
0x295: {  	_ =	shalt  }

</sc_bundles>
